<compile_context>
chip_gen: v7x
topology: tpu7x:2x2x1
jax: 0.10.2.dev20260603
libtpu: 0.0.44.dev20260713+nightly
codegen_flags: <defaults>
</compile_context>

<pallas_src>
import functools

import jax
import jax.numpy as jnp
from jax import lax
from jax.experimental import pallas as pl
from jax.experimental.pallas import tpu as pltpu
from jax.experimental.pallas import tpu_sc as plsc

NC = 2
NS = 16
L = 16
CH = 128


def _coeff_body(rt_ref, at_ref, wr0t_ref, wr1t_ref, wattr_ref, o_ref, *, cb):
    ht = jax.nn.swish(jnp.dot(wr0t_ref[...], rt_ref[...],
                              preferred_element_type=jnp.float32))
    be = rt_ref.shape[1]
    wattr = wattr_ref[...]
    wr1t = wr1t_ref[...]
    for k in range(be // cb):
        lo, hi = k * cb, (k + 1) * cb
        radt = jnp.dot(wr1t, ht[:, lo:hi], preferred_element_type=jnp.float32)
        amt = jnp.dot(wattr, at_ref[:, lo:hi], preferred_element_type=jnp.float32)
        o_ref[lo:hi, :] = (radt * amt).T


def _coeff(radial, attrs, W_r0, W_r1, W_attr, be):
    e, r_dim = radial.shape
    de = attrs.shape[1]
    d = W_r1.shape[1]
    rt = radial.T
    at = attrs.T
    return pl.pallas_call(
        functools.partial(_coeff_body, cb=256),
        grid=(e // be,),
        in_specs=[
            pl.BlockSpec((r_dim, be), lambda i: (0, i)),
            pl.BlockSpec((de, be), lambda i: (0, i)),
            pl.BlockSpec((r_dim, r_dim), lambda i: (0, 0)),
            pl.BlockSpec((d, r_dim), lambda i: (0, 0)),
            pl.BlockSpec((d, de), lambda i: (0, 0)),
        ],
        out_specs=pl.BlockSpec((be, d), lambda i: (i, 0)),
        out_shape=jax.ShapeDtypeStruct((e, d), jnp.float32),
    )(rt, at, W_r0.T, W_r1.T, W_attr)


def _matmul_body(x_ref, w_ref, o0_ref, o1_ref):
    res = jnp.dot(x_ref[...], w_ref[...], preferred_element_type=jnp.float32)
    half = res.shape[1] // 2
    o0_ref[...] = res[:, :half]
    o1_ref[...] = res[:, half:]


def _in_linear(nf, W_in, bn):
    n, d = nf.shape
    dh = d // 2
    return pl.pallas_call(
        _matmul_body,
        grid=(n // bn,),
        in_specs=[
            pl.BlockSpec((bn, d), lambda i: (i, 0)),
            pl.BlockSpec((d, d), lambda i: (0, 0)),
        ],
        out_specs=[pl.BlockSpec((bn, dh), lambda i: (i, 0)),
                   pl.BlockSpec((bn, dh), lambda i: (i, 0))],
        out_shape=[jax.ShapeDtypeStruct((n, dh), jnp.float32),
                   jax.ShapeDtypeStruct((n, dh), jnp.float32)],
    )(nf, W_in)


def _make_sc_conv(n, dh, ep, e_real, col):
    nw = NC * NS
    per_tile = ep // nw
    n_chunks = per_tile // CH
    rows_per_sid = n // NS
    zblocks = [(o, min(CH, rows_per_sid - o)) for o in range(0, rows_per_sid, CH)]
    mesh = plsc.VectorSubcoreMesh(core_axis_name="c", subcore_axis_name="s")

    @functools.partial(
        pl.kernel,
        out_type=jax.ShapeDtypeStruct((NC, n, dh), jnp.float32),
        mesh=mesh,
        compiler_params=pltpu.CompilerParams(use_tc_tiling_on_sc=False),
        scratch_types=[
            pltpu.VMEM((n_chunks, CH), jnp.int32),
            pltpu.VMEM((n_chunks, CH), jnp.int32),
            pltpu.VMEM((CH, dh), jnp.float32),
            pltpu.VMEM((CH, dh), jnp.float32),
            pltpu.VMEM((CH, dh), jnp.float32),
            pltpu.VMEM((CH, dh), jnp.float32),
            pltpu.VMEM_SHARED((n, dh), jnp.float32),
            pltpu.SemaphoreType.DMA,
            pltpu.SemaphoreType.DMA,
            pltpu.SemaphoreType.DMA,
            pltpu.SemaphoreType.DMA,
        ],
    )
    def sc_conv(x_hbm, coeff_hbm, send_hbm, recv_hbm, out_hbm,
                sidx_v, ridx_v, rows0, rows1, coef0, coef1, agg_sh,
                gs0, gs1, cs0, cs1):
        cid = lax.axis_index("c")
        sid = lax.axis_index("s")
        wid = cid * NS + sid
        base = wid * per_tile
        nrc = jnp.clip((e_real - base + CH - 1) // CH, 0, n_chunks)

        def zrow(j, c2):
            for k in range(dh // L):
                rows0[j, pl.ds(k * L, L)] = jnp.zeros((L,), jnp.float32)
            return c2
        lax.fori_loop(0, CH, zrow, 0)
        for zo, zs in zblocks:
            pltpu.sync_copy(rows0.at[pl.ds(0, zs)],
                            agg_sh.at[pl.ds(sid * rows_per_sid + zo, zs)])
        plsc.subcore_barrier()

        pltpu.sync_copy(send_hbm.at[pl.ds(wid * n_chunks, n_chunks), :], sidx_v)
        pltpu.sync_copy(recv_hbm.at[pl.ds(wid * n_chunks, n_chunks), :], ridx_v)

        def issue(t, rows, coef, gsem, csem):
            off = base + t * CH
            pltpu.async_copy(coeff_hbm.at[pl.ds(off, CH), pl.ds(col, dh)], coef, csem)
            pltpu.async_copy(x_hbm.at[sidx_v.at[t]], rows, gsem)

        def process(t, rows, coef, gsem, csem):
            pltpu.make_async_copy(coeff_hbm.at[pl.ds(0, CH), pl.ds(col, dh)], coef, csem).wait()
            pltpu.make_async_copy(x_hbm.at[sidx_v.at[0]], rows, gsem).wait()

            def row(j, c2):
                for k in range(dh // L):
                    sl = pl.ds(k * L, L)
                    rows[j, sl] = rows[j, sl] * coef[j, sl]
                return c2
            lax.fori_loop(0, CH, row, 0)
            pltpu.sync_copy(rows, agg_sh.at[ridx_v.at[t]], add=True)

        @pl.when(nrc > 0)
        def _():
            issue(0, rows0, coef0, gs0, cs0)

        def pair(u, carry):
            c = 2 * u

            @pl.when(c + 1 < nrc)
            def _():
                issue(c + 1, rows1, coef1, gs1, cs1)

            @pl.when(c < nrc)
            def _():
                process(c, rows0, coef0, gs0, cs0)

            @pl.when(c + 2 < nrc)
            def _():
                issue(c + 2, rows0, coef0, gs0, cs0)

            @pl.when(c + 1 < nrc)
            def _():
                process(c + 1, rows1, coef1, gs1, cs1)
            return carry

        lax.fori_loop(0, (n_chunks + 1) // 2, pair, 0)
        plsc.subcore_barrier()

        pltpu.sync_copy(agg_sh.at[pl.ds(sid * rows_per_sid, rows_per_sid)],
                        out_hbm.at[cid, pl.ds(sid * rows_per_sid, rows_per_sid)])

    return sc_conv


def _out_body(p0_ref, p1_ref, nf_ref, sp_ref, wout_ref, wsc_ref, o_ref, *,
              inv_sqrt_neigh, s, dh):
    agg0 = (p0_ref[0] + p0_ref[1]) * inv_sqrt_neigh
    agg1 = (p1_ref[0] + p1_ref[1]) * inv_sqrt_neigh
    out = (jnp.dot(agg0, wout_ref[pl.ds(0, dh), :], preferred_element_type=jnp.float32)
           + jnp.dot(agg1, wout_ref[pl.ds(dh, dh), :], preferred_element_type=jnp.float32))
    nf = nf_ref[...]
    sp = sp_ref[...]
    sc = jnp.zeros_like(out)
    for k in range(s):
        cand = jnp.dot(nf, wsc_ref[k], preferred_element_type=jnp.float32)
        sc = jnp.where(sp == k, cand, sc)
    z = out + sc
    o_ref[...] = z * jax.nn.sigmoid(z)


def _finalize(p0, p1, nf, species2d, W_out, W_sc, inv_sqrt_neigh, bn):
    n, d = nf.shape
    dh = d // 2
    s = W_sc.shape[0]
    body = functools.partial(_out_body, inv_sqrt_neigh=inv_sqrt_neigh, s=s, dh=dh)
    return pl.pallas_call(
        body,
        grid=(n // bn,),
        in_specs=[
            pl.BlockSpec((NC, bn, dh), lambda i: (0, i, 0)),
            pl.BlockSpec((NC, bn, dh), lambda i: (0, i, 0)),
            pl.BlockSpec((bn, d), lambda i: (i, 0)),
            pl.BlockSpec((bn, 1), lambda i: (i, 0)),
            pl.BlockSpec((d, d), lambda i: (0, 0)),
            pl.BlockSpec((s, d, d), lambda i: (0, 0, 0)),
        ],
        out_specs=pl.BlockSpec((bn, d), lambda i: (i, 0)),
        out_shape=jax.ShapeDtypeStruct((n, d), jnp.float32),
    )(p0, p1, nf, species2d, W_out, W_sc)


def kernel(node_features, edge_attributes, radial_embeddings, senders,
           receivers, species, W_in, W_r0, W_r1, W_attr, W_out, W_sc):
    n, d = node_features.shape
    e = senders.shape[0]
    avg_neigh = 32.0

    nw = NC * NS
    gran = nw * CH
    ep = ((e + gran - 1) // gran) * gran
    pad = ep - e
    send_p = jnp.pad(senders.astype(jnp.int32), (0, pad)).reshape(ep // CH, CH)
    recv_p = jnp.pad(receivers.astype(jnp.int32), (0, pad)).reshape(ep // CH, CH)

    coeff = _coeff(radial_embeddings, edge_attributes, W_r0, W_r1, W_attr, be=6400)
    x0, x1 = _in_linear(node_features, W_in, bn=1000)

    ngran = NS * 8
    npad = ((n + ngran - 1) // ngran) * ngran
    p0 = _make_sc_conv(npad, d // 2, ep, e, 0)(x0, coeff, send_p, recv_p)
    p1 = _make_sc_conv(npad, d // 2, ep, e, d // 2)(x1, coeff, send_p, recv_p)

    species2d = species.astype(jnp.int32).reshape(n, 1)
    return _finalize(p0, p1, node_features, species2d, W_out, W_sc,
                     1.0 / (avg_neigh ** 0.5), bn=1000)

# --- scband reference (transcript-rebuilt; emitter-appended) ---
"""Pipeline reference for scband-nequip-layer-35244501631524 (READ-ONLY COPY).

The authoritative reference and input builder live on the scoring server;
editing this copy changes nothing except your own understanding.
"""

import jax, jax.numpy as jnp
import numpy as np

N = 10000      # nodes
E = 320000     # edges
D = 128        # feature channels (128x0e)
DE = 16        # edge attribute dim (spherical harmonics l<=3)
R = 8          # radial embedding dim
S = 4          # num_species
AVG_NEIGH = 32.0


def setup_inputs(seed: int = 0) -> dict:
    key = jax.random.key(seed)
    ks = jax.random.split(key, 12)
    node_features = jax.random.normal(ks[0], (N, D), dtype=jnp.float32)
    edge_attributes = jax.random.normal(ks[1], (E, DE), dtype=jnp.float32)
    radial_embeddings = jax.random.uniform(ks[2], (E, R), dtype=jnp.float32)
    senders = jax.random.randint(ks[3], (E,), 0, N)
    receivers = jax.random.randint(ks[4], (E,), 0, N)
    species = jax.random.randint(ks[5], (N,), 0, S)
    # learned parameters of the interaction block
    W_in = (jax.random.normal(ks[6], (D, D), dtype=jnp.float32) / np.sqrt(D))
    W_r0 = (jax.random.normal(ks[7], (R, R), dtype=jnp.float32) / np.sqrt(R))   # radial MLP hidden
    W_r1 = (jax.random.normal(ks[8], (R, D), dtype=jnp.float32) / np.sqrt(R))   # radial MLP -> per-channel TP weights
    W_attr = (jax.random.normal(ks[9], (D, DE), dtype=jnp.float32) / np.sqrt(DE))  # attr mixing per channel
    W_out = (jax.random.normal(ks[10], (D, D), dtype=jnp.float32) / np.sqrt(D))
    W_sc = (jax.random.normal(ks[11], (S, D, D), dtype=jnp.float32) / np.sqrt(D))  # species-dependent self-connection
    return {
        'node_features': node_features,
        'edge_attributes': edge_attributes,
        'radial_embeddings': radial_embeddings,
        'senders': senders,
        'receivers': receivers,
        'species': species,
        'W_in': W_in, 'W_r0': W_r0, 'W_r1': W_r1,
        'W_attr': W_attr, 'W_out': W_out, 'W_sc': W_sc,
    }


def reference(node_features, edge_attributes, radial_embeddings, senders,
              receivers, species, W_in, W_r0, W_r1, W_attr, W_out, W_sc):
    # --- InteractionBlock (scalar-irrep NequIP convolution) ---
    # 1) input linear on node features
    x = node_features @ W_in                                   # [N, D]
    # 2) radial MLP -> per-edge per-channel tensor-product weights
    h = jax.nn.swish(radial_embeddings @ W_r0)                 # [E, R]
    rad_w = h @ W_r1                                           # [E, D]
    # 3) per-edge message: weighted tensor product of sender features
    #    with edge attributes (attr channels mixed per output channel)
    x_src = jnp.take(x, senders, axis=0)                       # [E, D] gather
    attr_mix = edge_attributes @ W_attr.T                      # [E, D]
    msg = rad_w * x_src * attr_mix                             # [E, D]
    # 4) scatter-add to receivers, normalize by sqrt(avg_num_neighbours)
    agg = jax.ops.segment_sum(msg, receivers, num_segments=N)  # [N, D]
    agg = agg / jnp.sqrt(AVG_NEIGH)
    # 5) output linear
    out = agg @ W_out                                          # [N, D]
    # 6) self-connection: species-dependent linear (FullyConnectedTP with one-hot species)
    sc_all = jnp.einsum('nd,sde->nse', node_features, W_sc)    # [N, S, D]
    sc = jnp.take_along_axis(sc_all, species[:, None, None], axis=1)[:, 0, :]
    # 7) gate/equivariant activation (scalars -> silu)
    new_feats = jax.nn.silu(out + sc)                          # [N, D]
    # resnet=False -> no residual add; graph nodes FEATURES replaced
    return new_feats

if __name__ == "__main__":
    import jax
    _d = setup_inputs()
    print(jax.jit(kernel)(*tuple(_d.values())))

</pallas_src>

<mosaic_0001>
#map = affine_map<(d0, d1) -> (0, 0)>
#map1 = affine_map<(d0, d1) -> (0, 0, 0)>
module attributes {stable_mosaic.version = 14 : i64} {
  func.func @sc_conv(%arg0: i32, %arg1: i32, %arg2: memref<10000x64xf32, #tpu.memory_space<hbm>>, %arg3: memref<320000x128xf32, #tpu.memory_space<hbm>>, %arg4: memref<2528x128xi32, #tpu.memory_space<hbm>>, %arg5: memref<2528x128xi32, #tpu.memory_space<hbm>>, %arg6: memref<2x10112x64xf32, #tpu.memory_space<hbm>>, %arg7: memref<79x128xi32, #tpu.memory_space<vmem>>, %arg8: memref<79x128xi32, #tpu.memory_space<vmem>>, %arg9: memref<128x64xf32, #tpu.memory_space<vmem>>, %arg10: memref<128x64xf32, #tpu.memory_space<vmem>>, %arg11: memref<128x64xf32, #tpu.memory_space<vmem>>, %arg12: memref<128x64xf32, #tpu.memory_space<vmem>>, %arg13: memref<10112x64xf32, #tpu.memory_space<vmem_shared>>, %arg14: memref<!tpu.dma_semaphore, #tpu.memory_space<semaphore_mem>>, %arg15: memref<!tpu.dma_semaphore, #tpu.memory_space<semaphore_mem>>, %arg16: memref<!tpu.dma_semaphore, #tpu.memory_space<semaphore_mem>>, %arg17: memref<!tpu.dma_semaphore, #tpu.memory_space<semaphore_mem>>) attributes {dimension_semantics = [#tpu.dimension_semantics<core_parallel>, #tpu.dimension_semantics<subcore_parallel>], iteration_bounds = array<i64: 2, 16>, scalar_prefetch = 0 : i64, scratch_operands = 11 : i64, tpu.core_type = #tpu.core_type<sc_vector_subcore>, window_params = [{transform_indices = #map}, {transform_indices = #map}, {transform_indices = #map}, {transform_indices = #map}, {transform_indices = #map1}]} {
    %mul3A = arith.constant 16 : i32
    %mul3A_0 = arith.muli %arg0, %mul3A : i32
    %add3A = arith.addi %mul3A_0, %arg1 : i32
    %mul3A_1 = arith.constant 10112 : i32
    %mul3A_2 = arith.muli %add3A, %mul3A_1 : i32
    %sub3A = arith.constant 320000 : i32
    %sub3A_3 = arith.subi %sub3A, %mul3A_2 : i32
    %add3A_4 = arith.constant 128 : i32
    %add3A_5 = arith.addi %sub3A_3, %add3A_4 : i32
    %sub3A_6 = arith.constant 1 : i32
    %sub3A_7 = arith.subi %add3A_5, %sub3A_6 : i32
    %jit3A = arith.constant 128 : i32
    %div3A = arith.divsi %sub3A_7, %jit3A : i32
    %sign3A = arith.constant 0 : i32
    %sign3A_8 = arith.cmpi sgt, %sub3A_7, %sign3A : i32
    %sign3A_9 = arith.extui %sign3A_8 : i1 to i32
    %sign3A_10 = arith.constant 0 : i32
    %sign3A_11 = arith.cmpi slt, %sub3A_7, %sign3A_10 : i32
    %sign3A_12 = arith.extui %sign3A_11 : i1 to i32
    %sign3A_13 = arith.subi %sign3A_9, %sign3A_12 : i32
    %sign3A_14 = arith.constant 0 : i32
    %sign3A_15 = arith.cmpi sgt, %jit3A, %sign3A_14 : i32
    %sign3A_16 = arith.extui %sign3A_15 : i1 to i32
    %sign3A_17 = arith.constant 0 : i32
    %sign3A_18 = arith.cmpi slt, %jit3A, %sign3A_17 : i32
    %sign3A_19 = arith.extui %sign3A_18 : i1 to i32
    %sign3A_20 = arith.subi %sign3A_16, %sign3A_19 : i32
    %ne3A = arith.cmpi ne, %sign3A_13, %sign3A_20 : i32
    %rem3A = arith.remsi %sub3A_7, %jit3A : i32
    %ne3A_21 = arith.constant 0 : i32
    %ne3A_22 = arith.cmpi ne, %rem3A, %ne3A_21 : i32
    %and3A = arith.andi %ne3A, %ne3A_22 : i1
    %sub3A_23 = arith.constant 1 : i32
    %sub3A_24 = arith.subi %div3A, %sub3A_23 : i32
    %select_n3A = arith.select %and3A, %sub3A_24, %div3A : i32
    %jit3A_25 = arith.constant 0 : i32
    %jit3A_26 = arith.constant 79 : i32
    %max3A = arith.maxsi %jit3A_25, %select_n3A : i32
    %min3A = arith.minsi %jit3A_26, %max3A : i32
    %scan3A = arith.constant 0 : i32
    %scan3A_27 = arith.constant 0 : i32
    %scan3A_28 = arith.constant 128 : i32
    %scan3A_29 = arith.addi %scan3A_27, %scan3A_28 : i32
    %scan3A_30 = arith.constant 1 : i32
    scf.for %scan3A_69 = %scan3A_27 to %scan3A_29 step %scan3A_30  : i32 {
      %broadcast_in_dim3A = arith.constant 0.000000e+00 : f32
      %broadcast_in_dim3A_70 = vector.broadcast %broadcast_in_dim3A : f32 to vector<16xf32>
      %swap3A = arith.index_cast %scan3A_69 : i32 to index
      %swap3A_71 = arith.constant 0 : index
      %swap3A_72 = tpu.vector_load %arg9[%swap3A, %swap3A_71] {strides = array<i32>} : memref<128x64xf32, #tpu.memory_space<vmem>>, vector<1x16xf32>,
      %swap3A_73 = vector.shape_cast %swap3A_72 : vector<1x16xf32> to vector<16xf32>
      %swap3A_74 = vector.shape_cast %broadcast_in_dim3A_70 : vector<16xf32> to vector<1x16xf32>
      tpu.vector_store %arg9[%swap3A, %swap3A_71], %swap3A_74 {strides = array<i32>} : memref<128x64xf32, #tpu.memory_space<vmem>>, vector<1x16xf32>,
      %broadcast_in_dim3A_75 = arith.constant 0.000000e+00 : f32
      %broadcast_in_dim3A_76 = vector.broadcast %broadcast_in_dim3A_75 : f32 to vector<16xf32>
      %swap3A_77 = arith.index_cast %scan3A_69 : i32 to index
      %swap3A_78 = arith.constant 16 : index
      %swap3A_79 = tpu.vector_load %arg9[%swap3A_77, %swap3A_78] {strides = array<i32>} : memref<128x64xf32, #tpu.memory_space<vmem>>, vector<1x16xf32>,
      %swap3A_80 = vector.shape_cast %swap3A_79 : vector<1x16xf32> to vector<16xf32>
      %swap3A_81 = vector.shape_cast %broadcast_in_dim3A_76 : vector<16xf32> to vector<1x16xf32>
      tpu.vector_store %arg9[%swap3A_77, %swap3A_78], %swap3A_81 {strides = array<i32>} : memref<128x64xf32, #tpu.memory_space<vmem>>, vector<1x16xf32>,
      %broadcast_in_dim3A_82 = arith.constant 0.000000e+00 : f32
      %broadcast_in_dim3A_83 = vector.broadcast %broadcast_in_dim3A_82 : f32 to vector<16xf32>
      %swap3A_84 = arith.index_cast %scan3A_69 : i32 to index
      %swap3A_85 = arith.constant 32 : index
      %swap3A_86 = tpu.vector_load %arg9[%swap3A_84, %swap3A_85] {strides = array<i32>} : memref<128x64xf32, #tpu.memory_space<vmem>>, vector<1x16xf32>,
      %swap3A_87 = vector.shape_cast %swap3A_86 : vector<1x16xf32> to vector<16xf32>
      %swap3A_88 = vector.shape_cast %broadcast_in_dim3A_83 : vector<16xf32> to vector<1x16xf32>
      tpu.vector_store %arg9[%swap3A_84, %swap3A_85], %swap3A_88 {strides = array<i32>} : memref<128x64xf32, #tpu.memory_space<vmem>>, vector<1x16xf32>,
      %broadcast_in_dim3A_89 = arith.constant 0.000000e+00 : f32
      %broadcast_in_dim3A_90 = vector.broadcast %broadcast_in_dim3A_89 : f32 to vector<16xf32>
      %swap3A_91 = arith.index_cast %scan3A_69 : i32 to index
      %swap3A_92 = arith.constant 48 : index
      %swap3A_93 = tpu.vector_load %arg9[%swap3A_91, %swap3A_92] {strides = array<i32>} : memref<128x64xf32, #tpu.memory_space<vmem>>, vector<1x16xf32>,
      %swap3A_94 = vector.shape_cast %swap3A_93 : vector<1x16xf32> to vector<16xf32>
      %swap3A_95 = vector.shape_cast %broadcast_in_dim3A_90 : vector<16xf32> to vector<1x16xf32>
      tpu.vector_store %arg9[%swap3A_91, %swap3A_92], %swap3A_95 {strides = array<i32>} : memref<128x64xf32, #tpu.memory_space<vmem>>, vector<1x16xf32>,
    }
    %scan3A_31 = arith.constant 128 : i32
    %mul3A_32 = arith.constant 632 : i32
    %mul3A_33 = arith.muli %arg1, %mul3A_32 : i32
    %add3A_34 = arith.constant 0 : i32
    %add3A_35 = arith.addi %mul3A_33, %add3A_34 : i32
    "tpu.region"() ({
      %run_scoped3A = tpu.sem_alloc : memref<!tpu.dma_semaphore, #tpu.memory_space<semaphore_mem>>
      %dma_start3A = arith.constant 0 : i32
      %dma_start3A_69 = arith.constant 0 : i32
      %dma_start3A_70 = tpu.memref_slice %arg9[%dma_start3A, %dma_start3A_69] : memref<128x64xf32, #tpu.memory_space<vmem>> -> memref<128x64xf32, #tpu.memory_space<vmem>>
      %dma_start3A_71 = arith.constant 0 : i32
      %dma_start3A_72 = tpu.memref_slice %arg13[%add3A_35, %dma_start3A_71] : memref<10112x64xf32, #tpu.memory_space<vmem_shared>> -> memref<128x64xf32, #tpu.memory_space<vmem_shared>>
      %dma_start3A_73 = arith.constant 0 : i32
      %dma_start3A_74 = tpu.memref_slice %arg13[%add3A_35, %dma_start3A_73] : memref<10112x64xf32, #tpu.memory_space<vmem_shared>> -> memref<128x64xf32, #tpu.memory_space<vmem_shared>>
      %dma_start3A_75 = arith.constant 0 : i32
      %dma_start3A_76 = arith.constant 0 : i32
      %dma_start3A_77 = tpu.memref_slice %arg9[%dma_start3A_75, %dma_start3A_76] : memref<128x64xf32, #tpu.memory_space<vmem>> -> memref<128x64xf32, #tpu.memory_space<vmem>>
      tpu.enqueue_dma source(%dma_start3A_77 : memref<128x64xf32, #tpu.memory_space<vmem>>) target(%dma_start3A_74 : memref<128x64xf32, #tpu.memory_space<vmem_shared>>) target_semaphore(%run_scoped3A : memref<!tpu.dma_semaphore, #tpu.memory_space<semaphore_mem>>)
      %dma_wait3A = arith.constant 0 : i32
      %dma_wait3A_78 = arith.constant 0 : i32
      %dma_wait3A_79 = tpu.memref_slice %arg9[%dma_wait3A, %dma_wait3A_78] : memref<128x64xf32, #tpu.memory_space<vmem>> -> memref<128x64xf32, #tpu.memory_space<vmem>>
      %dma_wait3A_80 = arith.constant 0 : i32
      %dma_wait3A_81 = tpu.memref_slice %arg13[%add3A_35, %dma_wait3A_80] : memref<10112x64xf32, #tpu.memory_space<vmem_shared>> -> memref<128x64xf32, #tpu.memory_space<vmem_shared>>
      %dma_wait3A_82 = arith.constant 0 : i32
      %dma_wait3A_83 = tpu.memref_slice %arg13[%add3A_35, %dma_wait3A_82] : memref<10112x64xf32, #tpu.memory_space<vmem_shared>> -> memref<128x64xf32, #tpu.memory_space<vmem_shared>>
      %dma_wait3A_84 = arith.constant 0 : i32
      %dma_wait3A_85 = arith.constant 0 : i32
      %dma_wait3A_86 = tpu.memref_slice %arg9[%dma_wait3A_84, %dma_wait3A_85] : memref<128x64xf32, #tpu.memory_space<vmem>> -> memref<128x64xf32, #tpu.memory_space<vmem>>
      tpu.wait_dma2 semaphore(%run_scoped3A : memref<!tpu.dma_semaphore, #tpu.memory_space<semaphore_mem>>) src(%dma_wait3A_86 : memref<128x64xf32, #tpu.memory_space<vmem>>) dst(%dma_wait3A_83 : memref<128x64xf32, #tpu.memory_space<vmem_shared>>)
      tpu.yield
    }) : () -> ()
    %mul3A_36 = arith.constant 632 : i32
    %mul3A_37 = arith.muli %arg1, %mul3A_36 : i32
    %add3A_38 = arith.constant 128 : i32
    %add3A_39 = arith.addi %mul3A_37, %add3A_38 : i32
    "tpu.region"() ({
      %run_scoped3A = tpu.sem_alloc : memref<!tpu.dma_semaphore, #tpu.memory_space<semaphore_mem>>
      %dma_start3A = arith.constant 0 : i32
      %dma_start3A_69 = arith.constant 0 : i32
      %dma_start3A_70 = tpu.memref_slice %arg9[%dma_start3A, %dma_start3A_69] : memref<128x64xf32, #tpu.memory_space<vmem>> -> memref<128x64xf32, #tpu.memory_space<vmem>>
      %dma_start3A_71 = arith.constant 0 : i32
      %dma_start3A_72 = tpu.memref_slice %arg13[%add3A_39, %dma_start3A_71] : memref<10112x64xf32, #tpu.memory_space<vmem_shared>> -> memref<128x64xf32, #tpu.memory_space<vmem_shared>>
      %dma_start3A_73 = arith.constant 0 : i32
      %dma_start3A_74 = tpu.memref_slice %arg13[%add3A_39, %dma_start3A_73] : memref<10112x64xf32, #tpu.memory_space<vmem_shared>> -> memref<128x64xf32, #tpu.memory_space<vmem_shared>>
      %dma_start3A_75 = arith.constant 0 : i32
      %dma_start3A_76 = arith.constant 0 : i32
      %dma_start3A_77 = tpu.memref_slice %arg9[%dma_start3A_75, %dma_start3A_76] : memref<128x64xf32, #tpu.memory_space<vmem>> -> memref<128x64xf32, #tpu.memory_space<vmem>>
      tpu.enqueue_dma source(%dma_start3A_77 : memref<128x64xf32, #tpu.memory_space<vmem>>) target(%dma_start3A_74 : memref<128x64xf32, #tpu.memory_space<vmem_shared>>) target_semaphore(%run_scoped3A : memref<!tpu.dma_semaphore, #tpu.memory_space<semaphore_mem>>)
      %dma_wait3A = arith.constant 0 : i32
      %dma_wait3A_78 = arith.constant 0 : i32
      %dma_wait3A_79 = tpu.memref_slice %arg9[%dma_wait3A, %dma_wait3A_78] : memref<128x64xf32, #tpu.memory_space<vmem>> -> memref<128x64xf32, #tpu.memory_space<vmem>>
      %dma_wait3A_80 = arith.constant 0 : i32
      %dma_wait3A_81 = tpu.memref_slice %arg13[%add3A_39, %dma_wait3A_80] : memref<10112x64xf32, #tpu.memory_space<vmem_shared>> -> memref<128x64xf32, #tpu.memory_space<vmem_shared>>
      %dma_wait3A_82 = arith.constant 0 : i32
      %dma_wait3A_83 = tpu.memref_slice %arg13[%add3A_39, %dma_wait3A_82] : memref<10112x64xf32, #tpu.memory_space<vmem_shared>> -> memref<128x64xf32, #tpu.memory_space<vmem_shared>>
      %dma_wait3A_84 = arith.constant 0 : i32
      %dma_wait3A_85 = arith.constant 0 : i32
      %dma_wait3A_86 = tpu.memref_slice %arg9[%dma_wait3A_84, %dma_wait3A_85] : memref<128x64xf32, #tpu.memory_space<vmem>> -> memref<128x64xf32, #tpu.memory_space<vmem>>
      tpu.wait_dma2 semaphore(%run_scoped3A : memref<!tpu.dma_semaphore, #tpu.memory_space<semaphore_mem>>) src(%dma_wait3A_86 : memref<128x64xf32, #tpu.memory_space<vmem>>) dst(%dma_wait3A_83 : memref<128x64xf32, #tpu.memory_space<vmem_shared>>)
      tpu.yield
    }) : () -> ()
    %mul3A_40 = arith.constant 632 : i32
    %mul3A_41 = arith.muli %arg1, %mul3A_40 : i32
    %add3A_42 = arith.constant 256 : i32
    %add3A_43 = arith.addi %mul3A_41, %add3A_42 : i32
    "tpu.region"() ({
      %run_scoped3A = tpu.sem_alloc : memref<!tpu.dma_semaphore, #tpu.memory_space<semaphore_mem>>
      %dma_start3A = arith.constant 0 : i32
      %dma_start3A_69 = arith.constant 0 : i32
      %dma_start3A_70 = tpu.memref_slice %arg9[%dma_start3A, %dma_start3A_69] : memref<128x64xf32, #tpu.memory_space<vmem>> -> memref<128x64xf32, #tpu.memory_space<vmem>>
      %dma_start3A_71 = arith.constant 0 : i32
      %dma_start3A_72 = tpu.memref_slice %arg13[%add3A_43, %dma_start3A_71] : memref<10112x64xf32, #tpu.memory_space<vmem_shared>> -> memref<128x64xf32, #tpu.memory_space<vmem_shared>>
      %dma_start3A_73 = arith.constant 0 : i32
      %dma_start3A_74 = tpu.memref_slice %arg13[%add3A_43, %dma_start3A_73] : memref<10112x64xf32, #tpu.memory_space<vmem_shared>> -> memref<128x64xf32, #tpu.memory_space<vmem_shared>>
      %dma_start3A_75 = arith.constant 0 : i32
      %dma_start3A_76 = arith.constant 0 : i32
      %dma_start3A_77 = tpu.memref_slice %arg9[%dma_start3A_75, %dma_start3A_76] : memref<128x64xf32, #tpu.memory_space<vmem>> -> memref<128x64xf32, #tpu.memory_space<vmem>>
      tpu.enqueue_dma source(%dma_start3A_77 : memref<128x64xf32, #tpu.memory_space<vmem>>) target(%dma_start3A_74 : memref<128x64xf32, #tpu.memory_space<vmem_shared>>) target_semaphore(%run_scoped3A : memref<!tpu.dma_semaphore, #tpu.memory_space<semaphore_mem>>)
      %dma_wait3A = arith.constant 0 : i32
      %dma_wait3A_78 = arith.constant 0 : i32
      %dma_wait3A_79 = tpu.memref_slice %arg9[%dma_wait3A, %dma_wait3A_78] : memref<128x64xf32, #tpu.memory_space<vmem>> -> memref<128x64xf32, #tpu.memory_space<vmem>>
      %dma_wait3A_80 = arith.constant 0 : i32
      %dma_wait3A_81 = tpu.memref_slice %arg13[%add3A_43, %dma_wait3A_80] : memref<10112x64xf32, #tpu.memory_space<vmem_shared>> -> memref<128x64xf32, #tpu.memory_space<vmem_shared>>
      %dma_wait3A_82 = arith.constant 0 : i32
      %dma_wait3A_83 = tpu.memref_slice %arg13[%add3A_43, %dma_wait3A_82] : memref<10112x64xf32, #tpu.memory_space<vmem_shared>> -> memref<128x64xf32, #tpu.memory_space<vmem_shared>>
      %dma_wait3A_84 = arith.constant 0 : i32
      %dma_wait3A_85 = arith.constant 0 : i32
      %dma_wait3A_86 = tpu.memref_slice %arg9[%dma_wait3A_84, %dma_wait3A_85] : memref<128x64xf32, #tpu.memory_space<vmem>> -> memref<128x64xf32, #tpu.memory_space<vmem>>
      tpu.wait_dma2 semaphore(%run_scoped3A : memref<!tpu.dma_semaphore, #tpu.memory_space<semaphore_mem>>) src(%dma_wait3A_86 : memref<128x64xf32, #tpu.memory_space<vmem>>) dst(%dma_wait3A_83 : memref<128x64xf32, #tpu.memory_space<vmem_shared>>)
      tpu.yield
    }) : () -> ()
    %mul3A_44 = arith.constant 632 : i32
    %mul3A_45 = arith.muli %arg1, %mul3A_44 : i32
    %add3A_46 = arith.constant 384 : i32
    %add3A_47 = arith.addi %mul3A_45, %add3A_46 : i32
    "tpu.region"() ({
      %run_scoped3A = tpu.sem_alloc : memref<!tpu.dma_semaphore, #tpu.memory_space<semaphore_mem>>
      %dma_start3A = arith.constant 0 : i32
      %dma_start3A_69 = arith.constant 0 : i32
      %dma_start3A_70 = tpu.memref_slice %arg9[%dma_start3A, %dma_start3A_69] : memref<128x64xf32, #tpu.memory_space<vmem>> -> memref<128x64xf32, #tpu.memory_space<vmem>>
      %dma_start3A_71 = arith.constant 0 : i32
      %dma_start3A_72 = tpu.memref_slice %arg13[%add3A_47, %dma_start3A_71] : memref<10112x64xf32, #tpu.memory_space<vmem_shared>> -> memref<128x64xf32, #tpu.memory_space<vmem_shared>>
      %dma_start3A_73 = arith.constant 0 : i32
      %dma_start3A_74 = tpu.memref_slice %arg13[%add3A_47, %dma_start3A_73] : memref<10112x64xf32, #tpu.memory_space<vmem_shared>> -> memref<128x64xf32, #tpu.memory_space<vmem_shared>>
      %dma_start3A_75 = arith.constant 0 : i32
      %dma_start3A_76 = arith.constant 0 : i32
      %dma_start3A_77 = tpu.memref_slice %arg9[%dma_start3A_75, %dma_start3A_76] : memref<128x64xf32, #tpu.memory_space<vmem>> -> memref<128x64xf32, #tpu.memory_space<vmem>>
      tpu.enqueue_dma source(%dma_start3A_77 : memref<128x64xf32, #tpu.memory_space<vmem>>) target(%dma_start3A_74 : memref<128x64xf32, #tpu.memory_space<vmem_shared>>) target_semaphore(%run_scoped3A : memref<!tpu.dma_semaphore, #tpu.memory_space<semaphore_mem>>)
      %dma_wait3A = arith.constant 0 : i32
      %dma_wait3A_78 = arith.constant 0 : i32
      %dma_wait3A_79 = tpu.memref_slice %arg9[%dma_wait3A, %dma_wait3A_78] : memref<128x64xf32, #tpu.memory_space<vmem>> -> memref<128x64xf32, #tpu.memory_space<vmem>>
      %dma_wait3A_80 = arith.constant 0 : i32
      %dma_wait3A_81 = tpu.memref_slice %arg13[%add3A_47, %dma_wait3A_80] : memref<10112x64xf32, #tpu.memory_space<vmem_shared>> -> memref<128x64xf32, #tpu.memory_space<vmem_shared>>
      %dma_wait3A_82 = arith.constant 0 : i32
      %dma_wait3A_83 = tpu.memref_slice %arg13[%add3A_47, %dma_wait3A_82] : memref<10112x64xf32, #tpu.memory_space<vmem_shared>> -> memref<128x64xf32, #tpu.memory_space<vmem_shared>>
      %dma_wait3A_84 = arith.constant 0 : i32
      %dma_wait3A_85 = arith.constant 0 : i32
      %dma_wait3A_86 = tpu.memref_slice %arg9[%dma_wait3A_84, %dma_wait3A_85] : memref<128x64xf32, #tpu.memory_space<vmem>> -> memref<128x64xf32, #tpu.memory_space<vmem>>
      tpu.wait_dma2 semaphore(%run_scoped3A : memref<!tpu.dma_semaphore, #tpu.memory_space<semaphore_mem>>) src(%dma_wait3A_86 : memref<128x64xf32, #tpu.memory_space<vmem>>) dst(%dma_wait3A_83 : memref<128x64xf32, #tpu.memory_space<vmem_shared>>)
      tpu.yield
    }) : () -> ()
    %mul3A_48 = arith.constant 632 : i32
    %mul3A_49 = arith.muli %arg1, %mul3A_48 : i32
    %add3A_50 = arith.constant 512 : i32
    %add3A_51 = arith.addi %mul3A_49, %add3A_50 : i32
    "tpu.region"() ({
      %run_scoped3A = tpu.sem_alloc : memref<!tpu.dma_semaphore, #tpu.memory_space<semaphore_mem>>
      %dma_start3A = arith.constant 0 : i32
      %dma_start3A_69 = arith.constant 0 : i32
      %dma_start3A_70 = tpu.memref_slice %arg9[%dma_start3A, %dma_start3A_69] : memref<128x64xf32, #tpu.memory_space<vmem>> -> memref<120x64xf32, #tpu.memory_space<vmem>>
      %dma_start3A_71 = arith.constant 0 : i32
      %dma_start3A_72 = tpu.memref_slice %arg13[%add3A_51, %dma_start3A_71] : memref<10112x64xf32, #tpu.memory_space<vmem_shared>> -> memref<120x64xf32, #tpu.memory_space<vmem_shared>>
      %dma_start3A_73 = arith.constant 0 : i32
      %dma_start3A_74 = tpu.memref_slice %arg13[%add3A_51, %dma_start3A_73] : memref<10112x64xf32, #tpu.memory_space<vmem_shared>> -> memref<120x64xf32, #tpu.memory_space<vmem_shared>>
      %dma_start3A_75 = arith.constant 0 : i32
      %dma_start3A_76 = arith.constant 0 : i32
      %dma_start3A_77 = tpu.memref_slice %arg9[%dma_start3A_75, %dma_start3A_76] : memref<128x64xf32, #tpu.memory_space<vmem>> -> memref<120x64xf32, #tpu.memory_space<vmem>>
      tpu.enqueue_dma source(%dma_start3A_77 : memref<120x64xf32, #tpu.memory_space<vmem>>) target(%dma_start3A_74 : memref<120x64xf32, #tpu.memory_space<vmem_shared>>) target_semaphore(%run_scoped3A : memref<!tpu.dma_semaphore, #tpu.memory_space<semaphore_mem>>)
      %dma_wait3A = arith.constant 0 : i32
      %dma_wait3A_78 = arith.constant 0 : i32
      %dma_wait3A_79 = tpu.memref_slice %arg9[%dma_wait3A, %dma_wait3A_78] : memref<128x64xf32, #tpu.memory_space<vmem>> -> memref<120x64xf32, #tpu.memory_space<vmem>>
      %dma_wait3A_80 = arith.constant 0 : i32
      %dma_wait3A_81 = tpu.memref_slice %arg13[%add3A_51, %dma_wait3A_80] : memref<10112x64xf32, #tpu.memory_space<vmem_shared>> -> memref<120x64xf32, #tpu.memory_space<vmem_shared>>
      %dma_wait3A_82 = arith.constant 0 : i32
      %dma_wait3A_83 = tpu.memref_slice %arg13[%add3A_51, %dma_wait3A_82] : memref<10112x64xf32, #tpu.memory_space<vmem_shared>> -> memref<120x64xf32, #tpu.memory_space<vmem_shared>>
      %dma_wait3A_84 = arith.constant 0 : i32
      %dma_wait3A_85 = arith.constant 0 : i32
      %dma_wait3A_86 = tpu.memref_slice %arg9[%dma_wait3A_84, %dma_wait3A_85] : memref<128x64xf32, #tpu.memory_space<vmem>> -> memref<120x64xf32, #tpu.memory_space<vmem>>
      tpu.wait_dma2 semaphore(%run_scoped3A : memref<!tpu.dma_semaphore, #tpu.memory_space<semaphore_mem>>) src(%dma_wait3A_86 : memref<120x64xf32, #tpu.memory_space<vmem>>) dst(%dma_wait3A_83 : memref<120x64xf32, #tpu.memory_space<vmem_shared>>)
      tpu.yield
    }) : () -> ()
    %barrier3A = arith.constant 0 : index
    tpu.barrier barrier_id(%barrier3A)
    %mul3A_52 = arith.constant 79 : i32
    %mul3A_53 = arith.muli %add3A, %mul3A_52 : i32
    "tpu.region"() ({
      %run_scoped3A = tpu.sem_alloc : memref<!tpu.dma_semaphore, #tpu.memory_space<semaphore_mem>>
      %dma_start3A = arith.constant 0 : i32
      %dma_start3A_69 = tpu.memref_slice %arg4[%mul3A_53, %dma_start3A] : memref<2528x128xi32, #tpu.memory_space<hbm>> -> memref<79x128xi32, #tpu.memory_space<hbm>>
      %dma_start3A_70 = arith.constant 0 : i32
      %dma_start3A_71 = tpu.memref_slice %arg4[%mul3A_53, %dma_start3A_70] : memref<2528x128xi32, #tpu.memory_space<hbm>> -> memref<79x128xi32, #tpu.memory_space<hbm>>
      tpu.enqueue_dma source(%dma_start3A_71 : memref<79x128xi32, #tpu.memory_space<hbm>>) target(%arg7 : memref<79x128xi32, #tpu.memory_space<vmem>>) target_semaphore(%run_scoped3A : memref<!tpu.dma_semaphore, #tpu.memory_space<semaphore_mem>>)
      %dma_wait3A = arith.constant 0 : i32
      %dma_wait3A_72 = tpu.memref_slice %arg4[%mul3A_53, %dma_wait3A] : memref<2528x128xi32, #tpu.memory_space<hbm>> -> memref<79x128xi32, #tpu.memory_space<hbm>>
      %dma_wait3A_73 = arith.constant 0 : i32
      %dma_wait3A_74 = tpu.memref_slice %arg4[%mul3A_53, %dma_wait3A_73] : memref<2528x128xi32, #tpu.memory_space<hbm>> -> memref<79x128xi32, #tpu.memory_space<hbm>>
      tpu.wait_dma2 semaphore(%run_scoped3A : memref<!tpu.dma_semaphore, #tpu.memory_space<semaphore_mem>>) src(%dma_wait3A_74 : memref<79x128xi32, #tpu.memory_space<hbm>>) dst(%arg7 : memref<79x128xi32, #tpu.memory_space<vmem>>)
      tpu.yield
    }) : () -> ()
    %mul3A_54 = arith.constant 79 : i32
    %mul3A_55 = arith.muli %add3A, %mul3A_54 : i32
    "tpu.region"() ({
      %run_scoped3A = tpu.sem_alloc : memref<!tpu.dma_semaphore, #tpu.memory_space<semaphore_mem>>
      %dma_start3A = arith.constant 0 : i32
      %dma_start3A_69 = tpu.memref_slice %arg5[%mul3A_55, %dma_start3A] : memref<2528x128xi32, #tpu.memory_space<hbm>> -> memref<79x128xi32, #tpu.memory_space<hbm>>
      %dma_start3A_70 = arith.constant 0 : i32
      %dma_start3A_71 = tpu.memref_slice %arg5[%mul3A_55, %dma_start3A_70] : memref<2528x128xi32, #tpu.memory_space<hbm>> -> memref<79x128xi32, #tpu.memory_space<hbm>>
      tpu.enqueue_dma source(%dma_start3A_71 : memref<79x128xi32, #tpu.memory_space<hbm>>) target(%arg8 : memref<79x128xi32, #tpu.memory_space<vmem>>) target_semaphore(%run_scoped3A : memref<!tpu.dma_semaphore, #tpu.memory_space<semaphore_mem>>)
      %dma_wait3A = arith.constant 0 : i32
      %dma_wait3A_72 = tpu.memref_slice %arg5[%mul3A_55, %dma_wait3A] : memref<2528x128xi32, #tpu.memory_space<hbm>> -> memref<79x128xi32, #tpu.memory_space<hbm>>
      %dma_wait3A_73 = arith.constant 0 : i32
      %dma_wait3A_74 = tpu.memref_slice %arg5[%mul3A_55, %dma_wait3A_73] : memref<2528x128xi32, #tpu.memory_space<hbm>> -> memref<79x128xi32, #tpu.memory_space<hbm>>
      tpu.wait_dma2 semaphore(%run_scoped3A : memref<!tpu.dma_semaphore, #tpu.memory_space<semaphore_mem>>) src(%dma_wait3A_74 : memref<79x128xi32, #tpu.memory_space<hbm>>) dst(%arg8 : memref<79x128xi32, #tpu.memory_space<vmem>>)
      tpu.yield
    }) : () -> ()
    %gt3A = arith.constant 0 : i32
    %gt3A_56 = arith.cmpi sgt, %min3A, %gt3A : i32
    %convert_element_type3A = arith.extui %gt3A_56 : i1 to i32
    %cond3A = arith.constant 0 : i32
    %cond3A_57 = arith.cmpi ne, %convert_element_type3A, %cond3A : i32
    scf.if %cond3A_57 {
      %add3A_69 = arith.constant 0 : i32
      %add3A_70 = arith.addi %mul3A_2, %add3A_69 : i32
      %dma_start3A = arith.constant 64 : i32
      %dma_start3A_71 = tpu.memref_slice %arg3[%add3A_70, %dma_start3A] : memref<320000x128xf32, #tpu.memory_space<hbm>> -> memref<128x64xf32, #tpu.memory_space<hbm>>
      %dma_start3A_72 = arith.constant 64 : i32
      %dma_start3A_73 = tpu.memref_slice %arg3[%add3A_70, %dma_start3A_72] : memref<320000x128xf32, #tpu.memory_space<hbm>> -> memref<128x64xf32, #tpu.memory_space<hbm>>
      tpu.enqueue_dma source(%dma_start3A_73 : memref<128x64xf32, #tpu.memory_space<hbm>>) target(%arg11 : memref<128x64xf32, #tpu.memory_space<vmem>>) target_semaphore(%arg16 : memref<!tpu.dma_semaphore, #tpu.memory_space<semaphore_mem>>)
      %dma_start3A_74 = arith.constant 0 : i32
      %dma_start3A_75 = arith.constant 0 : i32
      %dma_start3A_76 = tpu.memref_slice %arg7[%dma_start3A_74, %dma_start3A_75] : memref<79x128xi32, #tpu.memory_space<vmem>> -> memref<1x128xi32, #tpu.memory_space<vmem>>
      %dma_start3A_77 = tpu.memref_squeeze %dma_start3A_76 : memref<1x128xi32, #tpu.memory_space<vmem>> -> memref<128xi32, #tpu.memory_space<vmem>>
      %dma_start3A_78 = arith.constant 0 : i32
      %dma_start3A_79 = arith.constant 0 : i32
      %dma_start3A_80 = tpu.memref_slice %arg2[%dma_start3A_78, %dma_start3A_79] : memref<10000x64xf32, #tpu.memory_space<hbm>> -> memref<10000x64xf32, #tpu.memory_space<hbm>>
      tpu.enqueue_indirect_dma source(%dma_start3A_80 : memref<10000x64xf32, #tpu.memory_space<hbm>>) target(%arg9 : memref<128x64xf32, #tpu.memory_space<vmem>>) offsets(%dma_start3A_77 : memref<128xi32, #tpu.memory_space<vmem>>) semaphore(%arg14 : memref<!tpu.dma_semaphore, #tpu.memory_space<semaphore_mem>>)
    } else {
    }
    %scan3A_58 = arith.constant 0 : i32
    %scan3A_59 = arith.constant 0 : i32
    %scan3A_60 = arith.constant 40 : i32
    %scan3A_61 = arith.addi %scan3A_59, %scan3A_60 : i32
    %scan3A_62 = arith.constant 1 : i32
    scf.for %scan3A_69 = %scan3A_59 to %scan3A_61 step %scan3A_62  : i32 {
      %mul3A_70 = arith.constant 2 : i32
      %mul3A_71 = arith.muli %mul3A_70, %scan3A_69 : i32
      %add3A_72 = arith.constant 1 : i32
      %add3A_73 = arith.addi %mul3A_71, %add3A_72 : i32
      %lt3A = arith.cmpi slt, %add3A_73, %min3A : i32
      %convert_element_type3A_74 = arith.extui %lt3A : i1 to i32
      %cond3A_75 = arith.constant 0 : i32
      %cond3A_76 = arith.cmpi ne, %convert_element_type3A_74, %cond3A_75 : i32
      scf.if %cond3A_76 {
        %add3A_93 = arith.constant 1 : i32
        %add3A_94 = arith.addi %mul3A_71, %add3A_93 : i32
        %mul3A_95 = arith.constant 128 : i32
        %mul3A_96 = arith.muli %add3A_94, %mul3A_95 : i32
        %add3A_97 = arith.addi %mul3A_2, %mul3A_96 : i32
        %dma_start3A = arith.constant 64 : i32
        %dma_start3A_98 = tpu.memref_slice %arg3[%add3A_97, %dma_start3A] : memref<320000x128xf32, #tpu.memory_space<hbm>> -> memref<128x64xf32, #tpu.memory_space<hbm>>
        %dma_start3A_99 = arith.constant 64 : i32
        %dma_start3A_100 = tpu.memref_slice %arg3[%add3A_97, %dma_start3A_99] : memref<320000x128xf32, #tpu.memory_space<hbm>> -> memref<128x64xf32, #tpu.memory_space<hbm>>
        tpu.enqueue_dma source(%dma_start3A_100 : memref<128x64xf32, #tpu.memory_space<hbm>>) target(%arg12 : memref<128x64xf32, #tpu.memory_space<vmem>>) target_semaphore(%arg17 : memref<!tpu.dma_semaphore, #tpu.memory_space<semaphore_mem>>)
        %dma_start3A_101 = arith.constant 0 : i32
        %dma_start3A_102 = tpu.memref_slice %arg7[%add3A_94, %dma_start3A_101] : memref<79x128xi32, #tpu.memory_space<vmem>> -> memref<1x128xi32, #tpu.memory_space<vmem>>
        %dma_start3A_103 = tpu.memref_squeeze %dma_start3A_102 : memref<1x128xi32, #tpu.memory_space<vmem>> -> memref<128xi32, #tpu.memory_space<vmem>>
        %dma_start3A_104 = arith.constant 0 : i32
        %dma_start3A_105 = arith.constant 0 : i32
        %dma_start3A_106 = tpu.memref_slice %arg2[%dma_start3A_104, %dma_start3A_105] : memref<10000x64xf32, #tpu.memory_space<hbm>> -> memref<10000x64xf32, #tpu.memory_space<hbm>>
        tpu.enqueue_indirect_dma source(%dma_start3A_106 : memref<10000x64xf32, #tpu.memory_space<hbm>>) target(%arg10 : memref<128x64xf32, #tpu.memory_space<vmem>>) offsets(%dma_start3A_103 : memref<128xi32, #tpu.memory_space<vmem>>) semaphore(%arg15 : memref<!tpu.dma_semaphore, #tpu.memory_space<semaphore_mem>>)
      } else {
      }
      %lt3A_77 = arith.cmpi slt, %mul3A_71, %min3A : i32
      %convert_element_type3A_78 = arith.extui %lt3A_77 : i1 to i32
      %cond3A_79 = arith.constant 0 : i32
      %cond3A_80 = arith.cmpi ne, %convert_element_type3A_78, %cond3A_79 : i32
      scf.if %cond3A_80 {
        %dma_wait3A = arith.constant 0 : i32
        %dma_wait3A_93 = arith.constant 64 : i32
        %dma_wait3A_94 = tpu.memref_slice %arg3[%dma_wait3A, %dma_wait3A_93] : memref<320000x128xf32, #tpu.memory_space<hbm>> -> memref<128x64xf32, #tpu.memory_space<hbm>>
        %dma_wait3A_95 = arith.constant 0 : i32
        %dma_wait3A_96 = arith.constant 64 : i32
        %dma_wait3A_97 = tpu.memref_slice %arg3[%dma_wait3A_95, %dma_wait3A_96] : memref<320000x128xf32, #tpu.memory_space<hbm>> -> memref<128x64xf32, #tpu.memory_space<hbm>>
        tpu.wait_dma2 semaphore(%arg16 : memref<!tpu.dma_semaphore, #tpu.memory_space<semaphore_mem>>) src(%dma_wait3A_97 : memref<128x64xf32, #tpu.memory_space<hbm>>) dst(%arg11 : memref<128x64xf32, #tpu.memory_space<vmem>>)
        %dma_wait3A_98 = arith.constant 0 : i32
        %dma_wait3A_99 = arith.constant 0 : i32
        %dma_wait3A_100 = tpu.memref_slice %arg7[%dma_wait3A_98, %dma_wait3A_99] : memref<79x128xi32, #tpu.memory_space<vmem>> -> memref<1x128xi32, #tpu.memory_space<vmem>>
        %dma_wait3A_101 = tpu.memref_squeeze %dma_wait3A_100 : memref<1x128xi32, #tpu.memory_space<vmem>> -> memref<128xi32, #tpu.memory_space<vmem>>
        %dma_wait3A_102 = arith.constant 0 : i32
        %dma_wait3A_103 = arith.constant 0 : i32
        %dma_wait3A_104 = tpu.memref_slice %arg2[%dma_wait3A_102, %dma_wait3A_103] : memref<10000x64xf32, #tpu.memory_space<hbm>> -> memref<10000x64xf32, #tpu.memory_space<hbm>>
        tpu.wait_indirect_dma semaphore(%arg14 : memref<!tpu.dma_semaphore, #tpu.memory_space<semaphore_mem>>) src(%dma_wait3A_104 : memref<10000x64xf32, #tpu.memory_space<hbm>>) dst(%arg9 : memref<128x64xf32, #tpu.memory_space<vmem>>)
        %scan3A_105 = arith.constant 0 : i32
        %scan3A_106 = arith.constant 0 : i32
        %scan3A_107 = arith.constant 128 : i32
        %scan3A_108 = arith.addi %scan3A_106, %scan3A_107 : i32
        %scan3A_109 = arith.constant 1 : i32
        scf.for %scan3A_111 = %scan3A_106 to %scan3A_108 step %scan3A_109  : i32 {
          %get3A = arith.index_cast %scan3A_111 : i32 to index
          %get3A_112 = arith.constant 0 : index
          %get3A_113 = tpu.vector_load %arg9[%get3A, %get3A_112] {strides = array<i32>} : memref<128x64xf32, #tpu.memory_space<vmem>>, vector<1x16xf32>,
          %get3A_114 = vector.shape_cast %get3A_113 : vector<1x16xf32> to vector<16xf32>
          %get3A_115 = arith.index_cast %scan3A_111 : i32 to index
          %get3A_116 = arith.constant 0 : index
          %get3A_117 = tpu.vector_load %arg11[%get3A_115, %get3A_116] {strides = array<i32>} : memref<128x64xf32, #tpu.memory_space<vmem>>, vector<1x16xf32>,
          %get3A_118 = vector.shape_cast %get3A_117 : vector<1x16xf32> to vector<16xf32>
          %mul3A_119 = arith.mulf %get3A_114, %get3A_118 : vector<16xf32>
          %swap3A = arith.index_cast %scan3A_111 : i32 to index
          %swap3A_120 = arith.constant 0 : index
          %swap3A_121 = tpu.vector_load %arg9[%swap3A, %swap3A_120] {strides = array<i32>} : memref<128x64xf32, #tpu.memory_space<vmem>>, vector<1x16xf32>,
          %swap3A_122 = vector.shape_cast %swap3A_121 : vector<1x16xf32> to vector<16xf32>
          %swap3A_123 = vector.shape_cast %mul3A_119 : vector<16xf32> to vector<1x16xf32>
          tpu.vector_store %arg9[%swap3A, %swap3A_120], %swap3A_123 {strides = array<i32>} : memref<128x64xf32, #tpu.memory_space<vmem>>, vector<1x16xf32>,
          %get3A_124 = arith.index_cast %scan3A_111 : i32 to index
          %get3A_125 = arith.constant 16 : index
          %get3A_126 = tpu.vector_load %arg9[%get3A_124, %get3A_125] {strides = array<i32>} : memref<128x64xf32, #tpu.memory_space<vmem>>, vector<1x16xf32>,
          %get3A_127 = vector.shape_cast %get3A_126 : vector<1x16xf32> to vector<16xf32>
          %get3A_128 = arith.index_cast %scan3A_111 : i32 to index
          %get3A_129 = arith.constant 16 : index
          %get3A_130 = tpu.vector_load %arg11[%get3A_128, %get3A_129] {strides = array<i32>} : memref<128x64xf32, #tpu.memory_space<vmem>>, vector<1x16xf32>,
          %get3A_131 = vector.shape_cast %get3A_130 : vector<1x16xf32> to vector<16xf32>
          %mul3A_132 = arith.mulf %get3A_127, %get3A_131 : vector<16xf32>
          %swap3A_133 = arith.index_cast %scan3A_111 : i32 to index
          %swap3A_134 = arith.constant 16 : index
          %swap3A_135 = tpu.vector_load %arg9[%swap3A_133, %swap3A_134] {strides = array<i32>} : memref<128x64xf32, #tpu.memory_space<vmem>>, vector<1x16xf32>,
          %swap3A_136 = vector.shape_cast %swap3A_135 : vector<1x16xf32> to vector<16xf32>
          %swap3A_137 = vector.shape_cast %mul3A_132 : vector<16xf32> to vector<1x16xf32>
          tpu.vector_store %arg9[%swap3A_133, %swap3A_134], %swap3A_137 {strides = array<i32>} : memref<128x64xf32, #tpu.memory_space<vmem>>, vector<1x16xf32>,
          %get3A_138 = arith.index_cast %scan3A_111 : i32 to index
          %get3A_139 = arith.constant 32 : index
          %get3A_140 = tpu.vector_load %arg9[%get3A_138, %get3A_139] {strides = array<i32>} : memref<128x64xf32, #tpu.memory_space<vmem>>, vector<1x16xf32>,
          %get3A_141 = vector.shape_cast %get3A_140 : vector<1x16xf32> to vector<16xf32>
          %get3A_142 = arith.index_cast %scan3A_111 : i32 to index
          %get3A_143 = arith.constant 32 : index
          %get3A_144 = tpu.vector_load %arg11[%get3A_142, %get3A_143] {strides = array<i32>} : memref<128x64xf32, #tpu.memory_space<vmem>>, vector<1x16xf32>,
          %get3A_145 = vector.shape_cast %get3A_144 : vector<1x16xf32> to vector<16xf32>
          %mul3A_146 = arith.mulf %get3A_141, %get3A_145 : vector<16xf32>
          %swap3A_147 = arith.index_cast %scan3A_111 : i32 to index
          %swap3A_148 = arith.constant 32 : index
          %swap3A_149 = tpu.vector_load %arg9[%swap3A_147, %swap3A_148] {strides = array<i32>} : memref<128x64xf32, #tpu.memory_space<vmem>>, vector<1x16xf32>,
          %swap3A_150 = vector.shape_cast %swap3A_149 : vector<1x16xf32> to vector<16xf32>
          %swap3A_151 = vector.shape_cast %mul3A_146 : vector<16xf32> to vector<1x16xf32>
          tpu.vector_store %arg9[%swap3A_147, %swap3A_148], %swap3A_151 {strides = array<i32>} : memref<128x64xf32, #tpu.memory_space<vmem>>, vector<1x16xf32>,
          %get3A_152 = arith.index_cast %scan3A_111 : i32 to index
          %get3A_153 = arith.constant 48 : index
          %get3A_154 = tpu.vector_load %arg9[%get3A_152, %get3A_153] {strides = array<i32>} : memref<128x64xf32, #tpu.memory_space<vmem>>, vector<1x16xf32>,
          %get3A_155 = vector.shape_cast %get3A_154 : vector<1x16xf32> to vector<16xf32>
          %get3A_156 = arith.index_cast %scan3A_111 : i32 to index
          %get3A_157 = arith.constant 48 : index
          %get3A_158 = tpu.vector_load %arg11[%get3A_156, %get3A_157] {strides = array<i32>} : memref<128x64xf32, #tpu.memory_space<vmem>>, vector<1x16xf32>,
          %get3A_159 = vector.shape_cast %get3A_158 : vector<1x16xf32> to vector<16xf32>
          %mul3A_160 = arith.mulf %get3A_155, %get3A_159 : vector<16xf32>
          %swap3A_161 = arith.index_cast %scan3A_111 : i32 to index
          %swap3A_162 = arith.constant 48 : index
          %swap3A_163 = tpu.vector_load %arg9[%swap3A_161, %swap3A_162] {strides = array<i32>} : memref<128x64xf32, #tpu.memory_space<vmem>>, vector<1x16xf32>,
          %swap3A_164 = vector.shape_cast %swap3A_163 : vector<1x16xf32> to vector<16xf32>
          %swap3A_165 = vector.shape_cast %mul3A_160 : vector<16xf32> to vector<1x16xf32>
          tpu.vector_store %arg9[%swap3A_161, %swap3A_162], %swap3A_165 {strides = array<i32>} : memref<128x64xf32, #tpu.memory_space<vmem>>, vector<1x16xf32>,
        }
        %scan3A_110 = arith.constant 128 : i32
        "tpu.region"() ({
          %run_scoped3A = tpu.sem_alloc : memref<!tpu.dma_semaphore, #tpu.memory_space<semaphore_mem>>
          %dma_start3A = arith.constant 0 : i32
          %dma_start3A_111 = tpu.memref_slice %arg8[%mul3A_71, %dma_start3A] : memref<79x128xi32, #tpu.memory_space<vmem>> -> memref<1x128xi32, #tpu.memory_space<vmem>>
          %dma_start3A_112 = tpu.memref_squeeze %dma_start3A_111 : memref<1x128xi32, #tpu.memory_space<vmem>> -> memref<128xi32, #tpu.memory_space<vmem>>
          %dma_start3A_113 = arith.constant 0 : i32
          %dma_start3A_114 = arith.constant 0 : i32
          %dma_start3A_115 = tpu.memref_slice %arg13[%dma_start3A_113, %dma_start3A_114] : memref<10112x64xf32, #tpu.memory_space<vmem_shared>> -> memref<10112x64xf32, #tpu.memory_space<vmem_shared>>
          tpu.enqueue_indirect_dma source(%arg9 : memref<128x64xf32, #tpu.memory_space<vmem>>) target(%dma_start3A_115 : memref<10112x64xf32, #tpu.memory_space<vmem_shared>>) offsets(%dma_start3A_112 : memref<128xi32, #tpu.memory_space<vmem>>) semaphore(%run_scoped3A : memref<!tpu.dma_semaphore, #tpu.memory_space<semaphore_mem>>) {add = true}
          %dma_wait3A_116 = arith.constant 0 : i32
          %dma_wait3A_117 = tpu.memref_slice %arg8[%mul3A_71, %dma_wait3A_116] : memref<79x128xi32, #tpu.memory_space<vmem>> -> memref<1x128xi32, #tpu.memory_space<vmem>>
          %dma_wait3A_118 = tpu.memref_squeeze %dma_wait3A_117 : memref<1x128xi32, #tpu.memory_space<vmem>> -> memref<128xi32, #tpu.memory_space<vmem>>
          %dma_wait3A_119 = arith.constant 0 : i32
          %dma_wait3A_120 = arith.constant 0 : i32
          %dma_wait3A_121 = tpu.memref_slice %arg13[%dma_wait3A_119, %dma_wait3A_120] : memref<10112x64xf32, #tpu.memory_space<vmem_shared>> -> memref<10112x64xf32, #tpu.memory_space<vmem_shared>>
          tpu.wait_indirect_dma semaphore(%run_scoped3A : memref<!tpu.dma_semaphore, #tpu.memory_space<semaphore_mem>>) src(%arg9 : memref<128x64xf32, #tpu.memory_space<vmem>>) dst(%dma_wait3A_121 : memref<10112x64xf32, #tpu.memory_space<vmem_shared>>)
          tpu.yield
        }) : () -> ()
      } else {
      }
      %add3A_81 = arith.constant 2 : i32
      %add3A_82 = arith.addi %mul3A_71, %add3A_81 : i32
      %lt3A_83 = arith.cmpi slt, %add3A_82, %min3A : i32
      %convert_element_type3A_84 = arith.extui %lt3A_83 : i1 to i32
      %cond3A_85 = arith.constant 0 : i32
      %cond3A_86 = arith.cmpi ne, %convert_element_type3A_84, %cond3A_85 : i32
      scf.if %cond3A_86 {
        %add3A_93 = arith.constant 2 : i32
        %add3A_94 = arith.addi %mul3A_71, %add3A_93 : i32
        %mul3A_95 = arith.constant 128 : i32
        %mul3A_96 = arith.muli %add3A_94, %mul3A_95 : i32
        %add3A_97 = arith.addi %mul3A_2, %mul3A_96 : i32
        %dma_start3A = arith.constant 64 : i32
        %dma_start3A_98 = tpu.memref_slice %arg3[%add3A_97, %dma_start3A] : memref<320000x128xf32, #tpu.memory_space<hbm>> -> memref<128x64xf32, #tpu.memory_space<hbm>>
        %dma_start3A_99 = arith.constant 64 : i32
        %dma_start3A_100 = tpu.memref_slice %arg3[%add3A_97, %dma_start3A_99] : memref<320000x128xf32, #tpu.memory_space<hbm>> -> memref<128x64xf32, #tpu.memory_space<hbm>>
        tpu.enqueue_dma source(%dma_start3A_100 : memref<128x64xf32, #tpu.memory_space<hbm>>) target(%arg11 : memref<128x64xf32, #tpu.memory_space<vmem>>) target_semaphore(%arg16 : memref<!tpu.dma_semaphore, #tpu.memory_space<semaphore_mem>>)
        %dma_start3A_101 = arith.constant 0 : i32
        %dma_start3A_102 = tpu.memref_slice %arg7[%add3A_94, %dma_start3A_101] : memref<79x128xi32, #tpu.memory_space<vmem>> -> memref<1x128xi32, #tpu.memory_space<vmem>>
        %dma_start3A_103 = tpu.memref_squeeze %dma_start3A_102 : memref<1x128xi32, #tpu.memory_space<vmem>> -> memref<128xi32, #tpu.memory_space<vmem>>
        %dma_start3A_104 = arith.constant 0 : i32
        %dma_start3A_105 = arith.constant 0 : i32
        %dma_start3A_106 = tpu.memref_slice %arg2[%dma_start3A_104, %dma_start3A_105] : memref<10000x64xf32, #tpu.memory_space<hbm>> -> memref<10000x64xf32, #tpu.memory_space<hbm>>
        tpu.enqueue_indirect_dma source(%dma_start3A_106 : memref<10000x64xf32, #tpu.memory_space<hbm>>) target(%arg9 : memref<128x64xf32, #tpu.memory_space<vmem>>) offsets(%dma_start3A_103 : memref<128xi32, #tpu.memory_space<vmem>>) semaphore(%arg14 : memref<!tpu.dma_semaphore, #tpu.memory_space<semaphore_mem>>)
      } else {
      }
      %add3A_87 = arith.constant 1 : i32
      %add3A_88 = arith.addi %mul3A_71, %add3A_87 : i32
      %lt3A_89 = arith.cmpi slt, %add3A_88, %min3A : i32
      %convert_element_type3A_90 = arith.extui %lt3A_89 : i1 to i32
      %cond3A_91 = arith.constant 0 : i32
      %cond3A_92 = arith.cmpi ne, %convert_element_type3A_90, %cond3A_91 : i32
      scf.if %cond3A_92 {
        %add3A_93 = arith.constant 1 : i32
        %add3A_94 = arith.addi %mul3A_71, %add3A_93 : i32
        %dma_wait3A = arith.constant 0 : i32
        %dma_wait3A_95 = arith.constant 64 : i32
        %dma_wait3A_96 = tpu.memref_slice %arg3[%dma_wait3A, %dma_wait3A_95] : memref<320000x128xf32, #tpu.memory_space<hbm>> -> memref<128x64xf32, #tpu.memory_space<hbm>>
        %dma_wait3A_97 = arith.constant 0 : i32
        %dma_wait3A_98 = arith.constant 64 : i32
        %dma_wait3A_99 = tpu.memref_slice %arg3[%dma_wait3A_97, %dma_wait3A_98] : memref<320000x128xf32, #tpu.memory_space<hbm>> -> memref<128x64xf32, #tpu.memory_space<hbm>>
        tpu.wait_dma2 semaphore(%arg17 : memref<!tpu.dma_semaphore, #tpu.memory_space<semaphore_mem>>) src(%dma_wait3A_99 : memref<128x64xf32, #tpu.memory_space<hbm>>) dst(%arg12 : memref<128x64xf32, #tpu.memory_space<vmem>>)
        %dma_wait3A_100 = arith.constant 0 : i32
        %dma_wait3A_101 = arith.constant 0 : i32
        %dma_wait3A_102 = tpu.memref_slice %arg7[%dma_wait3A_100, %dma_wait3A_101] : memref<79x128xi32, #tpu.memory_space<vmem>> -> memref<1x128xi32, #tpu.memory_space<vmem>>
        %dma_wait3A_103 = tpu.memref_squeeze %dma_wait3A_102 : memref<1x128xi32, #tpu.memory_space<vmem>> -> memref<128xi32, #tpu.memory_space<vmem>>
        %dma_wait3A_104 = arith.constant 0 : i32
        %dma_wait3A_105 = arith.constant 0 : i32
        %dma_wait3A_106 = tpu.memref_slice %arg2[%dma_wait3A_104, %dma_wait3A_105] : memref<10000x64xf32, #tpu.memory_space<hbm>> -> memref<10000x64xf32, #tpu.memory_space<hbm>>
        tpu.wait_indirect_dma semaphore(%arg15 : memref<!tpu.dma_semaphore, #tpu.memory_space<semaphore_mem>>) src(%dma_wait3A_106 : memref<10000x64xf32, #tpu.memory_space<hbm>>) dst(%arg10 : memref<128x64xf32, #tpu.memory_space<vmem>>)
        %scan3A_107 = arith.constant 0 : i32
        %scan3A_108 = arith.constant 0 : i32
        %scan3A_109 = arith.constant 128 : i32
        %scan3A_110 = arith.addi %scan3A_108, %scan3A_109 : i32
        %scan3A_111 = arith.constant 1 : i32
        scf.for %scan3A_113 = %scan3A_108 to %scan3A_110 step %scan3A_111  : i32 {
          %get3A = arith.index_cast %scan3A_113 : i32 to index
          %get3A_114 = arith.constant 0 : index
          %get3A_115 = tpu.vector_load %arg10[%get3A, %get3A_114] {strides = array<i32>} : memref<128x64xf32, #tpu.memory_space<vmem>>, vector<1x16xf32>,
          %get3A_116 = vector.shape_cast %get3A_115 : vector<1x16xf32> to vector<16xf32>
          %get3A_117 = arith.index_cast %scan3A_113 : i32 to index
          %get3A_118 = arith.constant 0 : index
          %get3A_119 = tpu.vector_load %arg12[%get3A_117, %get3A_118] {strides = array<i32>} : memref<128x64xf32, #tpu.memory_space<vmem>>, vector<1x16xf32>,
          %get3A_120 = vector.shape_cast %get3A_119 : vector<1x16xf32> to vector<16xf32>
          %mul3A_121 = arith.mulf %get3A_116, %get3A_120 : vector<16xf32>
          %swap3A = arith.index_cast %scan3A_113 : i32 to index
          %swap3A_122 = arith.constant 0 : index
          %swap3A_123 = tpu.vector_load %arg10[%swap3A, %swap3A_122] {strides = array<i32>} : memref<128x64xf32, #tpu.memory_space<vmem>>, vector<1x16xf32>,
          %swap3A_124 = vector.shape_cast %swap3A_123 : vector<1x16xf32> to vector<16xf32>
          %swap3A_125 = vector.shape_cast %mul3A_121 : vector<16xf32> to vector<1x16xf32>
          tpu.vector_store %arg10[%swap3A, %swap3A_122], %swap3A_125 {strides = array<i32>} : memref<128x64xf32, #tpu.memory_space<vmem>>, vector<1x16xf32>,
          %get3A_126 = arith.index_cast %scan3A_113 : i32 to index
          %get3A_127 = arith.constant 16 : index
          %get3A_128 = tpu.vector_load %arg10[%get3A_126, %get3A_127] {strides = array<i32>} : memref<128x64xf32, #tpu.memory_space<vmem>>, vector<1x16xf32>,
          %get3A_129 = vector.shape_cast %get3A_128 : vector<1x16xf32> to vector<16xf32>
          %get3A_130 = arith.index_cast %scan3A_113 : i32 to index
          %get3A_131 = arith.constant 16 : index
          %get3A_132 = tpu.vector_load %arg12[%get3A_130, %get3A_131] {strides = array<i32>} : memref<128x64xf32, #tpu.memory_space<vmem>>, vector<1x16xf32>,
          %get3A_133 = vector.shape_cast %get3A_132 : vector<1x16xf32> to vector<16xf32>
          %mul3A_134 = arith.mulf %get3A_129, %get3A_133 : vector<16xf32>
          %swap3A_135 = arith.index_cast %scan3A_113 : i32 to index
          %swap3A_136 = arith.constant 16 : index
          %swap3A_137 = tpu.vector_load %arg10[%swap3A_135, %swap3A_136] {strides = array<i32>} : memref<128x64xf32, #tpu.memory_space<vmem>>, vector<1x16xf32>,
          %swap3A_138 = vector.shape_cast %swap3A_137 : vector<1x16xf32> to vector<16xf32>
          %swap3A_139 = vector.shape_cast %mul3A_134 : vector<16xf32> to vector<1x16xf32>
          tpu.vector_store %arg10[%swap3A_135, %swap3A_136], %swap3A_139 {strides = array<i32>} : memref<128x64xf32, #tpu.memory_space<vmem>>, vector<1x16xf32>,
          %get3A_140 = arith.index_cast %scan3A_113 : i32 to index
          %get3A_141 = arith.constant 32 : index
          %get3A_142 = tpu.vector_load %arg10[%get3A_140, %get3A_141] {strides = array<i32>} : memref<128x64xf32, #tpu.memory_space<vmem>>, vector<1x16xf32>,
          %get3A_143 = vector.shape_cast %get3A_142 : vector<1x16xf32> to vector<16xf32>
          %get3A_144 = arith.index_cast %scan3A_113 : i32 to index
          %get3A_145 = arith.constant 32 : index
          %get3A_146 = tpu.vector_load %arg12[%get3A_144, %get3A_145] {strides = array<i32>} : memref<128x64xf32, #tpu.memory_space<vmem>>, vector<1x16xf32>,
          %get3A_147 = vector.shape_cast %get3A_146 : vector<1x16xf32> to vector<16xf32>
          %mul3A_148 = arith.mulf %get3A_143, %get3A_147 : vector<16xf32>
          %swap3A_149 = arith.index_cast %scan3A_113 : i32 to index
          %swap3A_150 = arith.constant 32 : index
          %swap3A_151 = tpu.vector_load %arg10[%swap3A_149, %swap3A_150] {strides = array<i32>} : memref<128x64xf32, #tpu.memory_space<vmem>>, vector<1x16xf32>,
          %swap3A_152 = vector.shape_cast %swap3A_151 : vector<1x16xf32> to vector<16xf32>
          %swap3A_153 = vector.shape_cast %mul3A_148 : vector<16xf32> to vector<1x16xf32>
          tpu.vector_store %arg10[%swap3A_149, %swap3A_150], %swap3A_153 {strides = array<i32>} : memref<128x64xf32, #tpu.memory_space<vmem>>, vector<1x16xf32>,
          %get3A_154 = arith.index_cast %scan3A_113 : i32 to index
          %get3A_155 = arith.constant 48 : index
          %get3A_156 = tpu.vector_load %arg10[%get3A_154, %get3A_155] {strides = array<i32>} : memref<128x64xf32, #tpu.memory_space<vmem>>, vector<1x16xf32>,
          %get3A_157 = vector.shape_cast %get3A_156 : vector<1x16xf32> to vector<16xf32>
          %get3A_158 = arith.index_cast %scan3A_113 : i32 to index
          %get3A_159 = arith.constant 48 : index
          %get3A_160 = tpu.vector_load %arg12[%get3A_158, %get3A_159] {strides = array<i32>} : memref<128x64xf32, #tpu.memory_space<vmem>>, vector<1x16xf32>,
          %get3A_161 = vector.shape_cast %get3A_160 : vector<1x16xf32> to vector<16xf32>
          %mul3A_162 = arith.mulf %get3A_157, %get3A_161 : vector<16xf32>
          %swap3A_163 = arith.index_cast %scan3A_113 : i32 to index
          %swap3A_164 = arith.constant 48 : index
          %swap3A_165 = tpu.vector_load %arg10[%swap3A_163, %swap3A_164] {strides = array<i32>} : memref<128x64xf32, #tpu.memory_space<vmem>>, vector<1x16xf32>,
          %swap3A_166 = vector.shape_cast %swap3A_165 : vector<1x16xf32> to vector<16xf32>
          %swap3A_167 = vector.shape_cast %mul3A_162 : vector<16xf32> to vector<1x16xf32>
          tpu.vector_store %arg10[%swap3A_163, %swap3A_164], %swap3A_167 {strides = array<i32>} : memref<128x64xf32, #tpu.memory_space<vmem>>, vector<1x16xf32>,
        }
        %scan3A_112 = arith.constant 128 : i32
        "tpu.region"() ({
          %run_scoped3A = tpu.sem_alloc : memref<!tpu.dma_semaphore, #tpu.memory_space<semaphore_mem>>
          %dma_start3A = arith.constant 0 : i32
          %dma_start3A_113 = tpu.memref_slice %arg8[%add3A_94, %dma_start3A] : memref<79x128xi32, #tpu.memory_space<vmem>> -> memref<1x128xi32, #tpu.memory_space<vmem>>
          %dma_start3A_114 = tpu.memref_squeeze %dma_start3A_113 : memref<1x128xi32, #tpu.memory_space<vmem>> -> memref<128xi32, #tpu.memory_space<vmem>>
          %dma_start3A_115 = arith.constant 0 : i32
          %dma_start3A_116 = arith.constant 0 : i32
          %dma_start3A_117 = tpu.memref_slice %arg13[%dma_start3A_115, %dma_start3A_116] : memref<10112x64xf32, #tpu.memory_space<vmem_shared>> -> memref<10112x64xf32, #tpu.memory_space<vmem_shared>>
          tpu.enqueue_indirect_dma source(%arg10 : memref<128x64xf32, #tpu.memory_space<vmem>>) target(%dma_start3A_117 : memref<10112x64xf32, #tpu.memory_space<vmem_shared>>) offsets(%dma_start3A_114 : memref<128xi32, #tpu.memory_space<vmem>>) semaphore(%run_scoped3A : memref<!tpu.dma_semaphore, #tpu.memory_space<semaphore_mem>>) {add = true}
          %dma_wait3A_118 = arith.constant 0 : i32
          %dma_wait3A_119 = tpu.memref_slice %arg8[%add3A_94, %dma_wait3A_118] : memref<79x128xi32, #tpu.memory_space<vmem>> -> memref<1x128xi32, #tpu.memory_space<vmem>>
          %dma_wait3A_120 = tpu.memref_squeeze %dma_wait3A_119 : memref<1x128xi32, #tpu.memory_space<vmem>> -> memref<128xi32, #tpu.memory_space<vmem>>
          %dma_wait3A_121 = arith.constant 0 : i32
          %dma_wait3A_122 = arith.constant 0 : i32
          %dma_wait3A_123 = tpu.memref_slice %arg13[%dma_wait3A_121, %dma_wait3A_122] : memref<10112x64xf32, #tpu.memory_space<vmem_shared>> -> memref<10112x64xf32, #tpu.memory_space<vmem_shared>>
          tpu.wait_indirect_dma semaphore(%run_scoped3A : memref<!tpu.dma_semaphore, #tpu.memory_space<semaphore_mem>>) src(%arg10 : memref<128x64xf32, #tpu.memory_space<vmem>>) dst(%dma_wait3A_123 : memref<10112x64xf32, #tpu.memory_space<vmem_shared>>)
          tpu.yield
        }) : () -> ()
      } else {
      }
    }
    %scan3A_63 = arith.constant 40 : i32
    %barrier3A_64 = arith.constant 0 : index
    tpu.barrier barrier_id(%barrier3A_64)
    %mul3A_65 = arith.constant 632 : i32
    %mul3A_66 = arith.muli %arg1, %mul3A_65 : i32
    %mul3A_67 = arith.constant 632 : i32
    %mul3A_68 = arith.muli %arg1, %mul3A_67 : i32
    "tpu.region"() ({
      %run_scoped3A = tpu.sem_alloc : memref<!tpu.dma_semaphore, #tpu.memory_space<semaphore_mem>>
      %dma_start3A = arith.constant 0 : i32
      %dma_start3A_69 = tpu.memref_slice %arg6[%arg0, %mul3A_68, %dma_start3A] : memref<2x10112x64xf32, #tpu.memory_space<hbm>> -> memref<1x632x64xf32, #tpu.memory_space<hbm>>
      %dma_start3A_70 = tpu.memref_squeeze %dma_start3A_69 : memref<1x632x64xf32, #tpu.memory_space<hbm>> -> memref<632x64xf32, #tpu.memory_space<hbm>>
      %dma_start3A_71 = arith.constant 0 : i32
      %dma_start3A_72 = tpu.memref_slice %arg13[%mul3A_66, %dma_start3A_71] : memref<10112x64xf32, #tpu.memory_space<vmem_shared>> -> memref<632x64xf32, #tpu.memory_space<vmem_shared>>
      tpu.enqueue_dma source(%dma_start3A_72 : memref<632x64xf32, #tpu.memory_space<vmem_shared>>) target(%dma_start3A_70 : memref<632x64xf32, #tpu.memory_space<hbm>>) target_semaphore(%run_scoped3A : memref<!tpu.dma_semaphore, #tpu.memory_space<semaphore_mem>>)
      %dma_wait3A = arith.constant 0 : i32
      %dma_wait3A_73 = tpu.memref_slice %arg6[%arg0, %mul3A_68, %dma_wait3A] : memref<2x10112x64xf32, #tpu.memory_space<hbm>> -> memref<1x632x64xf32, #tpu.memory_space<hbm>>
      %dma_wait3A_74 = tpu.memref_squeeze %dma_wait3A_73 : memref<1x632x64xf32, #tpu.memory_space<hbm>> -> memref<632x64xf32, #tpu.memory_space<hbm>>
      %dma_wait3A_75 = arith.constant 0 : i32
      %dma_wait3A_76 = tpu.memref_slice %arg13[%mul3A_66, %dma_wait3A_75] : memref<10112x64xf32, #tpu.memory_space<vmem_shared>> -> memref<632x64xf32, #tpu.memory_space<vmem_shared>>
      tpu.wait_dma2 semaphore(%run_scoped3A : memref<!tpu.dma_semaphore, #tpu.memory_space<semaphore_mem>>) src(%dma_wait3A_76 : memref<632x64xf32, #tpu.memory_space<vmem_shared>>) dst(%dma_wait3A_74 : memref<632x64xf32, #tpu.memory_space<hbm>>)
      tpu.yield
    }) : () -> ()
    return
  }
}

#map = affine_map<(d0, d1) -> (0, 0)>
#map1 = affine_map<(d0, d1) -> (0, 0, 0)>
module attributes {stable_mosaic.version = 14 : i64} {
  func.func @sc_conv(%arg0: i32, %arg1: i32, %arg2: memref<10000x64xf32, #tpu.memory_space<hbm>>, %arg3: memref<320000x128xf32, #tpu.memory_space<hbm>>, %arg4: memref<2528x128xi32, #tpu.memory_space<hbm>>, %arg5: memref<2528x128xi32, #tpu.memory_space<hbm>>, %arg6: memref<2x10112x64xf32, #tpu.memory_space<hbm>>, %arg7: memref<79x128xi32, #tpu.memory_space<vmem>>, %arg8: memref<79x128xi32, #tpu.memory_space<vmem>>, %arg9: memref<128x64xf32, #tpu.memory_space<vmem>>, %arg10: memref<128x64xf32, #tpu.memory_space<vmem>>, %arg11: memref<128x64xf32, #tpu.memory_space<vmem>>, %arg12: memref<128x64xf32, #tpu.memory_space<vmem>>, %arg13: memref<10112x64xf32, #tpu.memory_space<vmem_shared>>, %arg14: memref<!tpu.dma_semaphore, #tpu.memory_space<semaphore_mem>>, %arg15: memref<!tpu.dma_semaphore, #tpu.memory_space<semaphore_mem>>, %arg16: memref<!tpu.dma_semaphore, #tpu.memory_space<semaphore_mem>>, %arg17: memref<!tpu.dma_semaphore, #tpu.memory_space<semaphore_mem>>) attributes {dimension_semantics = [#tpu.dimension_semantics<core_parallel>, #tpu.dimension_semantics<subcore_parallel>], iteration_bounds = array<i64: 2, 16>, scalar_prefetch = 0 : i64, scratch_operands = 11 : i64, tpu.core_type = #tpu.core_type<sc_vector_subcore>, window_params = [{transform_indices = #map}, {transform_indices = #map}, {transform_indices = #map}, {transform_indices = #map}, {transform_indices = #map1}]} {
    %mul3A = arith.constant 16 : i32
    %mul3A_0 = arith.muli %arg0, %mul3A : i32
    %add3A = arith.addi %mul3A_0, %arg1 : i32
    %mul3A_1 = arith.constant 10112 : i32
    %mul3A_2 = arith.muli %add3A, %mul3A_1 : i32
    %sub3A = arith.constant 320000 : i32
    %sub3A_3 = arith.subi %sub3A, %mul3A_2 : i32
    %add3A_4 = arith.constant 128 : i32
    %add3A_5 = arith.addi %sub3A_3, %add3A_4 : i32
    %sub3A_6 = arith.constant 1 : i32
    %sub3A_7 = arith.subi %add3A_5, %sub3A_6 : i32
    %jit3A = arith.constant 128 : i32
    %div3A = arith.divsi %sub3A_7, %jit3A : i32
    %sign3A = arith.constant 0 : i32
    %sign3A_8 = arith.cmpi sgt, %sub3A_7, %sign3A : i32
    %sign3A_9 = arith.extui %sign3A_8 : i1 to i32
    %sign3A_10 = arith.constant 0 : i32
    %sign3A_11 = arith.cmpi slt, %sub3A_7, %sign3A_10 : i32
    %sign3A_12 = arith.extui %sign3A_11 : i1 to i32
    %sign3A_13 = arith.subi %sign3A_9, %sign3A_12 : i32
    %sign3A_14 = arith.constant 0 : i32
    %sign3A_15 = arith.cmpi sgt, %jit3A, %sign3A_14 : i32
    %sign3A_16 = arith.extui %sign3A_15 : i1 to i32
    %sign3A_17 = arith.constant 0 : i32
    %sign3A_18 = arith.cmpi slt, %jit3A, %sign3A_17 : i32
    %sign3A_19 = arith.extui %sign3A_18 : i1 to i32
    %sign3A_20 = arith.subi %sign3A_16, %sign3A_19 : i32
    %ne3A = arith.cmpi ne, %sign3A_13, %sign3A_20 : i32
    %rem3A = arith.remsi %sub3A_7, %jit3A : i32
    %ne3A_21 = arith.constant 0 : i32
    %ne3A_22 = arith.cmpi ne, %rem3A, %ne3A_21 : i32
    %and3A = arith.andi %ne3A, %ne3A_22 : i1
    %sub3A_23 = arith.constant 1 : i32
    %sub3A_24 = arith.subi %div3A, %sub3A_23 : i32
    %select_n3A = arith.select %and3A, %sub3A_24, %div3A : i32
    %jit3A_25 = arith.constant 0 : i32
    %jit3A_26 = arith.constant 79 : i32
    %max3A = arith.maxsi %jit3A_25, %select_n3A : i32
    %min3A = arith.minsi %jit3A_26, %max3A : i32
    %scan3A = arith.constant 0 : i32
    %scan3A_27 = arith.constant 0 : i32
    %scan3A_28 = arith.constant 128 : i32
    %scan3A_29 = arith.addi %scan3A_27, %scan3A_28 : i32
    %scan3A_30 = arith.constant 1 : i32
    scf.for %scan3A_69 = %scan3A_27 to %scan3A_29 step %scan3A_30  : i32 {
      %broadcast_in_dim3A = arith.constant 0.000000e+00 : f32
      %broadcast_in_dim3A_70 = vector.broadcast %broadcast_in_dim3A : f32 to vector<16xf32>
      %swap3A = arith.index_cast %scan3A_69 : i32 to index
      %swap3A_71 = arith.constant 0 : index
      %swap3A_72 = tpu.vector_load %arg9[%swap3A, %swap3A_71] {strides = array<i32>} : memref<128x64xf32, #tpu.memory_space<vmem>>, vector<1x16xf32>,
      %swap3A_73 = vector.shape_cast %swap3A_72 : vector<1x16xf32> to vector<16xf32>
      %swap3A_74 = vector.shape_cast %broadcast_in_dim3A_70 : vector<16xf32> to vector<1x16xf32>
      tpu.vector_store %arg9[%swap3A, %swap3A_71], %swap3A_74 {strides = array<i32>} : memref<128x64xf32, #tpu.memory_space<vmem>>, vector<1x16xf32>,
      %broadcast_in_dim3A_75 = arith.constant 0.000000e+00 : f32
      %broadcast_in_dim3A_76 = vector.broadcast %broadcast_in_dim3A_75 : f32 to vector<16xf32>
      %swap3A_77 = arith.index_cast %scan3A_69 : i32 to index
      %swap3A_78 = arith.constant 16 : index
      %swap3A_79 = tpu.vector_load %arg9[%swap3A_77, %swap3A_78] {strides = array<i32>} : memref<128x64xf32, #tpu.memory_space<vmem>>, vector<1x16xf32>,
      %swap3A_80 = vector.shape_cast %swap3A_79 : vector<1x16xf32> to vector<16xf32>
      %swap3A_81 = vector.shape_cast %broadcast_in_dim3A_76 : vector<16xf32> to vector<1x16xf32>
      tpu.vector_store %arg9[%swap3A_77, %swap3A_78], %swap3A_81 {strides = array<i32>} : memref<128x64xf32, #tpu.memory_space<vmem>>, vector<1x16xf32>,
      %broadcast_in_dim3A_82 = arith.constant 0.000000e+00 : f32
      %broadcast_in_dim3A_83 = vector.broadcast %broadcast_in_dim3A_82 : f32 to vector<16xf32>
      %swap3A_84 = arith.index_cast %scan3A_69 : i32 to index
      %swap3A_85 = arith.constant 32 : index
      %swap3A_86 = tpu.vector_load %arg9[%swap3A_84, %swap3A_85] {strides = array<i32>} : memref<128x64xf32, #tpu.memory_space<vmem>>, vector<1x16xf32>,
      %swap3A_87 = vector.shape_cast %swap3A_86 : vector<1x16xf32> to vector<16xf32>
      %swap3A_88 = vector.shape_cast %broadcast_in_dim3A_83 : vector<16xf32> to vector<1x16xf32>
      tpu.vector_store %arg9[%swap3A_84, %swap3A_85], %swap3A_88 {strides = array<i32>} : memref<128x64xf32, #tpu.memory_space<vmem>>, vector<1x16xf32>,
      %broadcast_in_dim3A_89 = arith.constant 0.000000e+00 : f32
      %broadcast_in_dim3A_90 = vector.broadcast %broadcast_in_dim3A_89 : f32 to vector<16xf32>
      %swap3A_91 = arith.index_cast %scan3A_69 : i32 to index
      %swap3A_92 = arith.constant 48 : index
      %swap3A_93 = tpu.vector_load %arg9[%swap3A_91, %swap3A_92] {strides = array<i32>} : memref<128x64xf32, #tpu.memory_space<vmem>>, vector<1x16xf32>,
      %swap3A_94 = vector.shape_cast %swap3A_93 : vector<1x16xf32> to vector<16xf32>
      %swap3A_95 = vector.shape_cast %broadcast_in_dim3A_90 : vector<16xf32> to vector<1x16xf32>
      tpu.vector_store %arg9[%swap3A_91, %swap3A_92], %swap3A_95 {strides = array<i32>} : memref<128x64xf32, #tpu.memory_space<vmem>>, vector<1x16xf32>,
    }
    %scan3A_31 = arith.constant 128 : i32
    %mul3A_32 = arith.constant 632 : i32
    %mul3A_33 = arith.muli %arg1, %mul3A_32 : i32
    %add3A_34 = arith.constant 0 : i32
    %add3A_35 = arith.addi %mul3A_33, %add3A_34 : i32
    "tpu.region"() ({
      %run_scoped3A = tpu.sem_alloc : memref<!tpu.dma_semaphore, #tpu.memory_space<semaphore_mem>>
      %dma_start3A = arith.constant 0 : i32
      %dma_start3A_69 = arith.constant 0 : i32
      %dma_start3A_70 = tpu.memref_slice %arg9[%dma_start3A, %dma_start3A_69] : memref<128x64xf32, #tpu.memory_space<vmem>> -> memref<128x64xf32, #tpu.memory_space<vmem>>
      %dma_start3A_71 = arith.constant 0 : i32
      %dma_start3A_72 = tpu.memref_slice %arg13[%add3A_35, %dma_start3A_71] : memref<10112x64xf32, #tpu.memory_space<vmem_shared>> -> memref<128x64xf32, #tpu.memory_space<vmem_shared>>
      %dma_start3A_73 = arith.constant 0 : i32
      %dma_start3A_74 = tpu.memref_slice %arg13[%add3A_35, %dma_start3A_73] : memref<10112x64xf32, #tpu.memory_space<vmem_shared>> -> memref<128x64xf32, #tpu.memory_space<vmem_shared>>
      %dma_start3A_75 = arith.constant 0 : i32
      %dma_start3A_76 = arith.constant 0 : i32
      %dma_start3A_77 = tpu.memref_slice %arg9[%dma_start3A_75, %dma_start3A_76] : memref<128x64xf32, #tpu.memory_space<vmem>> -> memref<128x64xf32, #tpu.memory_space<vmem>>
      tpu.enqueue_dma source(%dma_start3A_77 : memref<128x64xf32, #tpu.memory_space<vmem>>) target(%dma_start3A_74 : memref<128x64xf32, #tpu.memory_space<vmem_shared>>) target_semaphore(%run_scoped3A : memref<!tpu.dma_semaphore, #tpu.memory_space<semaphore_mem>>)
      %dma_wait3A = arith.constant 0 : i32
      %dma_wait3A_78 = arith.constant 0 : i32
      %dma_wait3A_79 = tpu.memref_slice %arg9[%dma_wait3A, %dma_wait3A_78] : memref<128x64xf32, #tpu.memory_space<vmem>> -> memref<128x64xf32, #tpu.memory_space<vmem>>
      %dma_wait3A_80 = arith.constant 0 : i32
      %dma_wait3A_81 = tpu.memref_slice %arg13[%add3A_35, %dma_wait3A_80] : memref<10112x64xf32, #tpu.memory_space<vmem_shared>> -> memref<128x64xf32, #tpu.memory_space<vmem_shared>>
      %dma_wait3A_82 = arith.constant 0 : i32
      %dma_wait3A_83 = tpu.memref_slice %arg13[%add3A_35, %dma_wait3A_82] : memref<10112x64xf32, #tpu.memory_space<vmem_shared>> -> memref<128x64xf32, #tpu.memory_space<vmem_shared>>
      %dma_wait3A_84 = arith.constant 0 : i32
      %dma_wait3A_85 = arith.constant 0 : i32
      %dma_wait3A_86 = tpu.memref_slice %arg9[%dma_wait3A_84, %dma_wait3A_85] : memref<128x64xf32, #tpu.memory_space<vmem>> -> memref<128x64xf32, #tpu.memory_space<vmem>>
      tpu.wait_dma2 semaphore(%run_scoped3A : memref<!tpu.dma_semaphore, #tpu.memory_space<semaphore_mem>>) src(%dma_wait3A_86 : memref<128x64xf32, #tpu.memory_space<vmem>>) dst(%dma_wait3A_83 : memref<128x64xf32, #tpu.memory_space<vmem_shared>>)
      tpu.yield
    }) : () -> ()
    %mul3A_36 = arith.constant 632 : i32
    %mul3A_37 = arith.muli %arg1, %mul3A_36 : i32
    %add3A_38 = arith.constant 128 : i32
    %add3A_39 = arith.addi %mul3A_37, %add3A_38 : i32
    "tpu.region"() ({
      %run_scoped3A = tpu.sem_alloc : memref<!tpu.dma_semaphore, #tpu.memory_space<semaphore_mem>>
      %dma_start3A = arith.constant 0 : i32
      %dma_start3A_69 = arith.constant 0 : i32
      %dma_start3A_70 = tpu.memref_slice %arg9[%dma_start3A, %dma_start3A_69] : memref<128x64xf32, #tpu.memory_space<vmem>> -> memref<128x64xf32, #tpu.memory_space<vmem>>
      %dma_start3A_71 = arith.constant 0 : i32
      %dma_start3A_72 = tpu.memref_slice %arg13[%add3A_39, %dma_start3A_71] : memref<10112x64xf32, #tpu.memory_space<vmem_shared>> -> memref<128x64xf32, #tpu.memory_space<vmem_shared>>
      %dma_start3A_73 = arith.constant 0 : i32
      %dma_start3A_74 = tpu.memref_slice %arg13[%add3A_39, %dma_start3A_73] : memref<10112x64xf32, #tpu.memory_space<vmem_shared>> -> memref<128x64xf32, #tpu.memory_space<vmem_shared>>
      %dma_start3A_75 = arith.constant 0 : i32
      %dma_start3A_76 = arith.constant 0 : i32
      %dma_start3A_77 = tpu.memref_slice %arg9[%dma_start3A_75, %dma_start3A_76] : memref<128x64xf32, #tpu.memory_space<vmem>> -> memref<128x64xf32, #tpu.memory_space<vmem>>
      tpu.enqueue_dma source(%dma_start3A_77 : memref<128x64xf32, #tpu.memory_space<vmem>>) target(%dma_start3A_74 : memref<128x64xf32, #tpu.memory_space<vmem_shared>>) target_semaphore(%run_scoped3A : memref<!tpu.dma_semaphore, #tpu.memory_space<semaphore_mem>>)
      %dma_wait3A = arith.constant 0 : i32
      %dma_wait3A_78 = arith.constant 0 : i32
      %dma_wait3A_79 = tpu.memref_slice %arg9[%dma_wait3A, %dma_wait3A_78] : memref<128x64xf32, #tpu.memory_space<vmem>> -> memref<128x64xf32, #tpu.memory_space<vmem>>
      %dma_wait3A_80 = arith.constant 0 : i32
      %dma_wait3A_81 = tpu.memref_slice %arg13[%add3A_39, %dma_wait3A_80] : memref<10112x64xf32, #tpu.memory_space<vmem_shared>> -> memref<128x64xf32, #tpu.memory_space<vmem_shared>>
      %dma_wait3A_82 = arith.constant 0 : i32
      %dma_wait3A_83 = tpu.memref_slice %arg13[%add3A_39, %dma_wait3A_82] : memref<10112x64xf32, #tpu.memory_space<vmem_shared>> -> memref<128x64xf32, #tpu.memory_space<vmem_shared>>
      %dma_wait3A_84 = arith.constant 0 : i32
      %dma_wait3A_85 = arith.constant 0 : i32
      %dma_wait3A_86 = tpu.memref_slice %arg9[%dma_wait3A_84, %dma_wait3A_85] : memref<128x64xf32, #tpu.memory_space<vmem>> -> memref<128x64xf32, #tpu.memory_space<vmem>>
      tpu.wait_dma2 semaphore(%run_scoped3A : memref<!tpu.dma_semaphore, #tpu.memory_space<semaphore_mem>>) src(%dma_wait3A_86 : memref<128x64xf32, #tpu.memory_space<vmem>>) dst(%dma_wait3A_83 : memref<128x64xf32, #tpu.memory_space<vmem_shared>>)
      tpu.yield
    }) : () -> ()
    %mul3A_40 = arith.constant 632 : i32
    %mul3A_41 = arith.muli %arg1, %mul3A_40 : i32
    %add3A_42 = arith.constant 256 : i32
    %add3A_43 = arith.addi %mul3A_41, %add3A_42 : i32
    "tpu.region"() ({
      %run_scoped3A = tpu.sem_alloc : memref<!tpu.dma_semaphore, #tpu.memory_space<semaphore_mem>>
      %dma_start3A = arith.constant 0 : i32
      %dma_start3A_69 = arith.constant 0 : i32
      %dma_start3A_70 = tpu.memref_slice %arg9[%dma_start3A, %dma_start3A_69] : memref<128x64xf32, #tpu.memory_space<vmem>> -> memref<128x64xf32, #tpu.memory_space<vmem>>
      %dma_start3A_71 = arith.constant 0 : i32
      %dma_start3A_72 = tpu.memref_slice %arg13[%add3A_43, %dma_start3A_71] : memref<10112x64xf32, #tpu.memory_space<vmem_shared>> -> memref<128x64xf32, #tpu.memory_space<vmem_shared>>
      %dma_start3A_73 = arith.constant 0 : i32
      %dma_start3A_74 = tpu.memref_slice %arg13[%add3A_43, %dma_start3A_73] : memref<10112x64xf32, #tpu.memory_space<vmem_shared>> -> memref<128x64xf32, #tpu.memory_space<vmem_shared>>
      %dma_start3A_75 = arith.constant 0 : i32
      %dma_start3A_76 = arith.constant 0 : i32
      %dma_start3A_77 = tpu.memref_slice %arg9[%dma_start3A_75, %dma_start3A_76] : memref<128x64xf32, #tpu.memory_space<vmem>> -> memref<128x64xf32, #tpu.memory_space<vmem>>
      tpu.enqueue_dma source(%dma_start3A_77 : memref<128x64xf32, #tpu.memory_space<vmem>>) target(%dma_start3A_74 : memref<128x64xf32, #tpu.memory_space<vmem_shared>>) target_semaphore(%run_scoped3A : memref<!tpu.dma_semaphore, #tpu.memory_space<semaphore_mem>>)
      %dma_wait3A = arith.constant 0 : i32
      %dma_wait3A_78 = arith.constant 0 : i32
      %dma_wait3A_79 = tpu.memref_slice %arg9[%dma_wait3A, %dma_wait3A_78] : memref<128x64xf32, #tpu.memory_space<vmem>> -> memref<128x64xf32, #tpu.memory_space<vmem>>
      %dma_wait3A_80 = arith.constant 0 : i32
      %dma_wait3A_81 = tpu.memref_slice %arg13[%add3A_43, %dma_wait3A_80] : memref<10112x64xf32, #tpu.memory_space<vmem_shared>> -> memref<128x64xf32, #tpu.memory_space<vmem_shared>>
      %dma_wait3A_82 = arith.constant 0 : i32
      %dma_wait3A_83 = tpu.memref_slice %arg13[%add3A_43, %dma_wait3A_82] : memref<10112x64xf32, #tpu.memory_space<vmem_shared>> -> memref<128x64xf32, #tpu.memory_space<vmem_shared>>
      %dma_wait3A_84 = arith.constant 0 : i32
      %dma_wait3A_85 = arith.constant 0 : i32
      %dma_wait3A_86 = tpu.memref_slice %arg9[%dma_wait3A_84, %dma_wait3A_85] : memref<128x64xf32, #tpu.memory_space<vmem>> -> memref<128x64xf32, #tpu.memory_space<vmem>>
      tpu.wait_dma2 semaphore(%run_scoped3A : memref<!tpu.dma_semaphore, #tpu.memory_space<semaphore_mem>>) src(%dma_wait3A_86 : memref<128x64xf32, #tpu.memory_space<vmem>>) dst(%dma_wait3A_83 : memref<128x64xf32, #tpu.memory_space<vmem_shared>>)
      tpu.yield
    }) : () -> ()
    %mul3A_44 = arith.constant 632 : i32
    %mul3A_45 = arith.muli %arg1, %mul3A_44 : i32
    %add3A_46 = arith.constant 384 : i32
    %add3A_47 = arith.addi %mul3A_45, %add3A_46 : i32
    "tpu.region"() ({
      %run_scoped3A = tpu.sem_alloc : memref<!tpu.dma_semaphore, #tpu.memory_space<semaphore_mem>>
      %dma_start3A = arith.constant 0 : i32
      %dma_start3A_69 = arith.constant 0 : i32
      %dma_start3A_70 = tpu.memref_slice %arg9[%dma_start3A, %dma_start3A_69] : memref<128x64xf32, #tpu.memory_space<vmem>> -> memref<128x64xf32, #tpu.memory_space<vmem>>
      %dma_start3A_71 = arith.constant 0 : i32
      %dma_start3A_72 = tpu.memref_slice %arg13[%add3A_47, %dma_start3A_71] : memref<10112x64xf32, #tpu.memory_space<vmem_shared>> -> memref<128x64xf32, #tpu.memory_space<vmem_shared>>
      %dma_start3A_73 = arith.constant 0 : i32
      %dma_start3A_74 = tpu.memref_slice %arg13[%add3A_47, %dma_start3A_73] : memref<10112x64xf32, #tpu.memory_space<vmem_shared>> -> memref<128x64xf32, #tpu.memory_space<vmem_shared>>
      %dma_start3A_75 = arith.constant 0 : i32
      %dma_start3A_76 = arith.constant 0 : i32
      %dma_start3A_77 = tpu.memref_slice %arg9[%dma_start3A_75, %dma_start3A_76] : memref<128x64xf32, #tpu.memory_space<vmem>> -> memref<128x64xf32, #tpu.memory_space<vmem>>
      tpu.enqueue_dma source(%dma_start3A_77 : memref<128x64xf32, #tpu.memory_space<vmem>>) target(%dma_start3A_74 : memref<128x64xf32, #tpu.memory_space<vmem_shared>>) target_semaphore(%run_scoped3A : memref<!tpu.dma_semaphore, #tpu.memory_space<semaphore_mem>>)
      %dma_wait3A = arith.constant 0 : i32
      %dma_wait3A_78 = arith.constant 0 : i32
      %dma_wait3A_79 = tpu.memref_slice %arg9[%dma_wait3A, %dma_wait3A_78] : memref<128x64xf32, #tpu.memory_space<vmem>> -> memref<128x64xf32, #tpu.memory_space<vmem>>
      %dma_wait3A_80 = arith.constant 0 : i32
      %dma_wait3A_81 = tpu.memref_slice %arg13[%add3A_47, %dma_wait3A_80] : memref<10112x64xf32, #tpu.memory_space<vmem_shared>> -> memref<128x64xf32, #tpu.memory_space<vmem_shared>>
      %dma_wait3A_82 = arith.constant 0 : i32
      %dma_wait3A_83 = tpu.memref_slice %arg13[%add3A_47, %dma_wait3A_82] : memref<10112x64xf32, #tpu.memory_space<vmem_shared>> -> memref<128x64xf32, #tpu.memory_space<vmem_shared>>
      %dma_wait3A_84 = arith.constant 0 : i32
      %dma_wait3A_85 = arith.constant 0 : i32
      %dma_wait3A_86 = tpu.memref_slice %arg9[%dma_wait3A_84, %dma_wait3A_85] : memref<128x64xf32, #tpu.memory_space<vmem>> -> memref<128x64xf32, #tpu.memory_space<vmem>>
      tpu.wait_dma2 semaphore(%run_scoped3A : memref<!tpu.dma_semaphore, #tpu.memory_space<semaphore_mem>>) src(%dma_wait3A_86 : memref<128x64xf32, #tpu.memory_space<vmem>>) dst(%dma_wait3A_83 : memref<128x64xf32, #tpu.memory_space<vmem_shared>>)
      tpu.yield
    }) : () -> ()
    %mul3A_48 = arith.constant 632 : i32
    %mul3A_49 = arith.muli %arg1, %mul3A_48 : i32
    %add3A_50 = arith.constant 512 : i32
    %add3A_51 = arith.addi %mul3A_49, %add3A_50 : i32
    "tpu.region"() ({
      %run_scoped3A = tpu.sem_alloc : memref<!tpu.dma_semaphore, #tpu.memory_space<semaphore_mem>>
      %dma_start3A = arith.constant 0 : i32
      %dma_start3A_69 = arith.constant 0 : i32
      %dma_start3A_70 = tpu.memref_slice %arg9[%dma_start3A, %dma_start3A_69] : memref<128x64xf32, #tpu.memory_space<vmem>> -> memref<120x64xf32, #tpu.memory_space<vmem>>
      %dma_start3A_71 = arith.constant 0 : i32
      %dma_start3A_72 = tpu.memref_slice %arg13[%add3A_51, %dma_start3A_71] : memref<10112x64xf32, #tpu.memory_space<vmem_shared>> -> memref<120x64xf32, #tpu.memory_space<vmem_shared>>
      %dma_start3A_73 = arith.constant 0 : i32
      %dma_start3A_74 = tpu.memref_slice %arg13[%add3A_51, %dma_start3A_73] : memref<10112x64xf32, #tpu.memory_space<vmem_shared>> -> memref<120x64xf32, #tpu.memory_space<vmem_shared>>
      %dma_start3A_75 = arith.constant 0 : i32
      %dma_start3A_76 = arith.constant 0 : i32
      %dma_start3A_77 = tpu.memref_slice %arg9[%dma_start3A_75, %dma_start3A_76] : memref<128x64xf32, #tpu.memory_space<vmem>> -> memref<120x64xf32, #tpu.memory_space<vmem>>
      tpu.enqueue_dma source(%dma_start3A_77 : memref<120x64xf32, #tpu.memory_space<vmem>>) target(%dma_start3A_74 : memref<120x64xf32, #tpu.memory_space<vmem_shared>>) target_semaphore(%run_scoped3A : memref<!tpu.dma_semaphore, #tpu.memory_space<semaphore_mem>>)
      %dma_wait3A = arith.constant 0 : i32
      %dma_wait3A_78 = arith.constant 0 : i32
      %dma_wait3A_79 = tpu.memref_slice %arg9[%dma_wait3A, %dma_wait3A_78] : memref<128x64xf32, #tpu.memory_space<vmem>> -> memref<120x64xf32, #tpu.memory_space<vmem>>
      %dma_wait3A_80 = arith.constant 0 : i32
      %dma_wait3A_81 = tpu.memref_slice %arg13[%add3A_51, %dma_wait3A_80] : memref<10112x64xf32, #tpu.memory_space<vmem_shared>> -> memref<120x64xf32, #tpu.memory_space<vmem_shared>>
      %dma_wait3A_82 = arith.constant 0 : i32
      %dma_wait3A_83 = tpu.memref_slice %arg13[%add3A_51, %dma_wait3A_82] : memref<10112x64xf32, #tpu.memory_space<vmem_shared>> -> memref<120x64xf32, #tpu.memory_space<vmem_shared>>
      %dma_wait3A_84 = arith.constant 0 : i32
      %dma_wait3A_85 = arith.constant 0 : i32
      %dma_wait3A_86 = tpu.memref_slice %arg9[%dma_wait3A_84, %dma_wait3A_85] : memref<128x64xf32, #tpu.memory_space<vmem>> -> memref<120x64xf32, #tpu.memory_space<vmem>>
      tpu.wait_dma2 semaphore(%run_scoped3A : memref<!tpu.dma_semaphore, #tpu.memory_space<semaphore_mem>>) src(%dma_wait3A_86 : memref<120x64xf32, #tpu.memory_space<vmem>>) dst(%dma_wait3A_83 : memref<120x64xf32, #tpu.memory_space<vmem_shared>>)
      tpu.yield
    }) : () -> ()
    %barrier3A = arith.constant 0 : index
    tpu.barrier barrier_id(%barrier3A)
    %mul3A_52 = arith.constant 79 : i32
    %mul3A_53 = arith.muli %add3A, %mul3A_52 : i32
    "tpu.region"() ({
      %run_scoped3A = tpu.sem_alloc : memref<!tpu.dma_semaphore, #tpu.memory_space<semaphore_mem>>
      %dma_start3A = arith.constant 0 : i32
      %dma_start3A_69 = tpu.memref_slice %arg4[%mul3A_53, %dma_start3A] : memref<2528x128xi32, #tpu.memory_space<hbm>> -> memref<79x128xi32, #tpu.memory_space<hbm>>
      %dma_start3A_70 = arith.constant 0 : i32
      %dma_start3A_71 = tpu.memref_slice %arg4[%mul3A_53, %dma_start3A_70] : memref<2528x128xi32, #tpu.memory_space<hbm>> -> memref<79x128xi32, #tpu.memory_space<hbm>>
      tpu.enqueue_dma source(%dma_start3A_71 : memref<79x128xi32, #tpu.memory_space<hbm>>) target(%arg7 : memref<79x128xi32, #tpu.memory_space<vmem>>) target_semaphore(%run_scoped3A : memref<!tpu.dma_semaphore, #tpu.memory_space<semaphore_mem>>)
      %dma_wait3A = arith.constant 0 : i32
      %dma_wait3A_72 = tpu.memref_slice %arg4[%mul3A_53, %dma_wait3A] : memref<2528x128xi32, #tpu.memory_space<hbm>> -> memref<79x128xi32, #tpu.memory_space<hbm>>
      %dma_wait3A_73 = arith.constant 0 : i32
      %dma_wait3A_74 = tpu.memref_slice %arg4[%mul3A_53, %dma_wait3A_73] : memref<2528x128xi32, #tpu.memory_space<hbm>> -> memref<79x128xi32, #tpu.memory_space<hbm>>
      tpu.wait_dma2 semaphore(%run_scoped3A : memref<!tpu.dma_semaphore, #tpu.memory_space<semaphore_mem>>) src(%dma_wait3A_74 : memref<79x128xi32, #tpu.memory_space<hbm>>) dst(%arg7 : memref<79x128xi32, #tpu.memory_space<vmem>>)
      tpu.yield
    }) : () -> ()
    %mul3A_54 = arith.constant 79 : i32
    %mul3A_55 = arith.muli %add3A, %mul3A_54 : i32
    "tpu.region"() ({
      %run_scoped3A = tpu.sem_alloc : memref<!tpu.dma_semaphore, #tpu.memory_space<semaphore_mem>>
      %dma_start3A = arith.constant 0 : i32
      %dma_start3A_69 = tpu.memref_slice %arg5[%mul3A_55, %dma_start3A] : memref<2528x128xi32, #tpu.memory_space<hbm>> -> memref<79x128xi32, #tpu.memory_space<hbm>>
      %dma_start3A_70 = arith.constant 0 : i32
      %dma_start3A_71 = tpu.memref_slice %arg5[%mul3A_55, %dma_start3A_70] : memref<2528x128xi32, #tpu.memory_space<hbm>> -> memref<79x128xi32, #tpu.memory_space<hbm>>
      tpu.enqueue_dma source(%dma_start3A_71 : memref<79x128xi32, #tpu.memory_space<hbm>>) target(%arg8 : memref<79x128xi32, #tpu.memory_space<vmem>>) target_semaphore(%run_scoped3A : memref<!tpu.dma_semaphore, #tpu.memory_space<semaphore_mem>>)
      %dma_wait3A = arith.constant 0 : i32
      %dma_wait3A_72 = tpu.memref_slice %arg5[%mul3A_55, %dma_wait3A] : memref<2528x128xi32, #tpu.memory_space<hbm>> -> memref<79x128xi32, #tpu.memory_space<hbm>>
      %dma_wait3A_73 = arith.constant 0 : i32
      %dma_wait3A_74 = tpu.memref_slice %arg5[%mul3A_55, %dma_wait3A_73] : memref<2528x128xi32, #tpu.memory_space<hbm>> -> memref<79x128xi32, #tpu.memory_space<hbm>>
      tpu.wait_dma2 semaphore(%run_scoped3A : memref<!tpu.dma_semaphore, #tpu.memory_space<semaphore_mem>>) src(%dma_wait3A_74 : memref<79x128xi32, #tpu.memory_space<hbm>>) dst(%arg8 : memref<79x128xi32, #tpu.memory_space<vmem>>)
      tpu.yield
    }) : () -> ()
    %gt3A = arith.constant 0 : i32
    %gt3A_56 = arith.cmpi sgt, %min3A, %gt3A : i32
    %convert_element_type3A = arith.extui %gt3A_56 : i1 to i32
    %cond3A = arith.constant 0 : i32
    %cond3A_57 = arith.cmpi ne, %convert_element_type3A, %cond3A : i32
    scf.if %cond3A_57 {
      %add3A_69 = arith.constant 0 : i32
      %add3A_70 = arith.addi %mul3A_2, %add3A_69 : i32
      %dma_start3A = arith.constant 0 : i32
      %dma_start3A_71 = tpu.memref_slice %arg3[%add3A_70, %dma_start3A] : memref<320000x128xf32, #tpu.memory_space<hbm>> -> memref<128x64xf32, #tpu.memory_space<hbm>>
      %dma_start3A_72 = arith.constant 0 : i32
      %dma_start3A_73 = tpu.memref_slice %arg3[%add3A_70, %dma_start3A_72] : memref<320000x128xf32, #tpu.memory_space<hbm>> -> memref<128x64xf32, #tpu.memory_space<hbm>>
      tpu.enqueue_dma source(%dma_start3A_73 : memref<128x64xf32, #tpu.memory_space<hbm>>) target(%arg11 : memref<128x64xf32, #tpu.memory_space<vmem>>) target_semaphore(%arg16 : memref<!tpu.dma_semaphore, #tpu.memory_space<semaphore_mem>>)
      %dma_start3A_74 = arith.constant 0 : i32
      %dma_start3A_75 = arith.constant 0 : i32
      %dma_start3A_76 = tpu.memref_slice %arg7[%dma_start3A_74, %dma_start3A_75] : memref<79x128xi32, #tpu.memory_space<vmem>> -> memref<1x128xi32, #tpu.memory_space<vmem>>
      %dma_start3A_77 = tpu.memref_squeeze %dma_start3A_76 : memref<1x128xi32, #tpu.memory_space<vmem>> -> memref<128xi32, #tpu.memory_space<vmem>>
      %dma_start3A_78 = arith.constant 0 : i32
      %dma_start3A_79 = arith.constant 0 : i32
      %dma_start3A_80 = tpu.memref_slice %arg2[%dma_start3A_78, %dma_start3A_79] : memref<10000x64xf32, #tpu.memory_space<hbm>> -> memref<10000x64xf32, #tpu.memory_space<hbm>>
      tpu.enqueue_indirect_dma source(%dma_start3A_80 : memref<10000x64xf32, #tpu.memory_space<hbm>>) target(%arg9 : memref<128x64xf32, #tpu.memory_space<vmem>>) offsets(%dma_start3A_77 : memref<128xi32, #tpu.memory_space<vmem>>) semaphore(%arg14 : memref<!tpu.dma_semaphore, #tpu.memory_space<semaphore_mem>>)
    } else {
    }
    %scan3A_58 = arith.constant 0 : i32
    %scan3A_59 = arith.constant 0 : i32
    %scan3A_60 = arith.constant 40 : i32
    %scan3A_61 = arith.addi %scan3A_59, %scan3A_60 : i32
    %scan3A_62 = arith.constant 1 : i32
    scf.for %scan3A_69 = %scan3A_59 to %scan3A_61 step %scan3A_62  : i32 {
      %mul3A_70 = arith.constant 2 : i32
      %mul3A_71 = arith.muli %mul3A_70, %scan3A_69 : i32
      %add3A_72 = arith.constant 1 : i32
      %add3A_73 = arith.addi %mul3A_71, %add3A_72 : i32
      %lt3A = arith.cmpi slt, %add3A_73, %min3A : i32
      %convert_element_type3A_74 = arith.extui %lt3A : i1 to i32
      %cond3A_75 = arith.constant 0 : i32
      %cond3A_76 = arith.cmpi ne, %convert_element_type3A_74, %cond3A_75 : i32
      scf.if %cond3A_76 {
        %add3A_93 = arith.constant 1 : i32
        %add3A_94 = arith.addi %mul3A_71, %add3A_93 : i32
        %mul3A_95 = arith.constant 128 : i32
        %mul3A_96 = arith.muli %add3A_94, %mul3A_95 : i32
        %add3A_97 = arith.addi %mul3A_2, %mul3A_96 : i32
        %dma_start3A = arith.constant 0 : i32
        %dma_start3A_98 = tpu.memref_slice %arg3[%add3A_97, %dma_start3A] : memref<320000x128xf32, #tpu.memory_space<hbm>> -> memref<128x64xf32, #tpu.memory_space<hbm>>
        %dma_start3A_99 = arith.constant 0 : i32
        %dma_start3A_100 = tpu.memref_slice %arg3[%add3A_97, %dma_start3A_99] : memref<320000x128xf32, #tpu.memory_space<hbm>> -> memref<128x64xf32, #tpu.memory_space<hbm>>
        tpu.enqueue_dma source(%dma_start3A_100 : memref<128x64xf32, #tpu.memory_space<hbm>>) target(%arg12 : memref<128x64xf32, #tpu.memory_space<vmem>>) target_semaphore(%arg17 : memref<!tpu.dma_semaphore, #tpu.memory_space<semaphore_mem>>)
        %dma_start3A_101 = arith.constant 0 : i32
        %dma_start3A_102 = tpu.memref_slice %arg7[%add3A_94, %dma_start3A_101] : memref<79x128xi32, #tpu.memory_space<vmem>> -> memref<1x128xi32, #tpu.memory_space<vmem>>
        %dma_start3A_103 = tpu.memref_squeeze %dma_start3A_102 : memref<1x128xi32, #tpu.memory_space<vmem>> -> memref<128xi32, #tpu.memory_space<vmem>>
        %dma_start3A_104 = arith.constant 0 : i32
        %dma_start3A_105 = arith.constant 0 : i32
        %dma_start3A_106 = tpu.memref_slice %arg2[%dma_start3A_104, %dma_start3A_105] : memref<10000x64xf32, #tpu.memory_space<hbm>> -> memref<10000x64xf32, #tpu.memory_space<hbm>>
        tpu.enqueue_indirect_dma source(%dma_start3A_106 : memref<10000x64xf32, #tpu.memory_space<hbm>>) target(%arg10 : memref<128x64xf32, #tpu.memory_space<vmem>>) offsets(%dma_start3A_103 : memref<128xi32, #tpu.memory_space<vmem>>) semaphore(%arg15 : memref<!tpu.dma_semaphore, #tpu.memory_space<semaphore_mem>>)
      } else {
      }
      %lt3A_77 = arith.cmpi slt, %mul3A_71, %min3A : i32
      %convert_element_type3A_78 = arith.extui %lt3A_77 : i1 to i32
      %cond3A_79 = arith.constant 0 : i32
      %cond3A_80 = arith.cmpi ne, %convert_element_type3A_78, %cond3A_79 : i32
      scf.if %cond3A_80 {
        %dma_wait3A = arith.constant 0 : i32
        %dma_wait3A_93 = arith.constant 0 : i32
        %dma_wait3A_94 = tpu.memref_slice %arg3[%dma_wait3A, %dma_wait3A_93] : memref<320000x128xf32, #tpu.memory_space<hbm>> -> memref<128x64xf32, #tpu.memory_space<hbm>>
        %dma_wait3A_95 = arith.constant 0 : i32
        %dma_wait3A_96 = arith.constant 0 : i32
        %dma_wait3A_97 = tpu.memref_slice %arg3[%dma_wait3A_95, %dma_wait3A_96] : memref<320000x128xf32, #tpu.memory_space<hbm>> -> memref<128x64xf32, #tpu.memory_space<hbm>>
        tpu.wait_dma2 semaphore(%arg16 : memref<!tpu.dma_semaphore, #tpu.memory_space<semaphore_mem>>) src(%dma_wait3A_97 : memref<128x64xf32, #tpu.memory_space<hbm>>) dst(%arg11 : memref<128x64xf32, #tpu.memory_space<vmem>>)
        %dma_wait3A_98 = arith.constant 0 : i32
        %dma_wait3A_99 = arith.constant 0 : i32
        %dma_wait3A_100 = tpu.memref_slice %arg7[%dma_wait3A_98, %dma_wait3A_99] : memref<79x128xi32, #tpu.memory_space<vmem>> -> memref<1x128xi32, #tpu.memory_space<vmem>>
        %dma_wait3A_101 = tpu.memref_squeeze %dma_wait3A_100 : memref<1x128xi32, #tpu.memory_space<vmem>> -> memref<128xi32, #tpu.memory_space<vmem>>
        %dma_wait3A_102 = arith.constant 0 : i32
        %dma_wait3A_103 = arith.constant 0 : i32
        %dma_wait3A_104 = tpu.memref_slice %arg2[%dma_wait3A_102, %dma_wait3A_103] : memref<10000x64xf32, #tpu.memory_space<hbm>> -> memref<10000x64xf32, #tpu.memory_space<hbm>>
        tpu.wait_indirect_dma semaphore(%arg14 : memref<!tpu.dma_semaphore, #tpu.memory_space<semaphore_mem>>) src(%dma_wait3A_104 : memref<10000x64xf32, #tpu.memory_space<hbm>>) dst(%arg9 : memref<128x64xf32, #tpu.memory_space<vmem>>)
        %scan3A_105 = arith.constant 0 : i32
        %scan3A_106 = arith.constant 0 : i32
        %scan3A_107 = arith.constant 128 : i32
        %scan3A_108 = arith.addi %scan3A_106, %scan3A_107 : i32
        %scan3A_109 = arith.constant 1 : i32
        scf.for %scan3A_111 = %scan3A_106 to %scan3A_108 step %scan3A_109  : i32 {
          %get3A = arith.index_cast %scan3A_111 : i32 to index
          %get3A_112 = arith.constant 0 : index
          %get3A_113 = tpu.vector_load %arg9[%get3A, %get3A_112] {strides = array<i32>} : memref<128x64xf32, #tpu.memory_space<vmem>>, vector<1x16xf32>,
          %get3A_114 = vector.shape_cast %get3A_113 : vector<1x16xf32> to vector<16xf32>
          %get3A_115 = arith.index_cast %scan3A_111 : i32 to index
          %get3A_116 = arith.constant 0 : index
          %get3A_117 = tpu.vector_load %arg11[%get3A_115, %get3A_116] {strides = array<i32>} : memref<128x64xf32, #tpu.memory_space<vmem>>, vector<1x16xf32>,
          %get3A_118 = vector.shape_cast %get3A_117 : vector<1x16xf32> to vector<16xf32>
          %mul3A_119 = arith.mulf %get3A_114, %get3A_118 : vector<16xf32>
          %swap3A = arith.index_cast %scan3A_111 : i32 to index
          %swap3A_120 = arith.constant 0 : index
          %swap3A_121 = tpu.vector_load %arg9[%swap3A, %swap3A_120] {strides = array<i32>} : memref<128x64xf32, #tpu.memory_space<vmem>>, vector<1x16xf32>,
          %swap3A_122 = vector.shape_cast %swap3A_121 : vector<1x16xf32> to vector<16xf32>
          %swap3A_123 = vector.shape_cast %mul3A_119 : vector<16xf32> to vector<1x16xf32>
          tpu.vector_store %arg9[%swap3A, %swap3A_120], %swap3A_123 {strides = array<i32>} : memref<128x64xf32, #tpu.memory_space<vmem>>, vector<1x16xf32>,
          %get3A_124 = arith.index_cast %scan3A_111 : i32 to index
          %get3A_125 = arith.constant 16 : index
          %get3A_126 = tpu.vector_load %arg9[%get3A_124, %get3A_125] {strides = array<i32>} : memref<128x64xf32, #tpu.memory_space<vmem>>, vector<1x16xf32>,
          %get3A_127 = vector.shape_cast %get3A_126 : vector<1x16xf32> to vector<16xf32>
          %get3A_128 = arith.index_cast %scan3A_111 : i32 to index
          %get3A_129 = arith.constant 16 : index
          %get3A_130 = tpu.vector_load %arg11[%get3A_128, %get3A_129] {strides = array<i32>} : memref<128x64xf32, #tpu.memory_space<vmem>>, vector<1x16xf32>,
          %get3A_131 = vector.shape_cast %get3A_130 : vector<1x16xf32> to vector<16xf32>
          %mul3A_132 = arith.mulf %get3A_127, %get3A_131 : vector<16xf32>
          %swap3A_133 = arith.index_cast %scan3A_111 : i32 to index
          %swap3A_134 = arith.constant 16 : index
          %swap3A_135 = tpu.vector_load %arg9[%swap3A_133, %swap3A_134] {strides = array<i32>} : memref<128x64xf32, #tpu.memory_space<vmem>>, vector<1x16xf32>,
          %swap3A_136 = vector.shape_cast %swap3A_135 : vector<1x16xf32> to vector<16xf32>
          %swap3A_137 = vector.shape_cast %mul3A_132 : vector<16xf32> to vector<1x16xf32>
          tpu.vector_store %arg9[%swap3A_133, %swap3A_134], %swap3A_137 {strides = array<i32>} : memref<128x64xf32, #tpu.memory_space<vmem>>, vector<1x16xf32>,
          %get3A_138 = arith.index_cast %scan3A_111 : i32 to index
          %get3A_139 = arith.constant 32 : index
          %get3A_140 = tpu.vector_load %arg9[%get3A_138, %get3A_139] {strides = array<i32>} : memref<128x64xf32, #tpu.memory_space<vmem>>, vector<1x16xf32>,
          %get3A_141 = vector.shape_cast %get3A_140 : vector<1x16xf32> to vector<16xf32>
          %get3A_142 = arith.index_cast %scan3A_111 : i32 to index
          %get3A_143 = arith.constant 32 : index
          %get3A_144 = tpu.vector_load %arg11[%get3A_142, %get3A_143] {strides = array<i32>} : memref<128x64xf32, #tpu.memory_space<vmem>>, vector<1x16xf32>,
          %get3A_145 = vector.shape_cast %get3A_144 : vector<1x16xf32> to vector<16xf32>
          %mul3A_146 = arith.mulf %get3A_141, %get3A_145 : vector<16xf32>
          %swap3A_147 = arith.index_cast %scan3A_111 : i32 to index
          %swap3A_148 = arith.constant 32 : index
          %swap3A_149 = tpu.vector_load %arg9[%swap3A_147, %swap3A_148] {strides = array<i32>} : memref<128x64xf32, #tpu.memory_space<vmem>>, vector<1x16xf32>,
          %swap3A_150 = vector.shape_cast %swap3A_149 : vector<1x16xf32> to vector<16xf32>
          %swap3A_151 = vector.shape_cast %mul3A_146 : vector<16xf32> to vector<1x16xf32>
          tpu.vector_store %arg9[%swap3A_147, %swap3A_148], %swap3A_151 {strides = array<i32>} : memref<128x64xf32, #tpu.memory_space<vmem>>, vector<1x16xf32>,
          %get3A_152 = arith.index_cast %scan3A_111 : i32 to index
          %get3A_153 = arith.constant 48 : index
          %get3A_154 = tpu.vector_load %arg9[%get3A_152, %get3A_153] {strides = array<i32>} : memref<128x64xf32, #tpu.memory_space<vmem>>, vector<1x16xf32>,
          %get3A_155 = vector.shape_cast %get3A_154 : vector<1x16xf32> to vector<16xf32>
          %get3A_156 = arith.index_cast %scan3A_111 : i32 to index
          %get3A_157 = arith.constant 48 : index
          %get3A_158 = tpu.vector_load %arg11[%get3A_156, %get3A_157] {strides = array<i32>} : memref<128x64xf32, #tpu.memory_space<vmem>>, vector<1x16xf32>,
          %get3A_159 = vector.shape_cast %get3A_158 : vector<1x16xf32> to vector<16xf32>
          %mul3A_160 = arith.mulf %get3A_155, %get3A_159 : vector<16xf32>
          %swap3A_161 = arith.index_cast %scan3A_111 : i32 to index
          %swap3A_162 = arith.constant 48 : index
          %swap3A_163 = tpu.vector_load %arg9[%swap3A_161, %swap3A_162] {strides = array<i32>} : memref<128x64xf32, #tpu.memory_space<vmem>>, vector<1x16xf32>,
          %swap3A_164 = vector.shape_cast %swap3A_163 : vector<1x16xf32> to vector<16xf32>
          %swap3A_165 = vector.shape_cast %mul3A_160 : vector<16xf32> to vector<1x16xf32>
          tpu.vector_store %arg9[%swap3A_161, %swap3A_162], %swap3A_165 {strides = array<i32>} : memref<128x64xf32, #tpu.memory_space<vmem>>, vector<1x16xf32>,
        }
        %scan3A_110 = arith.constant 128 : i32
        "tpu.region"() ({
          %run_scoped3A = tpu.sem_alloc : memref<!tpu.dma_semaphore, #tpu.memory_space<semaphore_mem>>
          %dma_start3A = arith.constant 0 : i32
          %dma_start3A_111 = tpu.memref_slice %arg8[%mul3A_71, %dma_start3A] : memref<79x128xi32, #tpu.memory_space<vmem>> -> memref<1x128xi32, #tpu.memory_space<vmem>>
          %dma_start3A_112 = tpu.memref_squeeze %dma_start3A_111 : memref<1x128xi32, #tpu.memory_space<vmem>> -> memref<128xi32, #tpu.memory_space<vmem>>
          %dma_start3A_113 = arith.constant 0 : i32
          %dma_start3A_114 = arith.constant 0 : i32
          %dma_start3A_115 = tpu.memref_slice %arg13[%dma_start3A_113, %dma_start3A_114] : memref<10112x64xf32, #tpu.memory_space<vmem_shared>> -> memref<10112x64xf32, #tpu.memory_space<vmem_shared>>
          tpu.enqueue_indirect_dma source(%arg9 : memref<128x64xf32, #tpu.memory_space<vmem>>) target(%dma_start3A_115 : memref<10112x64xf32, #tpu.memory_space<vmem_shared>>) offsets(%dma_start3A_112 : memref<128xi32, #tpu.memory_space<vmem>>) semaphore(%run_scoped3A : memref<!tpu.dma_semaphore, #tpu.memory_space<semaphore_mem>>) {add = true}
          %dma_wait3A_116 = arith.constant 0 : i32
          %dma_wait3A_117 = tpu.memref_slice %arg8[%mul3A_71, %dma_wait3A_116] : memref<79x128xi32, #tpu.memory_space<vmem>> -> memref<1x128xi32, #tpu.memory_space<vmem>>
          %dma_wait3A_118 = tpu.memref_squeeze %dma_wait3A_117 : memref<1x128xi32, #tpu.memory_space<vmem>> -> memref<128xi32, #tpu.memory_space<vmem>>
          %dma_wait3A_119 = arith.constant 0 : i32
          %dma_wait3A_120 = arith.constant 0 : i32
          %dma_wait3A_121 = tpu.memref_slice %arg13[%dma_wait3A_119, %dma_wait3A_120] : memref<10112x64xf32, #tpu.memory_space<vmem_shared>> -> memref<10112x64xf32, #tpu.memory_space<vmem_shared>>
          tpu.wait_indirect_dma semaphore(%run_scoped3A : memref<!tpu.dma_semaphore, #tpu.memory_space<semaphore_mem>>) src(%arg9 : memref<128x64xf32, #tpu.memory_space<vmem>>) dst(%dma_wait3A_121 : memref<10112x64xf32, #tpu.memory_space<vmem_shared>>)
          tpu.yield
        }) : () -> ()
      } else {
      }
      %add3A_81 = arith.constant 2 : i32
      %add3A_82 = arith.addi %mul3A_71, %add3A_81 : i32
      %lt3A_83 = arith.cmpi slt, %add3A_82, %min3A : i32
      %convert_element_type3A_84 = arith.extui %lt3A_83 : i1 to i32
      %cond3A_85 = arith.constant 0 : i32
      %cond3A_86 = arith.cmpi ne, %convert_element_type3A_84, %cond3A_85 : i32
      scf.if %cond3A_86 {
        %add3A_93 = arith.constant 2 : i32
        %add3A_94 = arith.addi %mul3A_71, %add3A_93 : i32
        %mul3A_95 = arith.constant 128 : i32
        %mul3A_96 = arith.muli %add3A_94, %mul3A_95 : i32
        %add3A_97 = arith.addi %mul3A_2, %mul3A_96 : i32
        %dma_start3A = arith.constant 0 : i32
        %dma_start3A_98 = tpu.memref_slice %arg3[%add3A_97, %dma_start3A] : memref<320000x128xf32, #tpu.memory_space<hbm>> -> memref<128x64xf32, #tpu.memory_space<hbm>>
        %dma_start3A_99 = arith.constant 0 : i32
        %dma_start3A_100 = tpu.memref_slice %arg3[%add3A_97, %dma_start3A_99] : memref<320000x128xf32, #tpu.memory_space<hbm>> -> memref<128x64xf32, #tpu.memory_space<hbm>>
        tpu.enqueue_dma source(%dma_start3A_100 : memref<128x64xf32, #tpu.memory_space<hbm>>) target(%arg11 : memref<128x64xf32, #tpu.memory_space<vmem>>) target_semaphore(%arg16 : memref<!tpu.dma_semaphore, #tpu.memory_space<semaphore_mem>>)
        %dma_start3A_101 = arith.constant 0 : i32
        %dma_start3A_102 = tpu.memref_slice %arg7[%add3A_94, %dma_start3A_101] : memref<79x128xi32, #tpu.memory_space<vmem>> -> memref<1x128xi32, #tpu.memory_space<vmem>>
        %dma_start3A_103 = tpu.memref_squeeze %dma_start3A_102 : memref<1x128xi32, #tpu.memory_space<vmem>> -> memref<128xi32, #tpu.memory_space<vmem>>
        %dma_start3A_104 = arith.constant 0 : i32
        %dma_start3A_105 = arith.constant 0 : i32
        %dma_start3A_106 = tpu.memref_slice %arg2[%dma_start3A_104, %dma_start3A_105] : memref<10000x64xf32, #tpu.memory_space<hbm>> -> memref<10000x64xf32, #tpu.memory_space<hbm>>
        tpu.enqueue_indirect_dma source(%dma_start3A_106 : memref<10000x64xf32, #tpu.memory_space<hbm>>) target(%arg9 : memref<128x64xf32, #tpu.memory_space<vmem>>) offsets(%dma_start3A_103 : memref<128xi32, #tpu.memory_space<vmem>>) semaphore(%arg14 : memref<!tpu.dma_semaphore, #tpu.memory_space<semaphore_mem>>)
      } else {
      }
      %add3A_87 = arith.constant 1 : i32
      %add3A_88 = arith.addi %mul3A_71, %add3A_87 : i32
      %lt3A_89 = arith.cmpi slt, %add3A_88, %min3A : i32
      %convert_element_type3A_90 = arith.extui %lt3A_89 : i1 to i32
      %cond3A_91 = arith.constant 0 : i32
      %cond3A_92 = arith.cmpi ne, %convert_element_type3A_90, %cond3A_91 : i32
      scf.if %cond3A_92 {
        %add3A_93 = arith.constant 1 : i32
        %add3A_94 = arith.addi %mul3A_71, %add3A_93 : i32
        %dma_wait3A = arith.constant 0 : i32
        %dma_wait3A_95 = arith.constant 0 : i32
        %dma_wait3A_96 = tpu.memref_slice %arg3[%dma_wait3A, %dma_wait3A_95] : memref<320000x128xf32, #tpu.memory_space<hbm>> -> memref<128x64xf32, #tpu.memory_space<hbm>>
        %dma_wait3A_97 = arith.constant 0 : i32
        %dma_wait3A_98 = arith.constant 0 : i32
        %dma_wait3A_99 = tpu.memref_slice %arg3[%dma_wait3A_97, %dma_wait3A_98] : memref<320000x128xf32, #tpu.memory_space<hbm>> -> memref<128x64xf32, #tpu.memory_space<hbm>>
        tpu.wait_dma2 semaphore(%arg17 : memref<!tpu.dma_semaphore, #tpu.memory_space<semaphore_mem>>) src(%dma_wait3A_99 : memref<128x64xf32, #tpu.memory_space<hbm>>) dst(%arg12 : memref<128x64xf32, #tpu.memory_space<vmem>>)
        %dma_wait3A_100 = arith.constant 0 : i32
        %dma_wait3A_101 = arith.constant 0 : i32
        %dma_wait3A_102 = tpu.memref_slice %arg7[%dma_wait3A_100, %dma_wait3A_101] : memref<79x128xi32, #tpu.memory_space<vmem>> -> memref<1x128xi32, #tpu.memory_space<vmem>>
        %dma_wait3A_103 = tpu.memref_squeeze %dma_wait3A_102 : memref<1x128xi32, #tpu.memory_space<vmem>> -> memref<128xi32, #tpu.memory_space<vmem>>
        %dma_wait3A_104 = arith.constant 0 : i32
        %dma_wait3A_105 = arith.constant 0 : i32
        %dma_wait3A_106 = tpu.memref_slice %arg2[%dma_wait3A_104, %dma_wait3A_105] : memref<10000x64xf32, #tpu.memory_space<hbm>> -> memref<10000x64xf32, #tpu.memory_space<hbm>>
        tpu.wait_indirect_dma semaphore(%arg15 : memref<!tpu.dma_semaphore, #tpu.memory_space<semaphore_mem>>) src(%dma_wait3A_106 : memref<10000x64xf32, #tpu.memory_space<hbm>>) dst(%arg10 : memref<128x64xf32, #tpu.memory_space<vmem>>)
        %scan3A_107 = arith.constant 0 : i32
        %scan3A_108 = arith.constant 0 : i32
        %scan3A_109 = arith.constant 128 : i32
        %scan3A_110 = arith.addi %scan3A_108, %scan3A_109 : i32
        %scan3A_111 = arith.constant 1 : i32
        scf.for %scan3A_113 = %scan3A_108 to %scan3A_110 step %scan3A_111  : i32 {
          %get3A = arith.index_cast %scan3A_113 : i32 to index
          %get3A_114 = arith.constant 0 : index
          %get3A_115 = tpu.vector_load %arg10[%get3A, %get3A_114] {strides = array<i32>} : memref<128x64xf32, #tpu.memory_space<vmem>>, vector<1x16xf32>,
          %get3A_116 = vector.shape_cast %get3A_115 : vector<1x16xf32> to vector<16xf32>
          %get3A_117 = arith.index_cast %scan3A_113 : i32 to index
          %get3A_118 = arith.constant 0 : index
          %get3A_119 = tpu.vector_load %arg12[%get3A_117, %get3A_118] {strides = array<i32>} : memref<128x64xf32, #tpu.memory_space<vmem>>, vector<1x16xf32>,
          %get3A_120 = vector.shape_cast %get3A_119 : vector<1x16xf32> to vector<16xf32>
          %mul3A_121 = arith.mulf %get3A_116, %get3A_120 : vector<16xf32>
          %swap3A = arith.index_cast %scan3A_113 : i32 to index
          %swap3A_122 = arith.constant 0 : index
          %swap3A_123 = tpu.vector_load %arg10[%swap3A, %swap3A_122] {strides = array<i32>} : memref<128x64xf32, #tpu.memory_space<vmem>>, vector<1x16xf32>,
          %swap3A_124 = vector.shape_cast %swap3A_123 : vector<1x16xf32> to vector<16xf32>
          %swap3A_125 = vector.shape_cast %mul3A_121 : vector<16xf32> to vector<1x16xf32>
          tpu.vector_store %arg10[%swap3A, %swap3A_122], %swap3A_125 {strides = array<i32>} : memref<128x64xf32, #tpu.memory_space<vmem>>, vector<1x16xf32>,
          %get3A_126 = arith.index_cast %scan3A_113 : i32 to index
          %get3A_127 = arith.constant 16 : index
          %get3A_128 = tpu.vector_load %arg10[%get3A_126, %get3A_127] {strides = array<i32>} : memref<128x64xf32, #tpu.memory_space<vmem>>, vector<1x16xf32>,
          %get3A_129 = vector.shape_cast %get3A_128 : vector<1x16xf32> to vector<16xf32>
          %get3A_130 = arith.index_cast %scan3A_113 : i32 to index
          %get3A_131 = arith.constant 16 : index
          %get3A_132 = tpu.vector_load %arg12[%get3A_130, %get3A_131] {strides = array<i32>} : memref<128x64xf32, #tpu.memory_space<vmem>>, vector<1x16xf32>,
          %get3A_133 = vector.shape_cast %get3A_132 : vector<1x16xf32> to vector<16xf32>
          %mul3A_134 = arith.mulf %get3A_129, %get3A_133 : vector<16xf32>
          %swap3A_135 = arith.index_cast %scan3A_113 : i32 to index
          %swap3A_136 = arith.constant 16 : index
          %swap3A_137 = tpu.vector_load %arg10[%swap3A_135, %swap3A_136] {strides = array<i32>} : memref<128x64xf32, #tpu.memory_space<vmem>>, vector<1x16xf32>,
          %swap3A_138 = vector.shape_cast %swap3A_137 : vector<1x16xf32> to vector<16xf32>
          %swap3A_139 = vector.shape_cast %mul3A_134 : vector<16xf32> to vector<1x16xf32>
          tpu.vector_store %arg10[%swap3A_135, %swap3A_136], %swap3A_139 {strides = array<i32>} : memref<128x64xf32, #tpu.memory_space<vmem>>, vector<1x16xf32>,
          %get3A_140 = arith.index_cast %scan3A_113 : i32 to index
          %get3A_141 = arith.constant 32 : index
          %get3A_142 = tpu.vector_load %arg10[%get3A_140, %get3A_141] {strides = array<i32>} : memref<128x64xf32, #tpu.memory_space<vmem>>, vector<1x16xf32>,
          %get3A_143 = vector.shape_cast %get3A_142 : vector<1x16xf32> to vector<16xf32>
          %get3A_144 = arith.index_cast %scan3A_113 : i32 to index
          %get3A_145 = arith.constant 32 : index
          %get3A_146 = tpu.vector_load %arg12[%get3A_144, %get3A_145] {strides = array<i32>} : memref<128x64xf32, #tpu.memory_space<vmem>>, vector<1x16xf32>,
          %get3A_147 = vector.shape_cast %get3A_146 : vector<1x16xf32> to vector<16xf32>
          %mul3A_148 = arith.mulf %get3A_143, %get3A_147 : vector<16xf32>
          %swap3A_149 = arith.index_cast %scan3A_113 : i32 to index
          %swap3A_150 = arith.constant 32 : index
          %swap3A_151 = tpu.vector_load %arg10[%swap3A_149, %swap3A_150] {strides = array<i32>} : memref<128x64xf32, #tpu.memory_space<vmem>>, vector<1x16xf32>,
          %swap3A_152 = vector.shape_cast %swap3A_151 : vector<1x16xf32> to vector<16xf32>
          %swap3A_153 = vector.shape_cast %mul3A_148 : vector<16xf32> to vector<1x16xf32>
          tpu.vector_store %arg10[%swap3A_149, %swap3A_150], %swap3A_153 {strides = array<i32>} : memref<128x64xf32, #tpu.memory_space<vmem>>, vector<1x16xf32>,
          %get3A_154 = arith.index_cast %scan3A_113 : i32 to index
          %get3A_155 = arith.constant 48 : index
          %get3A_156 = tpu.vector_load %arg10[%get3A_154, %get3A_155] {strides = array<i32>} : memref<128x64xf32, #tpu.memory_space<vmem>>, vector<1x16xf32>,
          %get3A_157 = vector.shape_cast %get3A_156 : vector<1x16xf32> to vector<16xf32>
          %get3A_158 = arith.index_cast %scan3A_113 : i32 to index
          %get3A_159 = arith.constant 48 : index
          %get3A_160 = tpu.vector_load %arg12[%get3A_158, %get3A_159] {strides = array<i32>} : memref<128x64xf32, #tpu.memory_space<vmem>>, vector<1x16xf32>,
          %get3A_161 = vector.shape_cast %get3A_160 : vector<1x16xf32> to vector<16xf32>
          %mul3A_162 = arith.mulf %get3A_157, %get3A_161 : vector<16xf32>
          %swap3A_163 = arith.index_cast %scan3A_113 : i32 to index
          %swap3A_164 = arith.constant 48 : index
          %swap3A_165 = tpu.vector_load %arg10[%swap3A_163, %swap3A_164] {strides = array<i32>} : memref<128x64xf32, #tpu.memory_space<vmem>>, vector<1x16xf32>,
          %swap3A_166 = vector.shape_cast %swap3A_165 : vector<1x16xf32> to vector<16xf32>
          %swap3A_167 = vector.shape_cast %mul3A_162 : vector<16xf32> to vector<1x16xf32>
          tpu.vector_store %arg10[%swap3A_163, %swap3A_164], %swap3A_167 {strides = array<i32>} : memref<128x64xf32, #tpu.memory_space<vmem>>, vector<1x16xf32>,
        }
        %scan3A_112 = arith.constant 128 : i32
        "tpu.region"() ({
          %run_scoped3A = tpu.sem_alloc : memref<!tpu.dma_semaphore, #tpu.memory_space<semaphore_mem>>
          %dma_start3A = arith.constant 0 : i32
          %dma_start3A_113 = tpu.memref_slice %arg8[%add3A_94, %dma_start3A] : memref<79x128xi32, #tpu.memory_space<vmem>> -> memref<1x128xi32, #tpu.memory_space<vmem>>
          %dma_start3A_114 = tpu.memref_squeeze %dma_start3A_113 : memref<1x128xi32, #tpu.memory_space<vmem>> -> memref<128xi32, #tpu.memory_space<vmem>>
          %dma_start3A_115 = arith.constant 0 : i32
          %dma_start3A_116 = arith.constant 0 : i32
          %dma_start3A_117 = tpu.memref_slice %arg13[%dma_start3A_115, %dma_start3A_116] : memref<10112x64xf32, #tpu.memory_space<vmem_shared>> -> memref<10112x64xf32, #tpu.memory_space<vmem_shared>>
          tpu.enqueue_indirect_dma source(%arg10 : memref<128x64xf32, #tpu.memory_space<vmem>>) target(%dma_start3A_117 : memref<10112x64xf32, #tpu.memory_space<vmem_shared>>) offsets(%dma_start3A_114 : memref<128xi32, #tpu.memory_space<vmem>>) semaphore(%run_scoped3A : memref<!tpu.dma_semaphore, #tpu.memory_space<semaphore_mem>>) {add = true}
          %dma_wait3A_118 = arith.constant 0 : i32
          %dma_wait3A_119 = tpu.memref_slice %arg8[%add3A_94, %dma_wait3A_118] : memref<79x128xi32, #tpu.memory_space<vmem>> -> memref<1x128xi32, #tpu.memory_space<vmem>>
          %dma_wait3A_120 = tpu.memref_squeeze %dma_wait3A_119 : memref<1x128xi32, #tpu.memory_space<vmem>> -> memref<128xi32, #tpu.memory_space<vmem>>
          %dma_wait3A_121 = arith.constant 0 : i32
          %dma_wait3A_122 = arith.constant 0 : i32
          %dma_wait3A_123 = tpu.memref_slice %arg13[%dma_wait3A_121, %dma_wait3A_122] : memref<10112x64xf32, #tpu.memory_space<vmem_shared>> -> memref<10112x64xf32, #tpu.memory_space<vmem_shared>>
          tpu.wait_indirect_dma semaphore(%run_scoped3A : memref<!tpu.dma_semaphore, #tpu.memory_space<semaphore_mem>>) src(%arg10 : memref<128x64xf32, #tpu.memory_space<vmem>>) dst(%dma_wait3A_123 : memref<10112x64xf32, #tpu.memory_space<vmem_shared>>)
          tpu.yield
        }) : () -> ()
      } else {
      }
    }
    %scan3A_63 = arith.constant 40 : i32
    %barrier3A_64 = arith.constant 0 : index
    tpu.barrier barrier_id(%barrier3A_64)
    %mul3A_65 = arith.constant 632 : i32
    %mul3A_66 = arith.muli %arg1, %mul3A_65 : i32
    %mul3A_67 = arith.constant 632 : i32
    %mul3A_68 = arith.muli %arg1, %mul3A_67 : i32
    "tpu.region"() ({
      %run_scoped3A = tpu.sem_alloc : memref<!tpu.dma_semaphore, #tpu.memory_space<semaphore_mem>>
      %dma_start3A = arith.constant 0 : i32
      %dma_start3A_69 = tpu.memref_slice %arg6[%arg0, %mul3A_68, %dma_start3A] : memref<2x10112x64xf32, #tpu.memory_space<hbm>> -> memref<1x632x64xf32, #tpu.memory_space<hbm>>
      %dma_start3A_70 = tpu.memref_squeeze %dma_start3A_69 : memref<1x632x64xf32, #tpu.memory_space<hbm>> -> memref<632x64xf32, #tpu.memory_space<hbm>>
      %dma_start3A_71 = arith.constant 0 : i32
      %dma_start3A_72 = tpu.memref_slice %arg13[%mul3A_66, %dma_start3A_71] : memref<10112x64xf32, #tpu.memory_space<vmem_shared>> -> memref<632x64xf32, #tpu.memory_space<vmem_shared>>
      tpu.enqueue_dma source(%dma_start3A_72 : memref<632x64xf32, #tpu.memory_space<vmem_shared>>) target(%dma_start3A_70 : memref<632x64xf32, #tpu.memory_space<hbm>>) target_semaphore(%run_scoped3A : memref<!tpu.dma_semaphore, #tpu.memory_space<semaphore_mem>>)
      %dma_wait3A = arith.constant 0 : i32
      %dma_wait3A_73 = tpu.memref_slice %arg6[%arg0, %mul3A_68, %dma_wait3A] : memref<2x10112x64xf32, #tpu.memory_space<hbm>> -> memref<1x632x64xf32, #tpu.memory_space<hbm>>
      %dma_wait3A_74 = tpu.memref_squeeze %dma_wait3A_73 : memref<1x632x64xf32, #tpu.memory_space<hbm>> -> memref<632x64xf32, #tpu.memory_space<hbm>>
      %dma_wait3A_75 = arith.constant 0 : i32
      %dma_wait3A_76 = tpu.memref_slice %arg13[%mul3A_66, %dma_wait3A_75] : memref<10112x64xf32, #tpu.memory_space<vmem_shared>> -> memref<632x64xf32, #tpu.memory_space<vmem_shared>>
      tpu.wait_dma2 semaphore(%run_scoped3A : memref<!tpu.dma_semaphore, #tpu.memory_space<semaphore_mem>>) src(%dma_wait3A_76 : memref<632x64xf32, #tpu.memory_space<vmem_shared>>) dst(%dma_wait3A_74 : memref<632x64xf32, #tpu.memory_space<hbm>>)
      tpu.yield
    }) : () -> ()
    return
  }
}

module attributes {stable_mosaic.version = 14 : i64} {
  func.func @_matmul_body(%arg0: i32, %arg1: memref<1000x128xf32, #tpu.memory_space<vmem>>, %arg2: memref<128x128xf32, #tpu.memory_space<vmem>>, %arg3: memref<1000x64xf32, #tpu.memory_space<vmem>>, %arg4: memref<1000x64xf32, #tpu.memory_space<vmem>>) attributes {dimension_semantics = [#tpu.dimension_semantics<arbitrary>], iteration_bounds = array<i64: 10>, scalar_prefetch = 0 : i64, scratch_operands = 0 : i64, tpu.core_type = #tpu.core_type<tc>, window_params = [{transform_indices = @transform_0, window_bounds = array<i64: 1000, 128>}, {pipeline_mode = #tpu.pipeline_mode<synchronous>, transform_indices = @transform_1, window_bounds = array<i64: 128, 128>}, {transform_indices = @transform_2, window_bounds = array<i64: 1000, 64>}, {transform_indices = @transform_3, window_bounds = array<i64: 1000, 64>}]} {
    %get3A = arith.constant 0 : index
    %get3A_0 = arith.constant 0 : index
    %get3A_1 = vector.load %arg1[%get3A, %get3A_0] : memref<1000x128xf32, #tpu.memory_space<vmem>>, vector<1000x128xf32>
    %get3A_2 = arith.constant 0 : index
    %get3A_3 = arith.constant 0 : index
    %get3A_4 = vector.load %arg2[%get3A_2, %get3A_3] : memref<128x128xf32, #tpu.memory_space<vmem>>, vector<128x128xf32>
    %dot_general3A = arith.constant dense<0.000000e+00> : vector<1000x128xf32>
    %dot_general3A_5 = tpu.matmul %get3A_1, %get3A_4, %dot_general3A {dimension_numbers = #tpu.dot_dimension_numbers<[1], [0], [0], [1], [0, 0, 1, 1], [], []>, transpose_lhs_hint = false} : vector<1000x128xf32>, vector<128x128xf32>, vector<1000x128xf32> -> vector<1000x128xf32>
    %slice3A = vector.extract_strided_slice %dot_general3A_5 {offsets = [0, 0], sizes = [1000, 64], strides = [1, 1]} : vector<1000x128xf32> to vector<1000x64xf32>
    %swap3A = arith.constant 0 : index
    %swap3A_6 = arith.constant 0 : index
    %swap3A_7 = vector.load %arg3[%swap3A, %swap3A_6] : memref<1000x64xf32, #tpu.memory_space<vmem>>, vector<1000x64xf32>
    tpu.vector_store %arg3[%swap3A, %swap3A_6], %slice3A {strides = array<i32>} : memref<1000x64xf32, #tpu.memory_space<vmem>>, vector<1000x64xf32>,
    %slice3A_8 = vector.extract_strided_slice %dot_general3A_5 {offsets = [0, 64], sizes = [1000, 64], strides = [1, 1]} : vector<1000x128xf32> to vector<1000x64xf32>
    %swap3A_9 = arith.constant 0 : index
    %swap3A_10 = arith.constant 0 : index
    %swap3A_11 = vector.load %arg4[%swap3A_9, %swap3A_10] : memref<1000x64xf32, #tpu.memory_space<vmem>>, vector<1000x64xf32>
    tpu.vector_store %arg4[%swap3A_9, %swap3A_10], %slice3A_8 {strides = array<i32>} : memref<1000x64xf32, #tpu.memory_space<vmem>>, vector<1000x64xf32>,
    return
  }
  func.func @transform_0(%arg0: i32) -> (i32, i32) {
    %c0_i32 = arith.constant 0 : i32
    %c0_i32_0 = arith.constant 0 : i32
    return %arg0, %c0_i32 : i32, i32
  }
  func.func @transform_1(%arg0: i32) -> (i32, i32) {
    %c0_i32 = arith.constant 0 : i32
    %c0_i32_0 = arith.constant 0 : i32
    %c0_i32_1 = arith.constant 0 : i32
    return %c0_i32, %c0_i32_0 : i32, i32
  }
  func.func @transform_2(%arg0: i32) -> (i32, i32) {
    %c0_i32 = arith.constant 0 : i32
    %c0_i32_0 = arith.constant 0 : i32
    return %arg0, %c0_i32 : i32, i32
  }
  func.func @transform_3(%arg0: i32) -> (i32, i32) {
    %c0_i32 = arith.constant 0 : i32
    %c0_i32_0 = arith.constant 0 : i32
    return %arg0, %c0_i32 : i32, i32
  }
}

module attributes {stable_mosaic.version = 14 : i64} {
  func.func @_coeff_body(%arg0: i32, %arg1: memref<8x6400xf32, #tpu.memory_space<vmem>>, %arg2: memref<16x6400xf32, #tpu.memory_space<vmem>>, %arg3: memref<8x8xf32, #tpu.memory_space<vmem>>, %arg4: memref<128x8xf32, #tpu.memory_space<vmem>>, %arg5: memref<128x16xf32, #tpu.memory_space<vmem>>, %arg6: memref<6400x128xf32, #tpu.memory_space<vmem>>) attributes {dimension_semantics = [#tpu.dimension_semantics<arbitrary>], iteration_bounds = array<i64: 50>, scalar_prefetch = 0 : i64, scratch_operands = 0 : i64, tpu.core_type = #tpu.core_type<tc>, window_params = [{transform_indices = @transform_0, window_bounds = array<i64: 8, 6400>}, {transform_indices = @transform_1, window_bounds = array<i64: 16, 6400>}, {pipeline_mode = #tpu.pipeline_mode<synchronous>, transform_indices = @transform_2, window_bounds = array<i64: 8, 8>}, {pipeline_mode = #tpu.pipeline_mode<synchronous>, transform_indices = @transform_3, window_bounds = array<i64: 128, 8>}, {pipeline_mode = #tpu.pipeline_mode<synchronous>, transform_indices = @transform_4, window_bounds = array<i64: 128, 16>}, {transform_indices = @transform_5, window_bounds = array<i64: 6400, 128>}]} {
    %get3A = arith.constant 0 : index
    %get3A_0 = arith.constant 0 : index
    %get3A_1 = vector.load %arg3[%get3A, %get3A_0] : memref<8x8xf32, #tpu.memory_space<vmem>>, vector<8x8xf32>
    %get3A_2 = arith.constant 0 : index
    %get3A_3 = arith.constant 0 : index
    %get3A_4 = vector.load %arg1[%get3A_2, %get3A_3] : memref<8x6400xf32, #tpu.memory_space<vmem>>, vector<8x6400xf32>
    %dot_general3A = arith.constant dense<0.000000e+00> : vector<8x6400xf32>
    %dot_general3A_5 = tpu.matmul %get3A_1, %get3A_4, %dot_general3A {dimension_numbers = #tpu.dot_dimension_numbers<[1], [0], [0], [1], [0, 0, 1, 1], [], []>, transpose_lhs_hint = false} : vector<8x8xf32>, vector<8x6400xf32>, vector<8x6400xf32> -> vector<8x6400xf32>
    %logistic3A = arith.negf %dot_general3A_5 : vector<8x6400xf32>
    %logistic3A_6 = math.exp %logistic3A : vector<8x6400xf32>
    %logistic3A_7 = arith.constant 1.000000e+00 : f32
    %logistic3A_8 = vector.broadcast %logistic3A_7 : f32 to vector<8x6400xf32>
    %logistic3A_9 = arith.addf %logistic3A_8, %logistic3A_6 : vector<8x6400xf32>
    %logistic3A_10 = arith.divf %logistic3A_8, %logistic3A_9 : vector<8x6400xf32>
    %mul3A = arith.mulf %dot_general3A_5, %logistic3A_10 : vector<8x6400xf32>
    %get3A_11 = arith.constant 0 : index
    %get3A_12 = arith.constant 0 : index
    %get3A_13 = vector.load %arg5[%get3A_11, %get3A_12] : memref<128x16xf32, #tpu.memory_space<vmem>>, vector<128x16xf32>
    %get3A_14 = arith.constant 0 : index
    %get3A_15 = arith.constant 0 : index
    %get3A_16 = vector.load %arg4[%get3A_14, %get3A_15] : memref<128x8xf32, #tpu.memory_space<vmem>>, vector<128x8xf32>
    %slice3A = vector.extract_strided_slice %mul3A {offsets = [0, 0], sizes = [8, 256], strides = [1, 1]} : vector<8x6400xf32> to vector<8x256xf32>
    %dot_general3A_17 = arith.constant dense<0.000000e+00> : vector<128x256xf32>
    %dot_general3A_18 = tpu.matmul %get3A_16, %slice3A, %dot_general3A_17 {dimension_numbers = #tpu.dot_dimension_numbers<[1], [0], [0], [1], [0, 0, 1, 1], [], []>, transpose_lhs_hint = false} : vector<128x8xf32>, vector<8x256xf32>, vector<128x256xf32> -> vector<128x256xf32>
    %get3A_19 = arith.constant 0 : index
    %get3A_20 = arith.constant 0 : index
    %get3A_21 = vector.load %arg2[%get3A_19, %get3A_20] : memref<16x6400xf32, #tpu.memory_space<vmem>>, vector<16x256xf32>
    %dot_general3A_22 = arith.constant dense<0.000000e+00> : vector<128x256xf32>
    %dot_general3A_23 = tpu.matmul %get3A_13, %get3A_21, %dot_general3A_22 {dimension_numbers = #tpu.dot_dimension_numbers<[1], [0], [0], [1], [0, 0, 1, 1], [], []>, transpose_lhs_hint = false} : vector<128x16xf32>, vector<16x256xf32>, vector<128x256xf32> -> vector<128x256xf32>
    %mul3A_24 = arith.mulf %dot_general3A_18, %dot_general3A_23 : vector<128x256xf32>
    %transpose3A = tpu.transpose %mul3A_24, [1, 0] : vector<128x256xf32> -> vector<256x128xf32>
    %swap3A = arith.constant 0 : index
    %swap3A_25 = arith.constant 0 : index
    %swap3A_26 = vector.load %arg6[%swap3A, %swap3A_25] : memref<6400x128xf32, #tpu.memory_space<vmem>>, vector<256x128xf32>
    tpu.vector_store %arg6[%swap3A, %swap3A_25], %transpose3A {strides = array<i32>} : memref<6400x128xf32, #tpu.memory_space<vmem>>, vector<256x128xf32>,
    %slice3A_27 = vector.extract_strided_slice %mul3A {offsets = [0, 256], sizes = [8, 256], strides = [1, 1]} : vector<8x6400xf32> to vector<8x256xf32>
    %dot_general3A_28 = arith.constant dense<0.000000e+00> : vector<128x256xf32>
    %dot_general3A_29 = tpu.matmul %get3A_16, %slice3A_27, %dot_general3A_28 {dimension_numbers = #tpu.dot_dimension_numbers<[1], [0], [0], [1], [0, 0, 1, 1], [], []>, transpose_lhs_hint = false} : vector<128x8xf32>, vector<8x256xf32>, vector<128x256xf32> -> vector<128x256xf32>
    %get3A_30 = arith.constant 0 : index
    %get3A_31 = arith.constant 256 : index
    %get3A_32 = vector.load %arg2[%get3A_30, %get3A_31] : memref<16x6400xf32, #tpu.memory_space<vmem>>, vector<16x256xf32>
    %dot_general3A_33 = arith.constant dense<0.000000e+00> : vector<128x256xf32>
    %dot_general3A_34 = tpu.matmul %get3A_13, %get3A_32, %dot_general3A_33 {dimension_numbers = #tpu.dot_dimension_numbers<[1], [0], [0], [1], [0, 0, 1, 1], [], []>, transpose_lhs_hint = false} : vector<128x16xf32>, vector<16x256xf32>, vector<128x256xf32> -> vector<128x256xf32>
    %mul3A_35 = arith.mulf %dot_general3A_29, %dot_general3A_34 : vector<128x256xf32>
    %transpose3A_36 = tpu.transpose %mul3A_35, [1, 0] : vector<128x256xf32> -> vector<256x128xf32>
    %swap3A_37 = arith.constant 256 : index
    %swap3A_38 = arith.constant 0 : index
    %swap3A_39 = vector.load %arg6[%swap3A_37, %swap3A_38] : memref<6400x128xf32, #tpu.memory_space<vmem>>, vector<256x128xf32>
    tpu.vector_store %arg6[%swap3A_37, %swap3A_38], %transpose3A_36 {strides = array<i32>} : memref<6400x128xf32, #tpu.memory_space<vmem>>, vector<256x128xf32>,
    %slice3A_40 = vector.extract_strided_slice %mul3A {offsets = [0, 512], sizes = [8, 256], strides = [1, 1]} : vector<8x6400xf32> to vector<8x256xf32>
    %dot_general3A_41 = arith.constant dense<0.000000e+00> : vector<128x256xf32>
    %dot_general3A_42 = tpu.matmul %get3A_16, %slice3A_40, %dot_general3A_41 {dimension_numbers = #tpu.dot_dimension_numbers<[1], [0], [0], [1], [0, 0, 1, 1], [], []>, transpose_lhs_hint = false} : vector<128x8xf32>, vector<8x256xf32>, vector<128x256xf32> -> vector<128x256xf32>
    %get3A_43 = arith.constant 0 : index
    %get3A_44 = arith.constant 512 : index
    %get3A_45 = vector.load %arg2[%get3A_43, %get3A_44] : memref<16x6400xf32, #tpu.memory_space<vmem>>, vector<16x256xf32>
    %dot_general3A_46 = arith.constant dense<0.000000e+00> : vector<128x256xf32>
    %dot_general3A_47 = tpu.matmul %get3A_13, %get3A_45, %dot_general3A_46 {dimension_numbers = #tpu.dot_dimension_numbers<[1], [0], [0], [1], [0, 0, 1, 1], [], []>, transpose_lhs_hint = false} : vector<128x16xf32>, vector<16x256xf32>, vector<128x256xf32> -> vector<128x256xf32>
    %mul3A_48 = arith.mulf %dot_general3A_42, %dot_general3A_47 : vector<128x256xf32>
    %transpose3A_49 = tpu.transpose %mul3A_48, [1, 0] : vector<128x256xf32> -> vector<256x128xf32>
    %swap3A_50 = arith.constant 512 : index
    %swap3A_51 = arith.constant 0 : index
    %swap3A_52 = vector.load %arg6[%swap3A_50, %swap3A_51] : memref<6400x128xf32, #tpu.memory_space<vmem>>, vector<256x128xf32>
    tpu.vector_store %arg6[%swap3A_50, %swap3A_51], %transpose3A_49 {strides = array<i32>} : memref<6400x128xf32, #tpu.memory_space<vmem>>, vector<256x128xf32>,
    %slice3A_53 = vector.extract_strided_slice %mul3A {offsets = [0, 768], sizes = [8, 256], strides = [1, 1]} : vector<8x6400xf32> to vector<8x256xf32>
    %dot_general3A_54 = arith.constant dense<0.000000e+00> : vector<128x256xf32>
    %dot_general3A_55 = tpu.matmul %get3A_16, %slice3A_53, %dot_general3A_54 {dimension_numbers = #tpu.dot_dimension_numbers<[1], [0], [0], [1], [0, 0, 1, 1], [], []>, transpose_lhs_hint = false} : vector<128x8xf32>, vector<8x256xf32>, vector<128x256xf32> -> vector<128x256xf32>
    %get3A_56 = arith.constant 0 : index
    %get3A_57 = arith.constant 768 : index
    %get3A_58 = vector.load %arg2[%get3A_56, %get3A_57] : memref<16x6400xf32, #tpu.memory_space<vmem>>, vector<16x256xf32>
    %dot_general3A_59 = arith.constant dense<0.000000e+00> : vector<128x256xf32>
    %dot_general3A_60 = tpu.matmul %get3A_13, %get3A_58, %dot_general3A_59 {dimension_numbers = #tpu.dot_dimension_numbers<[1], [0], [0], [1], [0, 0, 1, 1], [], []>, transpose_lhs_hint = false} : vector<128x16xf32>, vector<16x256xf32>, vector<128x256xf32> -> vector<128x256xf32>
    %mul3A_61 = arith.mulf %dot_general3A_55, %dot_general3A_60 : vector<128x256xf32>
    %transpose3A_62 = tpu.transpose %mul3A_61, [1, 0] : vector<128x256xf32> -> vector<256x128xf32>
    %swap3A_63 = arith.constant 768 : index
    %swap3A_64 = arith.constant 0 : index
    %swap3A_65 = vector.load %arg6[%swap3A_63, %swap3A_64] : memref<6400x128xf32, #tpu.memory_space<vmem>>, vector<256x128xf32>
    tpu.vector_store %arg6[%swap3A_63, %swap3A_64], %transpose3A_62 {strides = array<i32>} : memref<6400x128xf32, #tpu.memory_space<vmem>>, vector<256x128xf32>,
    %slice3A_66 = vector.extract_strided_slice %mul3A {offsets = [0, 1024], sizes = [8, 256], strides = [1, 1]} : vector<8x6400xf32> to vector<8x256xf32>
    %dot_general3A_67 = arith.constant dense<0.000000e+00> : vector<128x256xf32>
    %dot_general3A_68 = tpu.matmul %get3A_16, %slice3A_66, %dot_general3A_67 {dimension_numbers = #tpu.dot_dimension_numbers<[1], [0], [0], [1], [0, 0, 1, 1], [], []>, transpose_lhs_hint = false} : vector<128x8xf32>, vector<8x256xf32>, vector<128x256xf32> -> vector<128x256xf32>
    %get3A_69 = arith.constant 0 : index
    %get3A_70 = arith.constant 1024 : index
    %get3A_71 = vector.load %arg2[%get3A_69, %get3A_70] : memref<16x6400xf32, #tpu.memory_space<vmem>>, vector<16x256xf32>
    %dot_general3A_72 = arith.constant dense<0.000000e+00> : vector<128x256xf32>
    %dot_general3A_73 = tpu.matmul %get3A_13, %get3A_71, %dot_general3A_72 {dimension_numbers = #tpu.dot_dimension_numbers<[1], [0], [0], [1], [0, 0, 1, 1], [], []>, transpose_lhs_hint = false} : vector<128x16xf32>, vector<16x256xf32>, vector<128x256xf32> -> vector<128x256xf32>
    %mul3A_74 = arith.mulf %dot_general3A_68, %dot_general3A_73 : vector<128x256xf32>
    %transpose3A_75 = tpu.transpose %mul3A_74, [1, 0] : vector<128x256xf32> -> vector<256x128xf32>
    %swap3A_76 = arith.constant 1024 : index
    %swap3A_77 = arith.constant 0 : index
    %swap3A_78 = vector.load %arg6[%swap3A_76, %swap3A_77] : memref<6400x128xf32, #tpu.memory_space<vmem>>, vector<256x128xf32>
    tpu.vector_store %arg6[%swap3A_76, %swap3A_77], %transpose3A_75 {strides = array<i32>} : memref<6400x128xf32, #tpu.memory_space<vmem>>, vector<256x128xf32>,
    %slice3A_79 = vector.extract_strided_slice %mul3A {offsets = [0, 1280], sizes = [8, 256], strides = [1, 1]} : vector<8x6400xf32> to vector<8x256xf32>
    %dot_general3A_80 = arith.constant dense<0.000000e+00> : vector<128x256xf32>
    %dot_general3A_81 = tpu.matmul %get3A_16, %slice3A_79, %dot_general3A_80 {dimension_numbers = #tpu.dot_dimension_numbers<[1], [0], [0], [1], [0, 0, 1, 1], [], []>, transpose_lhs_hint = false} : vector<128x8xf32>, vector<8x256xf32>, vector<128x256xf32> -> vector<128x256xf32>
    %get3A_82 = arith.constant 0 : index
    %get3A_83 = arith.constant 1280 : index
    %get3A_84 = vector.load %arg2[%get3A_82, %get3A_83] : memref<16x6400xf32, #tpu.memory_space<vmem>>, vector<16x256xf32>
    %dot_general3A_85 = arith.constant dense<0.000000e+00> : vector<128x256xf32>
    %dot_general3A_86 = tpu.matmul %get3A_13, %get3A_84, %dot_general3A_85 {dimension_numbers = #tpu.dot_dimension_numbers<[1], [0], [0], [1], [0, 0, 1, 1], [], []>, transpose_lhs_hint = false} : vector<128x16xf32>, vector<16x256xf32>, vector<128x256xf32> -> vector<128x256xf32>
    %mul3A_87 = arith.mulf %dot_general3A_81, %dot_general3A_86 : vector<128x256xf32>
    %transpose3A_88 = tpu.transpose %mul3A_87, [1, 0] : vector<128x256xf32> -> vector<256x128xf32>
    %swap3A_89 = arith.constant 1280 : index
    %swap3A_90 = arith.constant 0 : index
    %swap3A_91 = vector.load %arg6[%swap3A_89, %swap3A_90] : memref<6400x128xf32, #tpu.memory_space<vmem>>, vector<256x128xf32>
    tpu.vector_store %arg6[%swap3A_89, %swap3A_90], %transpose3A_88 {strides = array<i32>} : memref<6400x128xf32, #tpu.memory_space<vmem>>, vector<256x128xf32>,
    %slice3A_92 = vector.extract_strided_slice %mul3A {offsets = [0, 1536], sizes = [8, 256], strides = [1, 1]} : vector<8x6400xf32> to vector<8x256xf32>
    %dot_general3A_93 = arith.constant dense<0.000000e+00> : vector<128x256xf32>
    %dot_general3A_94 = tpu.matmul %get3A_16, %slice3A_92, %dot_general3A_93 {dimension_numbers = #tpu.dot_dimension_numbers<[1], [0], [0], [1], [0, 0, 1, 1], [], []>, transpose_lhs_hint = false} : vector<128x8xf32>, vector<8x256xf32>, vector<128x256xf32> -> vector<128x256xf32>
    %get3A_95 = arith.constant 0 : index
    %get3A_96 = arith.constant 1536 : index
    %get3A_97 = vector.load %arg2[%get3A_95, %get3A_96] : memref<16x6400xf32, #tpu.memory_space<vmem>>, vector<16x256xf32>
    %dot_general3A_98 = arith.constant dense<0.000000e+00> : vector<128x256xf32>
    %dot_general3A_99 = tpu.matmul %get3A_13, %get3A_97, %dot_general3A_98 {dimension_numbers = #tpu.dot_dimension_numbers<[1], [0], [0], [1], [0, 0, 1, 1], [], []>, transpose_lhs_hint = false} : vector<128x16xf32>, vector<16x256xf32>, vector<128x256xf32> -> vector<128x256xf32>
    %mul3A_100 = arith.mulf %dot_general3A_94, %dot_general3A_99 : vector<128x256xf32>
    %transpose3A_101 = tpu.transpose %mul3A_100, [1, 0] : vector<128x256xf32> -> vector<256x128xf32>
    %swap3A_102 = arith.constant 1536 : index
    %swap3A_103 = arith.constant 0 : index
    %swap3A_104 = vector.load %arg6[%swap3A_102, %swap3A_103] : memref<6400x128xf32, #tpu.memory_space<vmem>>, vector<256x128xf32>
    tpu.vector_store %arg6[%swap3A_102, %swap3A_103], %transpose3A_101 {strides = array<i32>} : memref<6400x128xf32, #tpu.memory_space<vmem>>, vector<256x128xf32>,
    %slice3A_105 = vector.extract_strided_slice %mul3A {offsets = [0, 1792], sizes = [8, 256], strides = [1, 1]} : vector<8x6400xf32> to vector<8x256xf32>
    %dot_general3A_106 = arith.constant dense<0.000000e+00> : vector<128x256xf32>
    %dot_general3A_107 = tpu.matmul %get3A_16, %slice3A_105, %dot_general3A_106 {dimension_numbers = #tpu.dot_dimension_numbers<[1], [0], [0], [1], [0, 0, 1, 1], [], []>, transpose_lhs_hint = false} : vector<128x8xf32>, vector<8x256xf32>, vector<128x256xf32> -> vector<128x256xf32>
    %get3A_108 = arith.constant 0 : index
    %get3A_109 = arith.constant 1792 : index
    %get3A_110 = vector.load %arg2[%get3A_108, %get3A_109] : memref<16x6400xf32, #tpu.memory_space<vmem>>, vector<16x256xf32>
    %dot_general3A_111 = arith.constant dense<0.000000e+00> : vector<128x256xf32>
    %dot_general3A_112 = tpu.matmul %get3A_13, %get3A_110, %dot_general3A_111 {dimension_numbers = #tpu.dot_dimension_numbers<[1], [0], [0], [1], [0, 0, 1, 1], [], []>, transpose_lhs_hint = false} : vector<128x16xf32>, vector<16x256xf32>, vector<128x256xf32> -> vector<128x256xf32>
    %mul3A_113 = arith.mulf %dot_general3A_107, %dot_general3A_112 : vector<128x256xf32>
    %transpose3A_114 = tpu.transpose %mul3A_113, [1, 0] : vector<128x256xf32> -> vector<256x128xf32>
    %swap3A_115 = arith.constant 1792 : index
    %swap3A_116 = arith.constant 0 : index
    %swap3A_117 = vector.load %arg6[%swap3A_115, %swap3A_116] : memref<6400x128xf32, #tpu.memory_space<vmem>>, vector<256x128xf32>
    tpu.vector_store %arg6[%swap3A_115, %swap3A_116], %transpose3A_114 {strides = array<i32>} : memref<6400x128xf32, #tpu.memory_space<vmem>>, vector<256x128xf32>,
    %slice3A_118 = vector.extract_strided_slice %mul3A {offsets = [0, 2048], sizes = [8, 256], strides = [1, 1]} : vector<8x6400xf32> to vector<8x256xf32>
    %dot_general3A_119 = arith.constant dense<0.000000e+00> : vector<128x256xf32>
    %dot_general3A_120 = tpu.matmul %get3A_16, %slice3A_118, %dot_general3A_119 {dimension_numbers = #tpu.dot_dimension_numbers<[1], [0], [0], [1], [0, 0, 1, 1], [], []>, transpose_lhs_hint = false} : vector<128x8xf32>, vector<8x256xf32>, vector<128x256xf32> -> vector<128x256xf32>
    %get3A_121 = arith.constant 0 : index
    %get3A_122 = arith.constant 2048 : index
    %get3A_123 = vector.load %arg2[%get3A_121, %get3A_122] : memref<16x6400xf32, #tpu.memory_space<vmem>>, vector<16x256xf32>
    %dot_general3A_124 = arith.constant dense<0.000000e+00> : vector<128x256xf32>
    %dot_general3A_125 = tpu.matmul %get3A_13, %get3A_123, %dot_general3A_124 {dimension_numbers = #tpu.dot_dimension_numbers<[1], [0], [0], [1], [0, 0, 1, 1], [], []>, transpose_lhs_hint = false} : vector<128x16xf32>, vector<16x256xf32>, vector<128x256xf32> -> vector<128x256xf32>
    %mul3A_126 = arith.mulf %dot_general3A_120, %dot_general3A_125 : vector<128x256xf32>
    %transpose3A_127 = tpu.transpose %mul3A_126, [1, 0] : vector<128x256xf32> -> vector<256x128xf32>
    %swap3A_128 = arith.constant 2048 : index
    %swap3A_129 = arith.constant 0 : index
    %swap3A_130 = vector.load %arg6[%swap3A_128, %swap3A_129] : memref<6400x128xf32, #tpu.memory_space<vmem>>, vector<256x128xf32>
    tpu.vector_store %arg6[%swap3A_128, %swap3A_129], %transpose3A_127 {strides = array<i32>} : memref<6400x128xf32, #tpu.memory_space<vmem>>, vector<256x128xf32>,
    %slice3A_131 = vector.extract_strided_slice %mul3A {offsets = [0, 2304], sizes = [8, 256], strides = [1, 1]} : vector<8x6400xf32> to vector<8x256xf32>
    %dot_general3A_132 = arith.constant dense<0.000000e+00> : vector<128x256xf32>
    %dot_general3A_133 = tpu.matmul %get3A_16, %slice3A_131, %dot_general3A_132 {dimension_numbers = #tpu.dot_dimension_numbers<[1], [0], [0], [1], [0, 0, 1, 1], [], []>, transpose_lhs_hint = false} : vector<128x8xf32>, vector<8x256xf32>, vector<128x256xf32> -> vector<128x256xf32>
    %get3A_134 = arith.constant 0 : index
    %get3A_135 = arith.constant 2304 : index
    %get3A_136 = vector.load %arg2[%get3A_134, %get3A_135] : memref<16x6400xf32, #tpu.memory_space<vmem>>, vector<16x256xf32>
    %dot_general3A_137 = arith.constant dense<0.000000e+00> : vector<128x256xf32>
    %dot_general3A_138 = tpu.matmul %get3A_13, %get3A_136, %dot_general3A_137 {dimension_numbers = #tpu.dot_dimension_numbers<[1], [0], [0], [1], [0, 0, 1, 1], [], []>, transpose_lhs_hint = false} : vector<128x16xf32>, vector<16x256xf32>, vector<128x256xf32> -> vector<128x256xf32>
    %mul3A_139 = arith.mulf %dot_general3A_133, %dot_general3A_138 : vector<128x256xf32>
    %transpose3A_140 = tpu.transpose %mul3A_139, [1, 0] : vector<128x256xf32> -> vector<256x128xf32>
    %swap3A_141 = arith.constant 2304 : index
    %swap3A_142 = arith.constant 0 : index
    %swap3A_143 = vector.load %arg6[%swap3A_141, %swap3A_142] : memref<6400x128xf32, #tpu.memory_space<vmem>>, vector<256x128xf32>
    tpu.vector_store %arg6[%swap3A_141, %swap3A_142], %transpose3A_140 {strides = array<i32>} : memref<6400x128xf32, #tpu.memory_space<vmem>>, vector<256x128xf32>,
    %slice3A_144 = vector.extract_strided_slice %mul3A {offsets = [0, 2560], sizes = [8, 256], strides = [1, 1]} : vector<8x6400xf32> to vector<8x256xf32>
    %dot_general3A_145 = arith.constant dense<0.000000e+00> : vector<128x256xf32>
    %dot_general3A_146 = tpu.matmul %get3A_16, %slice3A_144, %dot_general3A_145 {dimension_numbers = #tpu.dot_dimension_numbers<[1], [0], [0], [1], [0, 0, 1, 1], [], []>, transpose_lhs_hint = false} : vector<128x8xf32>, vector<8x256xf32>, vector<128x256xf32> -> vector<128x256xf32>
    %get3A_147 = arith.constant 0 : index
    %get3A_148 = arith.constant 2560 : index
    %get3A_149 = vector.load %arg2[%get3A_147, %get3A_148] : memref<16x6400xf32, #tpu.memory_space<vmem>>, vector<16x256xf32>
    %dot_general3A_150 = arith.constant dense<0.000000e+00> : vector<128x256xf32>
    %dot_general3A_151 = tpu.matmul %get3A_13, %get3A_149, %dot_general3A_150 {dimension_numbers = #tpu.dot_dimension_numbers<[1], [0], [0], [1], [0, 0, 1, 1], [], []>, transpose_lhs_hint = false} : vector<128x16xf32>, vector<16x256xf32>, vector<128x256xf32> -> vector<128x256xf32>
    %mul3A_152 = arith.mulf %dot_general3A_146, %dot_general3A_151 : vector<128x256xf32>
    %transpose3A_153 = tpu.transpose %mul3A_152, [1, 0] : vector<128x256xf32> -> vector<256x128xf32>
    %swap3A_154 = arith.constant 2560 : index
    %swap3A_155 = arith.constant 0 : index
    %swap3A_156 = vector.load %arg6[%swap3A_154, %swap3A_155] : memref<6400x128xf32, #tpu.memory_space<vmem>>, vector<256x128xf32>
    tpu.vector_store %arg6[%swap3A_154, %swap3A_155], %transpose3A_153 {strides = array<i32>} : memref<6400x128xf32, #tpu.memory_space<vmem>>, vector<256x128xf32>,
    %slice3A_157 = vector.extract_strided_slice %mul3A {offsets = [0, 2816], sizes = [8, 256], strides = [1, 1]} : vector<8x6400xf32> to vector<8x256xf32>
    %dot_general3A_158 = arith.constant dense<0.000000e+00> : vector<128x256xf32>
    %dot_general3A_159 = tpu.matmul %get3A_16, %slice3A_157, %dot_general3A_158 {dimension_numbers = #tpu.dot_dimension_numbers<[1], [0], [0], [1], [0, 0, 1, 1], [], []>, transpose_lhs_hint = false} : vector<128x8xf32>, vector<8x256xf32>, vector<128x256xf32> -> vector<128x256xf32>
    %get3A_160 = arith.constant 0 : index
    %get3A_161 = arith.constant 2816 : index
    %get3A_162 = vector.load %arg2[%get3A_160, %get3A_161] : memref<16x6400xf32, #tpu.memory_space<vmem>>, vector<16x256xf32>
    %dot_general3A_163 = arith.constant dense<0.000000e+00> : vector<128x256xf32>
    %dot_general3A_164 = tpu.matmul %get3A_13, %get3A_162, %dot_general3A_163 {dimension_numbers = #tpu.dot_dimension_numbers<[1], [0], [0], [1], [0, 0, 1, 1], [], []>, transpose_lhs_hint = false} : vector<128x16xf32>, vector<16x256xf32>, vector<128x256xf32> -> vector<128x256xf32>
    %mul3A_165 = arith.mulf %dot_general3A_159, %dot_general3A_164 : vector<128x256xf32>
    %transpose3A_166 = tpu.transpose %mul3A_165, [1, 0] : vector<128x256xf32> -> vector<256x128xf32>
    %swap3A_167 = arith.constant 2816 : index
    %swap3A_168 = arith.constant 0 : index
    %swap3A_169 = vector.load %arg6[%swap3A_167, %swap3A_168] : memref<6400x128xf32, #tpu.memory_space<vmem>>, vector<256x128xf32>
    tpu.vector_store %arg6[%swap3A_167, %swap3A_168], %transpose3A_166 {strides = array<i32>} : memref<6400x128xf32, #tpu.memory_space<vmem>>, vector<256x128xf32>,
    %slice3A_170 = vector.extract_strided_slice %mul3A {offsets = [0, 3072], sizes = [8, 256], strides = [1, 1]} : vector<8x6400xf32> to vector<8x256xf32>
    %dot_general3A_171 = arith.constant dense<0.000000e+00> : vector<128x256xf32>
    %dot_general3A_172 = tpu.matmul %get3A_16, %slice3A_170, %dot_general3A_171 {dimension_numbers = #tpu.dot_dimension_numbers<[1], [0], [0], [1], [0, 0, 1, 1], [], []>, transpose_lhs_hint = false} : vector<128x8xf32>, vector<8x256xf32>, vector<128x256xf32> -> vector<128x256xf32>
    %get3A_173 = arith.constant 0 : index
    %get3A_174 = arith.constant 3072 : index
    %get3A_175 = vector.load %arg2[%get3A_173, %get3A_174] : memref<16x6400xf32, #tpu.memory_space<vmem>>, vector<16x256xf32>
    %dot_general3A_176 = arith.constant dense<0.000000e+00> : vector<128x256xf32>
    %dot_general3A_177 = tpu.matmul %get3A_13, %get3A_175, %dot_general3A_176 {dimension_numbers = #tpu.dot_dimension_numbers<[1], [0], [0], [1], [0, 0, 1, 1], [], []>, transpose_lhs_hint = false} : vector<128x16xf32>, vector<16x256xf32>, vector<128x256xf32> -> vector<128x256xf32>
    %mul3A_178 = arith.mulf %dot_general3A_172, %dot_general3A_177 : vector<128x256xf32>
    %transpose3A_179 = tpu.transpose %mul3A_178, [1, 0] : vector<128x256xf32> -> vector<256x128xf32>
    %swap3A_180 = arith.constant 3072 : index
    %swap3A_181 = arith.constant 0 : index
    %swap3A_182 = vector.load %arg6[%swap3A_180, %swap3A_181] : memref<6400x128xf32, #tpu.memory_space<vmem>>, vector<256x128xf32>
    tpu.vector_store %arg6[%swap3A_180, %swap3A_181], %transpose3A_179 {strides = array<i32>} : memref<6400x128xf32, #tpu.memory_space<vmem>>, vector<256x128xf32>,
    %slice3A_183 = vector.extract_strided_slice %mul3A {offsets = [0, 3328], sizes = [8, 256], strides = [1, 1]} : vector<8x6400xf32> to vector<8x256xf32>
    %dot_general3A_184 = arith.constant dense<0.000000e+00> : vector<128x256xf32>
    %dot_general3A_185 = tpu.matmul %get3A_16, %slice3A_183, %dot_general3A_184 {dimension_numbers = #tpu.dot_dimension_numbers<[1], [0], [0], [1], [0, 0, 1, 1], [], []>, transpose_lhs_hint = false} : vector<128x8xf32>, vector<8x256xf32>, vector<128x256xf32> -> vector<128x256xf32>
    %get3A_186 = arith.constant 0 : index
    %get3A_187 = arith.constant 3328 : index
    %get3A_188 = vector.load %arg2[%get3A_186, %get3A_187] : memref<16x6400xf32, #tpu.memory_space<vmem>>, vector<16x256xf32>
    %dot_general3A_189 = arith.constant dense<0.000000e+00> : vector<128x256xf32>
    %dot_general3A_190 = tpu.matmul %get3A_13, %get3A_188, %dot_general3A_189 {dimension_numbers = #tpu.dot_dimension_numbers<[1], [0], [0], [1], [0, 0, 1, 1], [], []>, transpose_lhs_hint = false} : vector<128x16xf32>, vector<16x256xf32>, vector<128x256xf32> -> vector<128x256xf32>
    %mul3A_191 = arith.mulf %dot_general3A_185, %dot_general3A_190 : vector<128x256xf32>
    %transpose3A_192 = tpu.transpose %mul3A_191, [1, 0] : vector<128x256xf32> -> vector<256x128xf32>
    %swap3A_193 = arith.constant 3328 : index
    %swap3A_194 = arith.constant 0 : index
    %swap3A_195 = vector.load %arg6[%swap3A_193, %swap3A_194] : memref<6400x128xf32, #tpu.memory_space<vmem>>, vector<256x128xf32>
    tpu.vector_store %arg6[%swap3A_193, %swap3A_194], %transpose3A_192 {strides = array<i32>} : memref<6400x128xf32, #tpu.memory_space<vmem>>, vector<256x128xf32>,
    %slice3A_196 = vector.extract_strided_slice %mul3A {offsets = [0, 3584], sizes = [8, 256], strides = [1, 1]} : vector<8x6400xf32> to vector<8x256xf32>
    %dot_general3A_197 = arith.constant dense<0.000000e+00> : vector<128x256xf32>
    %dot_general3A_198 = tpu.matmul %get3A_16, %slice3A_196, %dot_general3A_197 {dimension_numbers = #tpu.dot_dimension_numbers<[1], [0], [0], [1], [0, 0, 1, 1], [], []>, transpose_lhs_hint = false} : vector<128x8xf32>, vector<8x256xf32>, vector<128x256xf32> -> vector<128x256xf32>
    %get3A_199 = arith.constant 0 : index
    %get3A_200 = arith.constant 3584 : index
    %get3A_201 = vector.load %arg2[%get3A_199, %get3A_200] : memref<16x6400xf32, #tpu.memory_space<vmem>>, vector<16x256xf32>
    %dot_general3A_202 = arith.constant dense<0.000000e+00> : vector<128x256xf32>
    %dot_general3A_203 = tpu.matmul %get3A_13, %get3A_201, %dot_general3A_202 {dimension_numbers = #tpu.dot_dimension_numbers<[1], [0], [0], [1], [0, 0, 1, 1], [], []>, transpose_lhs_hint = false} : vector<128x16xf32>, vector<16x256xf32>, vector<128x256xf32> -> vector<128x256xf32>
    %mul3A_204 = arith.mulf %dot_general3A_198, %dot_general3A_203 : vector<128x256xf32>
    %transpose3A_205 = tpu.transpose %mul3A_204, [1, 0] : vector<128x256xf32> -> vector<256x128xf32>
    %swap3A_206 = arith.constant 3584 : index
    %swap3A_207 = arith.constant 0 : index
    %swap3A_208 = vector.load %arg6[%swap3A_206, %swap3A_207] : memref<6400x128xf32, #tpu.memory_space<vmem>>, vector<256x128xf32>
    tpu.vector_store %arg6[%swap3A_206, %swap3A_207], %transpose3A_205 {strides = array<i32>} : memref<6400x128xf32, #tpu.memory_space<vmem>>, vector<256x128xf32>,
    %slice3A_209 = vector.extract_strided_slice %mul3A {offsets = [0, 3840], sizes = [8, 256], strides = [1, 1]} : vector<8x6400xf32> to vector<8x256xf32>
    %dot_general3A_210 = arith.constant dense<0.000000e+00> : vector<128x256xf32>
    %dot_general3A_211 = tpu.matmul %get3A_16, %slice3A_209, %dot_general3A_210 {dimension_numbers = #tpu.dot_dimension_numbers<[1], [0], [0], [1], [0, 0, 1, 1], [], []>, transpose_lhs_hint = false} : vector<128x8xf32>, vector<8x256xf32>, vector<128x256xf32> -> vector<128x256xf32>
    %get3A_212 = arith.constant 0 : index
    %get3A_213 = arith.constant 3840 : index
    %get3A_214 = vector.load %arg2[%get3A_212, %get3A_213] : memref<16x6400xf32, #tpu.memory_space<vmem>>, vector<16x256xf32>
    %dot_general3A_215 = arith.constant dense<0.000000e+00> : vector<128x256xf32>
    %dot_general3A_216 = tpu.matmul %get3A_13, %get3A_214, %dot_general3A_215 {dimension_numbers = #tpu.dot_dimension_numbers<[1], [0], [0], [1], [0, 0, 1, 1], [], []>, transpose_lhs_hint = false} : vector<128x16xf32>, vector<16x256xf32>, vector<128x256xf32> -> vector<128x256xf32>
    %mul3A_217 = arith.mulf %dot_general3A_211, %dot_general3A_216 : vector<128x256xf32>
    %transpose3A_218 = tpu.transpose %mul3A_217, [1, 0] : vector<128x256xf32> -> vector<256x128xf32>
    %swap3A_219 = arith.constant 3840 : index
    %swap3A_220 = arith.constant 0 : index
    %swap3A_221 = vector.load %arg6[%swap3A_219, %swap3A_220] : memref<6400x128xf32, #tpu.memory_space<vmem>>, vector<256x128xf32>
    tpu.vector_store %arg6[%swap3A_219, %swap3A_220], %transpose3A_218 {strides = array<i32>} : memref<6400x128xf32, #tpu.memory_space<vmem>>, vector<256x128xf32>,
    %slice3A_222 = vector.extract_strided_slice %mul3A {offsets = [0, 4096], sizes = [8, 256], strides = [1, 1]} : vector<8x6400xf32> to vector<8x256xf32>
    %dot_general3A_223 = arith.constant dense<0.000000e+00> : vector<128x256xf32>
    %dot_general3A_224 = tpu.matmul %get3A_16, %slice3A_222, %dot_general3A_223 {dimension_numbers = #tpu.dot_dimension_numbers<[1], [0], [0], [1], [0, 0, 1, 1], [], []>, transpose_lhs_hint = false} : vector<128x8xf32>, vector<8x256xf32>, vector<128x256xf32> -> vector<128x256xf32>
    %get3A_225 = arith.constant 0 : index
    %get3A_226 = arith.constant 4096 : index
    %get3A_227 = vector.load %arg2[%get3A_225, %get3A_226] : memref<16x6400xf32, #tpu.memory_space<vmem>>, vector<16x256xf32>
    %dot_general3A_228 = arith.constant dense<0.000000e+00> : vector<128x256xf32>
    %dot_general3A_229 = tpu.matmul %get3A_13, %get3A_227, %dot_general3A_228 {dimension_numbers = #tpu.dot_dimension_numbers<[1], [0], [0], [1], [0, 0, 1, 1], [], []>, transpose_lhs_hint = false} : vector<128x16xf32>, vector<16x256xf32>, vector<128x256xf32> -> vector<128x256xf32>
    %mul3A_230 = arith.mulf %dot_general3A_224, %dot_general3A_229 : vector<128x256xf32>
    %transpose3A_231 = tpu.transpose %mul3A_230, [1, 0] : vector<128x256xf32> -> vector<256x128xf32>
    %swap3A_232 = arith.constant 4096 : index
    %swap3A_233 = arith.constant 0 : index
    %swap3A_234 = vector.load %arg6[%swap3A_232, %swap3A_233] : memref<6400x128xf32, #tpu.memory_space<vmem>>, vector<256x128xf32>
    tpu.vector_store %arg6[%swap3A_232, %swap3A_233], %transpose3A_231 {strides = array<i32>} : memref<6400x128xf32, #tpu.memory_space<vmem>>, vector<256x128xf32>,
    %slice3A_235 = vector.extract_strided_slice %mul3A {offsets = [0, 4352], sizes = [8, 256], strides = [1, 1]} : vector<8x6400xf32> to vector<8x256xf32>
    %dot_general3A_236 = arith.constant dense<0.000000e+00> : vector<128x256xf32>
    %dot_general3A_237 = tpu.matmul %get3A_16, %slice3A_235, %dot_general3A_236 {dimension_numbers = #tpu.dot_dimension_numbers<[1], [0], [0], [1], [0, 0, 1, 1], [], []>, transpose_lhs_hint = false} : vector<128x8xf32>, vector<8x256xf32>, vector<128x256xf32> -> vector<128x256xf32>
    %get3A_238 = arith.constant 0 : index
    %get3A_239 = arith.constant 4352 : index
    %get3A_240 = vector.load %arg2[%get3A_238, %get3A_239] : memref<16x6400xf32, #tpu.memory_space<vmem>>, vector<16x256xf32>
    %dot_general3A_241 = arith.constant dense<0.000000e+00> : vector<128x256xf32>
    %dot_general3A_242 = tpu.matmul %get3A_13, %get3A_240, %dot_general3A_241 {dimension_numbers = #tpu.dot_dimension_numbers<[1], [0], [0], [1], [0, 0, 1, 1], [], []>, transpose_lhs_hint = false} : vector<128x16xf32>, vector<16x256xf32>, vector<128x256xf32> -> vector<128x256xf32>
    %mul3A_243 = arith.mulf %dot_general3A_237, %dot_general3A_242 : vector<128x256xf32>
    %transpose3A_244 = tpu.transpose %mul3A_243, [1, 0] : vector<128x256xf32> -> vector<256x128xf32>
    %swap3A_245 = arith.constant 4352 : index
    %swap3A_246 = arith.constant 0 : index
    %swap3A_247 = vector.load %arg6[%swap3A_245, %swap3A_246] : memref<6400x128xf32, #tpu.memory_space<vmem>>, vector<256x128xf32>
    tpu.vector_store %arg6[%swap3A_245, %swap3A_246], %transpose3A_244 {strides = array<i32>} : memref<6400x128xf32, #tpu.memory_space<vmem>>, vector<256x128xf32>,
    %slice3A_248 = vector.extract_strided_slice %mul3A {offsets = [0, 4608], sizes = [8, 256], strides = [1, 1]} : vector<8x6400xf32> to vector<8x256xf32>
    %dot_general3A_249 = arith.constant dense<0.000000e+00> : vector<128x256xf32>
    %dot_general3A_250 = tpu.matmul %get3A_16, %slice3A_248, %dot_general3A_249 {dimension_numbers = #tpu.dot_dimension_numbers<[1], [0], [0], [1], [0, 0, 1, 1], [], []>, transpose_lhs_hint = false} : vector<128x8xf32>, vector<8x256xf32>, vector<128x256xf32> -> vector<128x256xf32>
    %get3A_251 = arith.constant 0 : index
    %get3A_252 = arith.constant 4608 : index
    %get3A_253 = vector.load %arg2[%get3A_251, %get3A_252] : memref<16x6400xf32, #tpu.memory_space<vmem>>, vector<16x256xf32>
    %dot_general3A_254 = arith.constant dense<0.000000e+00> : vector<128x256xf32>
    %dot_general3A_255 = tpu.matmul %get3A_13, %get3A_253, %dot_general3A_254 {dimension_numbers = #tpu.dot_dimension_numbers<[1], [0], [0], [1], [0, 0, 1, 1], [], []>, transpose_lhs_hint = false} : vector<128x16xf32>, vector<16x256xf32>, vector<128x256xf32> -> vector<128x256xf32>
    %mul3A_256 = arith.mulf %dot_general3A_250, %dot_general3A_255 : vector<128x256xf32>
    %transpose3A_257 = tpu.transpose %mul3A_256, [1, 0] : vector<128x256xf32> -> vector<256x128xf32>
    %swap3A_258 = arith.constant 4608 : index
    %swap3A_259 = arith.constant 0 : index
    %swap3A_260 = vector.load %arg6[%swap3A_258, %swap3A_259] : memref<6400x128xf32, #tpu.memory_space<vmem>>, vector<256x128xf32>
    tpu.vector_store %arg6[%swap3A_258, %swap3A_259], %transpose3A_257 {strides = array<i32>} : memref<6400x128xf32, #tpu.memory_space<vmem>>, vector<256x128xf32>,
    %slice3A_261 = vector.extract_strided_slice %mul3A {offsets = [0, 4864], sizes = [8, 256], strides = [1, 1]} : vector<8x6400xf32> to vector<8x256xf32>
    %dot_general3A_262 = arith.constant dense<0.000000e+00> : vector<128x256xf32>
    %dot_general3A_263 = tpu.matmul %get3A_16, %slice3A_261, %dot_general3A_262 {dimension_numbers = #tpu.dot_dimension_numbers<[1], [0], [0], [1], [0, 0, 1, 1], [], []>, transpose_lhs_hint = false} : vector<128x8xf32>, vector<8x256xf32>, vector<128x256xf32> -> vector<128x256xf32>
    %get3A_264 = arith.constant 0 : index
    %get3A_265 = arith.constant 4864 : index
    %get3A_266 = vector.load %arg2[%get3A_264, %get3A_265] : memref<16x6400xf32, #tpu.memory_space<vmem>>, vector<16x256xf32>
    %dot_general3A_267 = arith.constant dense<0.000000e+00> : vector<128x256xf32>
    %dot_general3A_268 = tpu.matmul %get3A_13, %get3A_266, %dot_general3A_267 {dimension_numbers = #tpu.dot_dimension_numbers<[1], [0], [0], [1], [0, 0, 1, 1], [], []>, transpose_lhs_hint = false} : vector<128x16xf32>, vector<16x256xf32>, vector<128x256xf32> -> vector<128x256xf32>
    %mul3A_269 = arith.mulf %dot_general3A_263, %dot_general3A_268 : vector<128x256xf32>
    %transpose3A_270 = tpu.transpose %mul3A_269, [1, 0] : vector<128x256xf32> -> vector<256x128xf32>
    %swap3A_271 = arith.constant 4864 : index
    %swap3A_272 = arith.constant 0 : index
    %swap3A_273 = vector.load %arg6[%swap3A_271, %swap3A_272] : memref<6400x128xf32, #tpu.memory_space<vmem>>, vector<256x128xf32>
    tpu.vector_store %arg6[%swap3A_271, %swap3A_272], %transpose3A_270 {strides = array<i32>} : memref<6400x128xf32, #tpu.memory_space<vmem>>, vector<256x128xf32>,
    %slice3A_274 = vector.extract_strided_slice %mul3A {offsets = [0, 5120], sizes = [8, 256], strides = [1, 1]} : vector<8x6400xf32> to vector<8x256xf32>
    %dot_general3A_275 = arith.constant dense<0.000000e+00> : vector<128x256xf32>
    %dot_general3A_276 = tpu.matmul %get3A_16, %slice3A_274, %dot_general3A_275 {dimension_numbers = #tpu.dot_dimension_numbers<[1], [0], [0], [1], [0, 0, 1, 1], [], []>, transpose_lhs_hint = false} : vector<128x8xf32>, vector<8x256xf32>, vector<128x256xf32> -> vector<128x256xf32>
    %get3A_277 = arith.constant 0 : index
    %get3A_278 = arith.constant 5120 : index
    %get3A_279 = vector.load %arg2[%get3A_277, %get3A_278] : memref<16x6400xf32, #tpu.memory_space<vmem>>, vector<16x256xf32>
    %dot_general3A_280 = arith.constant dense<0.000000e+00> : vector<128x256xf32>
    %dot_general3A_281 = tpu.matmul %get3A_13, %get3A_279, %dot_general3A_280 {dimension_numbers = #tpu.dot_dimension_numbers<[1], [0], [0], [1], [0, 0, 1, 1], [], []>, transpose_lhs_hint = false} : vector<128x16xf32>, vector<16x256xf32>, vector<128x256xf32> -> vector<128x256xf32>
    %mul3A_282 = arith.mulf %dot_general3A_276, %dot_general3A_281 : vector<128x256xf32>
    %transpose3A_283 = tpu.transpose %mul3A_282, [1, 0] : vector<128x256xf32> -> vector<256x128xf32>
    %swap3A_284 = arith.constant 5120 : index
    %swap3A_285 = arith.constant 0 : index
    %swap3A_286 = vector.load %arg6[%swap3A_284, %swap3A_285] : memref<6400x128xf32, #tpu.memory_space<vmem>>, vector<256x128xf32>
    tpu.vector_store %arg6[%swap3A_284, %swap3A_285], %transpose3A_283 {strides = array<i32>} : memref<6400x128xf32, #tpu.memory_space<vmem>>, vector<256x128xf32>,
    %slice3A_287 = vector.extract_strided_slice %mul3A {offsets = [0, 5376], sizes = [8, 256], strides = [1, 1]} : vector<8x6400xf32> to vector<8x256xf32>
    %dot_general3A_288 = arith.constant dense<0.000000e+00> : vector<128x256xf32>
    %dot_general3A_289 = tpu.matmul %get3A_16, %slice3A_287, %dot_general3A_288 {dimension_numbers = #tpu.dot_dimension_numbers<[1], [0], [0], [1], [0, 0, 1, 1], [], []>, transpose_lhs_hint = false} : vector<128x8xf32>, vector<8x256xf32>, vector<128x256xf32> -> vector<128x256xf32>
    %get3A_290 = arith.constant 0 : index
    %get3A_291 = arith.constant 5376 : index
    %get3A_292 = vector.load %arg2[%get3A_290, %get3A_291] : memref<16x6400xf32, #tpu.memory_space<vmem>>, vector<16x256xf32>
    %dot_general3A_293 = arith.constant dense<0.000000e+00> : vector<128x256xf32>
    %dot_general3A_294 = tpu.matmul %get3A_13, %get3A_292, %dot_general3A_293 {dimension_numbers = #tpu.dot_dimension_numbers<[1], [0], [0], [1], [0, 0, 1, 1], [], []>, transpose_lhs_hint = false} : vector<128x16xf32>, vector<16x256xf32>, vector<128x256xf32> -> vector<128x256xf32>
    %mul3A_295 = arith.mulf %dot_general3A_289, %dot_general3A_294 : vector<128x256xf32>
    %transpose3A_296 = tpu.transpose %mul3A_295, [1, 0] : vector<128x256xf32> -> vector<256x128xf32>
    %swap3A_297 = arith.constant 5376 : index
    %swap3A_298 = arith.constant 0 : index
    %swap3A_299 = vector.load %arg6[%swap3A_297, %swap3A_298] : memref<6400x128xf32, #tpu.memory_space<vmem>>, vector<256x128xf32>
    tpu.vector_store %arg6[%swap3A_297, %swap3A_298], %transpose3A_296 {strides = array<i32>} : memref<6400x128xf32, #tpu.memory_space<vmem>>, vector<256x128xf32>,
    %slice3A_300 = vector.extract_strided_slice %mul3A {offsets = [0, 5632], sizes = [8, 256], strides = [1, 1]} : vector<8x6400xf32> to vector<8x256xf32>
    %dot_general3A_301 = arith.constant dense<0.000000e+00> : vector<128x256xf32>
    %dot_general3A_302 = tpu.matmul %get3A_16, %slice3A_300, %dot_general3A_301 {dimension_numbers = #tpu.dot_dimension_numbers<[1], [0], [0], [1], [0, 0, 1, 1], [], []>, transpose_lhs_hint = false} : vector<128x8xf32>, vector<8x256xf32>, vector<128x256xf32> -> vector<128x256xf32>
    %get3A_303 = arith.constant 0 : index
    %get3A_304 = arith.constant 5632 : index
    %get3A_305 = vector.load %arg2[%get3A_303, %get3A_304] : memref<16x6400xf32, #tpu.memory_space<vmem>>, vector<16x256xf32>
    %dot_general3A_306 = arith.constant dense<0.000000e+00> : vector<128x256xf32>
    %dot_general3A_307 = tpu.matmul %get3A_13, %get3A_305, %dot_general3A_306 {dimension_numbers = #tpu.dot_dimension_numbers<[1], [0], [0], [1], [0, 0, 1, 1], [], []>, transpose_lhs_hint = false} : vector<128x16xf32>, vector<16x256xf32>, vector<128x256xf32> -> vector<128x256xf32>
    %mul3A_308 = arith.mulf %dot_general3A_302, %dot_general3A_307 : vector<128x256xf32>
    %transpose3A_309 = tpu.transpose %mul3A_308, [1, 0] : vector<128x256xf32> -> vector<256x128xf32>
    %swap3A_310 = arith.constant 5632 : index
    %swap3A_311 = arith.constant 0 : index
    %swap3A_312 = vector.load %arg6[%swap3A_310, %swap3A_311] : memref<6400x128xf32, #tpu.memory_space<vmem>>, vector<256x128xf32>
    tpu.vector_store %arg6[%swap3A_310, %swap3A_311], %transpose3A_309 {strides = array<i32>} : memref<6400x128xf32, #tpu.memory_space<vmem>>, vector<256x128xf32>,
    %slice3A_313 = vector.extract_strided_slice %mul3A {offsets = [0, 5888], sizes = [8, 256], strides = [1, 1]} : vector<8x6400xf32> to vector<8x256xf32>
    %dot_general3A_314 = arith.constant dense<0.000000e+00> : vector<128x256xf32>
    %dot_general3A_315 = tpu.matmul %get3A_16, %slice3A_313, %dot_general3A_314 {dimension_numbers = #tpu.dot_dimension_numbers<[1], [0], [0], [1], [0, 0, 1, 1], [], []>, transpose_lhs_hint = false} : vector<128x8xf32>, vector<8x256xf32>, vector<128x256xf32> -> vector<128x256xf32>
    %get3A_316 = arith.constant 0 : index
    %get3A_317 = arith.constant 5888 : index
    %get3A_318 = vector.load %arg2[%get3A_316, %get3A_317] : memref<16x6400xf32, #tpu.memory_space<vmem>>, vector<16x256xf32>
    %dot_general3A_319 = arith.constant dense<0.000000e+00> : vector<128x256xf32>
    %dot_general3A_320 = tpu.matmul %get3A_13, %get3A_318, %dot_general3A_319 {dimension_numbers = #tpu.dot_dimension_numbers<[1], [0], [0], [1], [0, 0, 1, 1], [], []>, transpose_lhs_hint = false} : vector<128x16xf32>, vector<16x256xf32>, vector<128x256xf32> -> vector<128x256xf32>
    %mul3A_321 = arith.mulf %dot_general3A_315, %dot_general3A_320 : vector<128x256xf32>
    %transpose3A_322 = tpu.transpose %mul3A_321, [1, 0] : vector<128x256xf32> -> vector<256x128xf32>
    %swap3A_323 = arith.constant 5888 : index
    %swap3A_324 = arith.constant 0 : index
    %swap3A_325 = vector.load %arg6[%swap3A_323, %swap3A_324] : memref<6400x128xf32, #tpu.memory_space<vmem>>, vector<256x128xf32>
    tpu.vector_store %arg6[%swap3A_323, %swap3A_324], %transpose3A_322 {strides = array<i32>} : memref<6400x128xf32, #tpu.memory_space<vmem>>, vector<256x128xf32>,
    %slice3A_326 = vector.extract_strided_slice %mul3A {offsets = [0, 6144], sizes = [8, 256], strides = [1, 1]} : vector<8x6400xf32> to vector<8x256xf32>
    %dot_general3A_327 = arith.constant dense<0.000000e+00> : vector<128x256xf32>
    %dot_general3A_328 = tpu.matmul %get3A_16, %slice3A_326, %dot_general3A_327 {dimension_numbers = #tpu.dot_dimension_numbers<[1], [0], [0], [1], [0, 0, 1, 1], [], []>, transpose_lhs_hint = false} : vector<128x8xf32>, vector<8x256xf32>, vector<128x256xf32> -> vector<128x256xf32>
    %get3A_329 = arith.constant 0 : index
    %get3A_330 = arith.constant 6144 : index
    %get3A_331 = vector.load %arg2[%get3A_329, %get3A_330] : memref<16x6400xf32, #tpu.memory_space<vmem>>, vector<16x256xf32>
    %dot_general3A_332 = arith.constant dense<0.000000e+00> : vector<128x256xf32>
    %dot_general3A_333 = tpu.matmul %get3A_13, %get3A_331, %dot_general3A_332 {dimension_numbers = #tpu.dot_dimension_numbers<[1], [0], [0], [1], [0, 0, 1, 1], [], []>, transpose_lhs_hint = false} : vector<128x16xf32>, vector<16x256xf32>, vector<128x256xf32> -> vector<128x256xf32>
    %mul3A_334 = arith.mulf %dot_general3A_328, %dot_general3A_333 : vector<128x256xf32>
    %transpose3A_335 = tpu.transpose %mul3A_334, [1, 0] : vector<128x256xf32> -> vector<256x128xf32>
    %swap3A_336 = arith.constant 6144 : index
    %swap3A_337 = arith.constant 0 : index
    %swap3A_338 = vector.load %arg6[%swap3A_336, %swap3A_337] : memref<6400x128xf32, #tpu.memory_space<vmem>>, vector<256x128xf32>
    tpu.vector_store %arg6[%swap3A_336, %swap3A_337], %transpose3A_335 {strides = array<i32>} : memref<6400x128xf32, #tpu.memory_space<vmem>>, vector<256x128xf32>,
    return
  }
  func.func @transform_0(%arg0: i32) -> (i32, i32) {
    %c0_i32 = arith.constant 0 : i32
    %c0_i32_0 = arith.constant 0 : i32
    return %c0_i32, %arg0 : i32, i32
  }
  func.func @transform_1(%arg0: i32) -> (i32, i32) {
    %c0_i32 = arith.constant 0 : i32
    %c0_i32_0 = arith.constant 0 : i32
    return %c0_i32, %arg0 : i32, i32
  }
  func.func @transform_2(%arg0: i32) -> (i32, i32) {
    %c0_i32 = arith.constant 0 : i32
    %c0_i32_0 = arith.constant 0 : i32
    %c0_i32_1 = arith.constant 0 : i32
    return %c0_i32, %c0_i32_0 : i32, i32
  }
  func.func @transform_3(%arg0: i32) -> (i32, i32) {
    %c0_i32 = arith.constant 0 : i32
    %c0_i32_0 = arith.constant 0 : i32
    %c0_i32_1 = arith.constant 0 : i32
    return %c0_i32, %c0_i32_0 : i32, i32
  }
  func.func @transform_4(%arg0: i32) -> (i32, i32) {
    %c0_i32 = arith.constant 0 : i32
    %c0_i32_0 = arith.constant 0 : i32
    %c0_i32_1 = arith.constant 0 : i32
    return %c0_i32, %c0_i32_0 : i32, i32
  }
  func.func @transform_5(%arg0: i32) -> (i32, i32) {
    %c0_i32 = arith.constant 0 : i32
    %c0_i32_0 = arith.constant 0 : i32
    return %arg0, %c0_i32 : i32, i32
  }
}

module attributes {stable_mosaic.version = 14 : i64} {
  func.func @_out_body(%arg0: i32, %arg1: memref<2x1000x64xf32, #tpu.memory_space<vmem>>, %arg2: memref<2x1000x64xf32, #tpu.memory_space<vmem>>, %arg3: memref<1000x128xf32, #tpu.memory_space<vmem>>, %arg4: memref<1000x1xi32, #tpu.memory_space<vmem>>, %arg5: memref<128x128xf32, #tpu.memory_space<vmem>>, %arg6: memref<4x128x128xf32, #tpu.memory_space<vmem>>, %arg7: memref<1000x128xf32, #tpu.memory_space<vmem>>) attributes {dimension_semantics = [#tpu.dimension_semantics<arbitrary>], iteration_bounds = array<i64: 10>, scalar_prefetch = 0 : i64, scratch_operands = 0 : i64, tpu.core_type = #tpu.core_type<tc>, window_params = [{transform_indices = @transform_0, window_bounds = array<i64: 2, 1000, 64>}, {transform_indices = @transform_1, window_bounds = array<i64: 2, 1000, 64>}, {transform_indices = @transform_2, window_bounds = array<i64: 1000, 128>}, {transform_indices = @transform_3, window_bounds = array<i64: 1000, 1>}, {pipeline_mode = #tpu.pipeline_mode<synchronous>, transform_indices = @transform_4, window_bounds = array<i64: 128, 128>}, {pipeline_mode = #tpu.pipeline_mode<synchronous>, transform_indices = @transform_5, window_bounds = array<i64: 4, 128, 128>}, {transform_indices = @transform_6, window_bounds = array<i64: 1000, 128>}]} {
    %get3A = arith.constant 0 : index
    %get3A_0 = arith.constant 0 : index
    %get3A_1 = arith.constant 0 : index
    %get3A_2 = vector.load %arg1[%get3A, %get3A_0, %get3A_1] : memref<2x1000x64xf32, #tpu.memory_space<vmem>>, vector<1x1000x64xf32>
    %get3A_3 = vector.shape_cast %get3A_2 : vector<1x1000x64xf32> to vector<1000x64xf32>
    %get3A_4 = arith.constant 1 : index
    %get3A_5 = arith.constant 0 : index
    %get3A_6 = arith.constant 0 : index
    %get3A_7 = vector.load %arg1[%get3A_4, %get3A_5, %get3A_6] : memref<2x1000x64xf32, #tpu.memory_space<vmem>>, vector<1x1000x64xf32>
    %get3A_8 = vector.shape_cast %get3A_7 : vector<1x1000x64xf32> to vector<1000x64xf32>
    %add3A = arith.addf %get3A_3, %get3A_8 : vector<1000x64xf32>
    %mul3A = arith.constant 0.176776692 : f32
    %mul3A_9 = vector.broadcast %mul3A : f32 to vector<1000x64xf32>
    %mul3A_10 = arith.mulf %add3A, %mul3A_9 : vector<1000x64xf32>
    %get3A_11 = arith.constant 0 : index
    %get3A_12 = arith.constant 0 : index
    %get3A_13 = arith.constant 0 : index
    %get3A_14 = vector.load %arg2[%get3A_11, %get3A_12, %get3A_13] : memref<2x1000x64xf32, #tpu.memory_space<vmem>>, vector<1x1000x64xf32>
    %get3A_15 = vector.shape_cast %get3A_14 : vector<1x1000x64xf32> to vector<1000x64xf32>
    %get3A_16 = arith.constant 1 : index
    %get3A_17 = arith.constant 0 : index
    %get3A_18 = arith.constant 0 : index
    %get3A_19 = vector.load %arg2[%get3A_16, %get3A_17, %get3A_18] : memref<2x1000x64xf32, #tpu.memory_space<vmem>>, vector<1x1000x64xf32>
    %get3A_20 = vector.shape_cast %get3A_19 : vector<1x1000x64xf32> to vector<1000x64xf32>
    %add3A_21 = arith.addf %get3A_15, %get3A_20 : vector<1000x64xf32>
    %mul3A_22 = arith.constant 0.176776692 : f32
    %mul3A_23 = vector.broadcast %mul3A_22 : f32 to vector<1000x64xf32>
    %mul3A_24 = arith.mulf %add3A_21, %mul3A_23 : vector<1000x64xf32>
    %get3A_25 = arith.constant 0 : index
    %get3A_26 = arith.constant 0 : index
    %get3A_27 = vector.load %arg5[%get3A_25, %get3A_26] : memref<128x128xf32, #tpu.memory_space<vmem>>, vector<64x128xf32>
    %dot_general3A = arith.constant dense<0.000000e+00> : vector<1000x128xf32>
    %dot_general3A_28 = tpu.matmul %mul3A_10, %get3A_27, %dot_general3A {dimension_numbers = #tpu.dot_dimension_numbers<[1], [0], [0], [1], [0, 0, 1, 1], [], []>, transpose_lhs_hint = false} : vector<1000x64xf32>, vector<64x128xf32>, vector<1000x128xf32> -> vector<1000x128xf32>
    %get3A_29 = arith.constant 64 : index
    %get3A_30 = arith.constant 0 : index
    %get3A_31 = vector.load %arg5[%get3A_29, %get3A_30] : memref<128x128xf32, #tpu.memory_space<vmem>>, vector<64x128xf32>
    %dot_general3A_32 = arith.constant dense<0.000000e+00> : vector<1000x128xf32>
    %dot_general3A_33 = tpu.matmul %mul3A_24, %get3A_31, %dot_general3A_32 {dimension_numbers = #tpu.dot_dimension_numbers<[1], [0], [0], [1], [0, 0, 1, 1], [], []>, transpose_lhs_hint = false} : vector<1000x64xf32>, vector<64x128xf32>, vector<1000x128xf32> -> vector<1000x128xf32>
    %add3A_34 = arith.addf %dot_general3A_28, %dot_general3A_33 : vector<1000x128xf32>
    %get3A_35 = arith.constant 0 : index
    %get3A_36 = arith.constant 0 : index
    %get3A_37 = vector.load %arg3[%get3A_35, %get3A_36] : memref<1000x128xf32, #tpu.memory_space<vmem>>, vector<1000x128xf32>
    %get3A_38 = arith.constant 0 : index
    %get3A_39 = arith.constant 0 : index
    %get3A_40 = vector.load %arg4[%get3A_38, %get3A_39] : memref<1000x1xi32, #tpu.memory_space<vmem>>, vector<1000x1xi32>
    %broadcast_in_dim3A = arith.constant 0.000000e+00 : f32
    %broadcast_in_dim3A_41 = vector.broadcast %broadcast_in_dim3A : f32 to vector<1000x128xf32>
    %get3A_42 = arith.constant 0 : index
    %get3A_43 = arith.constant 0 : index
    %get3A_44 = arith.constant 0 : index
    %get3A_45 = vector.load %arg6[%get3A_42, %get3A_43, %get3A_44] : memref<4x128x128xf32, #tpu.memory_space<vmem>>, vector<1x128x128xf32>
    %get3A_46 = vector.shape_cast %get3A_45 : vector<1x128x128xf32> to vector<128x128xf32>
    %dot_general3A_47 = arith.constant dense<0.000000e+00> : vector<1000x128xf32>
    %dot_general3A_48 = tpu.matmul %get3A_37, %get3A_46, %dot_general3A_47 {dimension_numbers = #tpu.dot_dimension_numbers<[1], [0], [0], [1], [0, 0, 1, 1], [], []>, transpose_lhs_hint = false} : vector<1000x128xf32>, vector<128x128xf32>, vector<1000x128xf32> -> vector<1000x128xf32>
    %eq3A = arith.constant 0 : i32
    %eq3A_49 = vector.broadcast %eq3A : i32 to vector<1000x1xi32>
    %eq3A_50 = arith.cmpi eq, %get3A_40, %eq3A_49 : vector<1000x1xi32>
    %broadcast_in_dim3A_51 = vector.shape_cast %eq3A_50 : vector<1000x1xi1> to vector<1000x1xi1>
    %broadcast_in_dim3A_52 = vector.broadcast %broadcast_in_dim3A_51 : vector<1000x1xi1> to vector<1000x128xi1>
    %select_n3A = arith.select %broadcast_in_dim3A_52, %dot_general3A_48, %broadcast_in_dim3A_41 : vector<1000x128xi1>, vector<1000x128xf32>
    %get3A_53 = arith.constant 1 : index
    %get3A_54 = arith.constant 0 : index
    %get3A_55 = arith.constant 0 : index
    %get3A_56 = vector.load %arg6[%get3A_53, %get3A_54, %get3A_55] : memref<4x128x128xf32, #tpu.memory_space<vmem>>, vector<1x128x128xf32>
    %get3A_57 = vector.shape_cast %get3A_56 : vector<1x128x128xf32> to vector<128x128xf32>
    %dot_general3A_58 = arith.constant dense<0.000000e+00> : vector<1000x128xf32>
    %dot_general3A_59 = tpu.matmul %get3A_37, %get3A_57, %dot_general3A_58 {dimension_numbers = #tpu.dot_dimension_numbers<[1], [0], [0], [1], [0, 0, 1, 1], [], []>, transpose_lhs_hint = false} : vector<1000x128xf32>, vector<128x128xf32>, vector<1000x128xf32> -> vector<1000x128xf32>
    %eq3A_60 = arith.constant 1 : i32
    %eq3A_61 = vector.broadcast %eq3A_60 : i32 to vector<1000x1xi32>
    %eq3A_62 = arith.cmpi eq, %get3A_40, %eq3A_61 : vector<1000x1xi32>
    %broadcast_in_dim3A_63 = vector.shape_cast %eq3A_62 : vector<1000x1xi1> to vector<1000x1xi1>
    %broadcast_in_dim3A_64 = vector.broadcast %broadcast_in_dim3A_63 : vector<1000x1xi1> to vector<1000x128xi1>
    %select_n3A_65 = arith.select %broadcast_in_dim3A_64, %dot_general3A_59, %select_n3A : vector<1000x128xi1>, vector<1000x128xf32>
    %get3A_66 = arith.constant 2 : index
    %get3A_67 = arith.constant 0 : index
    %get3A_68 = arith.constant 0 : index
    %get3A_69 = vector.load %arg6[%get3A_66, %get3A_67, %get3A_68] : memref<4x128x128xf32, #tpu.memory_space<vmem>>, vector<1x128x128xf32>
    %get3A_70 = vector.shape_cast %get3A_69 : vector<1x128x128xf32> to vector<128x128xf32>
    %dot_general3A_71 = arith.constant dense<0.000000e+00> : vector<1000x128xf32>
    %dot_general3A_72 = tpu.matmul %get3A_37, %get3A_70, %dot_general3A_71 {dimension_numbers = #tpu.dot_dimension_numbers<[1], [0], [0], [1], [0, 0, 1, 1], [], []>, transpose_lhs_hint = false} : vector<1000x128xf32>, vector<128x128xf32>, vector<1000x128xf32> -> vector<1000x128xf32>
    %eq3A_73 = arith.constant 2 : i32
    %eq3A_74 = vector.broadcast %eq3A_73 : i32 to vector<1000x1xi32>
    %eq3A_75 = arith.cmpi eq, %get3A_40, %eq3A_74 : vector<1000x1xi32>
    %broadcast_in_dim3A_76 = vector.shape_cast %eq3A_75 : vector<1000x1xi1> to vector<1000x1xi1>
    %broadcast_in_dim3A_77 = vector.broadcast %broadcast_in_dim3A_76 : vector<1000x1xi1> to vector<1000x128xi1>
    %select_n3A_78 = arith.select %broadcast_in_dim3A_77, %dot_general3A_72, %select_n3A_65 : vector<1000x128xi1>, vector<1000x128xf32>
    %get3A_79 = arith.constant 3 : index
    %get3A_80 = arith.constant 0 : index
    %get3A_81 = arith.constant 0 : index
    %get3A_82 = vector.load %arg6[%get3A_79, %get3A_80, %get3A_81] : memref<4x128x128xf32, #tpu.memory_space<vmem>>, vector<1x128x128xf32>
    %get3A_83 = vector.shape_cast %get3A_82 : vector<1x128x128xf32> to vector<128x128xf32>
    %dot_general3A_84 = arith.constant dense<0.000000e+00> : vector<1000x128xf32>
    %dot_general3A_85 = tpu.matmul %get3A_37, %get3A_83, %dot_general3A_84 {dimension_numbers = #tpu.dot_dimension_numbers<[1], [0], [0], [1], [0, 0, 1, 1], [], []>, transpose_lhs_hint = false} : vector<1000x128xf32>, vector<128x128xf32>, vector<1000x128xf32> -> vector<1000x128xf32>
    %eq3A_86 = arith.constant 3 : i32
    %eq3A_87 = vector.broadcast %eq3A_86 : i32 to vector<1000x1xi32>
    %eq3A_88 = arith.cmpi eq, %get3A_40, %eq3A_87 : vector<1000x1xi32>
    %broadcast_in_dim3A_89 = vector.shape_cast %eq3A_88 : vector<1000x1xi1> to vector<1000x1xi1>
    %broadcast_in_dim3A_90 = vector.broadcast %broadcast_in_dim3A_89 : vector<1000x1xi1> to vector<1000x128xi1>
    %select_n3A_91 = arith.select %broadcast_in_dim3A_90, %dot_general3A_85, %select_n3A_78 : vector<1000x128xi1>, vector<1000x128xf32>
    %add3A_92 = arith.addf %add3A_34, %select_n3A_91 : vector<1000x128xf32>
    %logistic3A = arith.negf %add3A_92 : vector<1000x128xf32>
    %logistic3A_93 = math.exp %logistic3A : vector<1000x128xf32>
    %logistic3A_94 = arith.constant 1.000000e+00 : f32
    %logistic3A_95 = vector.broadcast %logistic3A_94 : f32 to vector<1000x128xf32>
    %logistic3A_96 = arith.addf %logistic3A_95, %logistic3A_93 : vector<1000x128xf32>
    %logistic3A_97 = arith.divf %logistic3A_95, %logistic3A_96 : vector<1000x128xf32>
    %mul3A_98 = arith.mulf %add3A_92, %logistic3A_97 : vector<1000x128xf32>
    %swap3A = arith.constant 0 : index
    %swap3A_99 = arith.constant 0 : index
    %swap3A_100 = vector.load %arg7[%swap3A, %swap3A_99] : memref<1000x128xf32, #tpu.memory_space<vmem>>, vector<1000x128xf32>
    tpu.vector_store %arg7[%swap3A, %swap3A_99], %mul3A_98 {strides = array<i32>} : memref<1000x128xf32, #tpu.memory_space<vmem>>, vector<1000x128xf32>,
    return
  }
  func.func @transform_0(%arg0: i32) -> (i32, i32, i32) {
    %c0_i32 = arith.constant 0 : i32
    %c0_i32_0 = arith.constant 0 : i32
    %c0_i32_1 = arith.constant 0 : i32
    return %c0_i32, %arg0, %c0_i32_0 : i32, i32, i32
  }
  func.func @transform_1(%arg0: i32) -> (i32, i32, i32) {
    %c0_i32 = arith.constant 0 : i32
    %c0_i32_0 = arith.constant 0 : i32
    %c0_i32_1 = arith.constant 0 : i32
    return %c0_i32, %arg0, %c0_i32_0 : i32, i32, i32
  }
  func.func @transform_2(%arg0: i32) -> (i32, i32) {
    %c0_i32 = arith.constant 0 : i32
    %c0_i32_0 = arith.constant 0 : i32
    return %arg0, %c0_i32 : i32, i32
  }
  func.func @transform_3(%arg0: i32) -> (i32, i32) {
    %c0_i32 = arith.constant 0 : i32
    %c0_i32_0 = arith.constant 0 : i32
    return %arg0, %c0_i32 : i32, i32
  }
  func.func @transform_4(%arg0: i32) -> (i32, i32) {
    %c0_i32 = arith.constant 0 : i32
    %c0_i32_0 = arith.constant 0 : i32
    %c0_i32_1 = arith.constant 0 : i32
    return %c0_i32, %c0_i32_0 : i32, i32
  }
  func.func @transform_5(%arg0: i32) -> (i32, i32, i32) {
    %c0_i32 = arith.constant 0 : i32
    %c0_i32_0 = arith.constant 0 : i32
    %c0_i32_1 = arith.constant 0 : i32
    %c0_i32_2 = arith.constant 0 : i32
    return %c0_i32, %c0_i32_0, %c0_i32_1 : i32, i32, i32
  }
  func.func @transform_6(%arg0: i32) -> (i32, i32) {
    %c0_i32 = arith.constant 0 : i32
    %c0_i32_0 = arith.constant 0 : i32
    return %arg0, %c0_i32 : i32, i32
  }
}

</mosaic_0001>

<sc_bundles>
// kernel: kernel.10.cloned.1.call-start
scs
__scs_entry_jumppad:
0x0: {  	(pc) =	sbr.rel $0x88, $3  }
0x1: {  	(tag) =	ssettag $0x0;
	lr =	simm.s32 $0x1  }
0x2: {  	[smem:$0x3F95] =	sst lr;
	_ =	strace $0xD0000000  }
0x3: {  	_ = 	snop  }
0x4: {  	_ = 	snop  }
0x5: {  	_ = 	snop  }
0x6: {  	_ = 	snop  }
0x7: {  	_ = 	snop  }
__scs_overlays_trampoline_lowered:
0x8: {  	[smem:$0x3FA4] =	sst s0  }
0x9: {  	[smem:$0x3FA5] =	sst s1  }
0xa: {  	[smem:$0x3FA6] =	sst s2  }
0xb: {  	[smem:$0x3FA7] =	sst s3  }
0xc: {  	[smem:$0x3FA8] =	sst s4  }
0xd: {  	[smem:$0x3FA9] =	sst s5  }
0xe: {  	[smem:$0x3FAA] =	sst s6  }
0xf: {  	[smem:$0x3FAB] =	sst s7  }
0x10: {  	[smem:$0x3FAC] =	sst s8  }
0x11: {  	[smem:$0x3FAD] =	sst s9;
	s0 =	simm.s32 @!p0 $0x0  }
0x12: {  	s1 =	sld [smem:$0x3F93];
	s0 =	simm.s32 @p0 $0x1  }
0x13: {  	[smem:$0x3FAE] =	sst s0;
	s0 =	simm.s32 @!p1 $0x0  }
0x14: {  	s2 =	sld [smem:$0x3F92];
	s0 =	simm.s32 @p1 $0x1  }
0x15: {  	[smem:$0x3FAF] =	sst s0;
	s0 =	simm.s32 @!p2 $0x0  }
0x16: {  	s3 =	sld [smem:$0x3FDB];
	s0 =	simm.s32 @p2 $0x1  }
0x17: {  	s4 =	simm.s32 $0x1BF5;
	[smem:$0x3FB1] =	sst s0  }
0x18: {  	s0 =	sld [smem:$0x3F94];
	_ =	swait.ge [sflag:s4], $0x0  }
0x19: {  	s7 =	sld [smem:$0x3F95]  }
0x1a: {  	s8 =	sadd.s32 $0xFFFFE003, lr  }
0x1b: {  	s9 =	sadd.s32 $0xFFFFFEF7, lr;
	s5 =	simm.s32 $0xFFFFFFFF;
	p2 =	slt.u32 s8, $0xFFFFF086  }
0x1c: {  	p1 =	slt.u32 s9, $0xF7A;
	s5 =	simm.s32 @!p2 $0x0  }
0x1d: {  	s5 =	simm.s32 @p1 $0x1;
	p0 =	seq.s32 s7, s2  }
0x1e: {  	s7 =	smul.u32 @!p0 $0xF7A, s2;
	p2 =	seq.s32 @!p0 s5, $0x0  }
0x1f: {  	s9 =	smul.u32 $0xF7A, s1;
	s8 =	simm.s32 @!p0 $0x1BF5;
	p2 =	por !p2, p0  }
0x20: {  	[sflag:s8] =	ssyncset.s32 @!p0 $0xFFFFF086;
	s6 =	sadd.s32 @!p0 s3, s7;
	s7 =	simm.s32 @!p0 $0x108  }
0x21: {  	s3 =	sadd.s32 s3, s9;
	s6 =	sadd.s32 @!p0 $0x88, s6;
	s7 =	simm.s32 @p2 $0x1082  }
0x22: {  	[simem:s7], [sflag:s8] =	dma.local @!p0 [hbm:s6], $0xF7A  }
0x23: {  	s9 =	sor.u32 $0xD0000000, s2;
	s6 =	simm.s32 $0x108;
	_ =	swait.ge @!p0 [sflag:s8], $0x0  }
0x24: {  	s3 =	sadd.s32 $0x88, s3;
	s6 =	simm.s32 @!p1 $0x1082;
	[sflag:s4] =	ssyncset.s32 $0xFFFFF086  }
0x25: {  	[simem:s6], [sflag:s4] =	dma.local [hbm:s3], $0xF7A  }
0x26: {  	[smem:$0x3F95] =	sst s1;
	(tag) =	ssettag s2;
	_ =	strace s9  }
0x27: {  	s1 =	sld [smem:$0x3FA5]  }
0x28: {  	s2 =	sld [smem:$0x3FA6]  }
0x29: {  	s4 =	sld [smem:$0x3FA8]  }
0x2a: {  	p0 =	seq.s32 s5, $0x0;
	s5 =	sld [smem:$0x3FA9]  }
0x2b: {  	s6 =	sld [smem:$0x3FAA]  }
0x2c: {  	s7 =	sld [smem:$0x3FAB]  }
0x2d: {  	s3 =	simm.s32 $0x108;
	s8 =	sld [smem:$0x3FAC]  }
0x2e: {  	s3 =	simm.s32 @!p0 $0x1082;
	s9 =	sld [smem:$0x3FAD]  }
0x2f: {  	lr =	sadd.s32 s0, s3;
	s0 =	sld [smem:$0x3FA4]  }
0x30: {  	s3 =	sld [smem:$0x3FA7]  }
0x31: {  	[smem:$0x3FB0] =	sst s10  }
0x32: {  	s10 =	sld [smem:$0x3FAE];
	_ =	sdelay $0x3  }
0x33: {  	p0 =	seq.s32 s10, $0x1;
	s10 =	sld [smem:$0x3FB0];
	_ =	sdelay $0x3  }
0x34: {  	[smem:$0x3FB0] =	sst s10  }
0x35: {  	s10 =	sld [smem:$0x3FAF];
	_ =	sdelay $0x3  }
0x36: {  	p1 =	seq.s32 s10, $0x1;
	s10 =	sld [smem:$0x3FB0];
	_ =	sdelay $0x3  }
0x37: {  	[smem:$0x3FB0] =	sst s10  }
0x38: {  	s10 =	sld [smem:$0x3FB1]  }
0x39: {  	_ = 	snop;
	(pc) =	sbr.ind lr, $3  }
0x3a: {  	_ = 	snop  }
0x3b: {  	_ = 	snop  }
0x3c: {  	p2 =	seq.s32 s10, $0x1;
	s10 =	sld [smem:$0x3FB0]  }
0x3d: {  	_ =	shalt  }
0x3e: {  	_ =	shalt  }
0x3f: {  	_ =	shalt  }
0x40: {  	_ =	shalt  }
0x41: {  	_ =	shalt  }
0x42: {  	_ =	shalt  }
0x43: {  	_ =	shalt  }
0x44: {  	_ =	shalt  }
0x45: {  	_ =	shalt  }
0x46: {  	_ =	shalt  }
0x47: {  	_ =	shalt  }
0x48: {  	_ =	shalt  }
0x49: {  	_ =	shalt  }
0x4a: {  	_ =	shalt  }
0x4b: {  	_ =	shalt  }
0x4c: {  	_ =	shalt  }
0x4d: {  	_ =	shalt  }
0x4e: {  	_ =	shalt  }
0x4f: {  	_ =	shalt  }
0x50: {  	_ =	shalt  }
0x51: {  	_ =	shalt  }
0x52: {  	_ =	shalt  }
0x53: {  	_ =	shalt  }
0x54: {  	_ =	shalt  }
0x55: {  	_ =	shalt  }
0x56: {  	_ =	shalt  }
0x57: {  	_ =	shalt  }
0x58: {  	_ =	shalt  }
0x59: {  	_ =	shalt  }
0x5a: {  	_ =	shalt  }
0x5b: {  	_ =	shalt  }
0x5c: {  	_ =	shalt  }
0x5d: {  	_ =	shalt  }
0x5e: {  	_ =	shalt  }
0x5f: {  	_ =	shalt  }
0x60: {  	_ =	shalt  }
0x61: {  	_ =	shalt  }
0x62: {  	_ =	shalt  }
0x63: {  	_ =	shalt  }
0x64: {  	_ =	shalt  }
0x65: {  	_ =	shalt  }
0x66: {  	_ =	shalt  }
0x67: {  	_ =	shalt  }
0x68: {  	_ =	shalt  }
0x69: {  	_ =	shalt  }
0x6a: {  	_ =	shalt  }
0x6b: {  	_ =	shalt  }
0x6c: {  	_ =	shalt  }
0x6d: {  	_ =	shalt  }
0x6e: {  	_ =	shalt  }
0x6f: {  	_ =	shalt  }
0x70: {  	_ =	shalt  }
0x71: {  	_ =	shalt  }
0x72: {  	_ =	shalt  }
0x73: {  	_ =	shalt  }
0x74: {  	_ =	shalt  }
0x75: {  	_ =	shalt  }
0x76: {  	_ =	shalt  }
0x77: {  	_ =	shalt  }
0x78: {  	_ =	shalt  }
0x79: {  	_ =	shalt  }
0x7a: {  	_ =	shalt  }
0x7b: {  	_ =	shalt  }
0x7c: {  	_ =	shalt  }
0x7d: {  	_ =	shalt  }
0x7e: {  	_ =	shalt  }
0x7f: {  	_ =	shalt  }
0x80: {  	_ =	shalt  }
0x81: {  	_ =	shalt  }
0x82: {  	_ =	shalt  }
0x83: {  	_ =	shalt  }
0x84: {  	_ =	shalt  }
0x85: {  	_ =	shalt  }
0x86: {  	_ =	shalt  }
0x87: {  	_ =	shalt  }
.Lfunc_end0:
.L_simem_size_0:
called_computation.1_lowered:
.L_overlay_start_0:
0x88: {  	s2 =	sld [smem:$0x3FD9]  }
0x89: {  	s3 =	sld [smem:$0x3FFE];
	_ =	sdelay $0x1  }
0x8a: {  	s1 =	srdreg.scid  }
0x8b: {  	s0 =	sand.u32 $0x1, s1  }
0x8c: {  	s16 =	sshll.u32 s0, $0xA;
	s2 =	sadd.s32 s3, s2  }
0x8d: {  	s2 =	sadd.s32 s2, s16  }
0x8e: {  	[smem:$0x3FBC] =	sst s2  }
0x8f: {  	_ = 	snop  }
0x90: {  	(tm) =	ssettm $0x1  }
0x91: {  	s17 =	sld [smem:$0x3FFB];
	_ =	sdelay $0x3  }
0x92: {  	_ =	strace s17  }
0x93: {  	s2 =	sld [smem:$0x3FFC];
	_ =	sdelay $0x3  }
0x94: {  	_ =	strace s2  }
0x95: {  	s2 =	sld [smem:$0x3FFD];
	_ =	sdelay $0x3  }
0x96: {  	_ =	strace s2  }
0x97: {  	_ =	strace $0x8FFFFFFF  }
0x98: {  	s18 =	sld [smem:$0x3FDB];
	_ =	sdelay $0x1  }
0x99: {  	s19 =	simm.s32 $_scs_section_size  }
0x9a: {  	s4 =	simm.s32 $_size__tile_overlayer_lowered;
	s5 =	simm.s32 $_tile_overlayer_lowered  }
0x9b: {  	s22 =	simm.s32 $0x1BFF;
	s21 =	sshll.u32 s5, $0x1;
	s2 =	sadd.s32 s19, s18  }
0x9c: {  	s6 =	simm.s32 $0x0;
	s20 =	sshll.u32 s4, $0x1;
	s4 =	sadd.s32 s21, s2  }
0x9d: {  	[timem:s6], [sflag:s22] =	dma.local [hbm:s4], s20  }
0x9e: {  	_ =	swait.ge [sflag:s22], s20  }
0x9f: {  	s3 =	ssub.s32 $0x0, s20;
	[sflag:s22] =	ssyncset.done $0x0  }
0xa0: {  	[sflag:s22] =	ssyncadd.s32 s3;
	_ =	sdelay $0x1  }
0xa1: {  	s23 =	simm.s32 $0x1B8B  }
0xa2: {  	_ =	swait.ge [sflag:s23], $0x1  }
0xa3: {  	[sflag:s23] =	ssyncset.done $0x0  }
0xa4: {  	s25 =	simm.s32 $0x1B8E;
	s24 =	sld [smem:$0x3FFE];
	[sflag:s23] =	ssyncadd.s32 $0xFFFFFFFF  }
0xa5: {  	s26 =	simm.s32 $execute0_lowered;
	[smem:$0x3FD2] =	sst s25  }
0xa6: {  	s4 =	sshll.u32 s26, $0x1;
	_ =	strace $0x80000046;
	[dreg:$0x1] =	wrdreg $0xFFFFFFFF  }
0xa7: {  	s28 =	simm.s32 $_size_execute0_lowered;
	s2 =	sadd.s32 s2, s4;
	[dreg:$0x0] =	wrdreg $0x0  }
0xa8: {  	s4 =	sshll.u32 s28, $0x1;
	[dreg:$0x2] =	wrdreg s2  }
0xa9: {  	[dreg:$0x3] =	wrdreg s4  }
0xaa: {  	[dreg:$0x4] =	wrdreg $0xC0  }
0xab: {  	_ =	task [dreg:s6], $0x5FFFF  }
0xac: {  	[dreg:$0x1] =	wrdreg $0xFFFFFFFF  }
0xad: {  	[dreg:$0x0] =	wrdreg $0x60  }
0xae: {  	[dreg:$0x2] =	wrdreg s24  }
0xaf: {  	[dreg:$0x3] =	wrdreg $0xCF000  }
0xb0: {  	[dreg:$0x4] =	wrdreg $0xA  }
0xb1: {  	_ =	task.clear_ibuf [dreg:s6], $0x5FFFF;
	_ =	strace $0x90000046  }
0xb2: {  	s29 =	simm.s32 $0xA;
	_ =	strace $0x80000048  }
0xb3: {  	_ =	swait.ge [sflag:s29], $0x1  }
0xb4: {  	[sflag:s29] =	ssyncadd.s32 $0xFFFFFFFF  }
0xb5: {  	_ =	strace $0x90000048  }
0xb6: {  	_ =	sfence  }
0xb7: {  	s30 =	sld [smem:$0x0];
	_ =	sdelay $0x2  }
0xb8: {  	s31 =	sshll.u32 s1, $0xD;
	s1 =	sshrl.u32 s1, $0x2  }
0xb9: {  	s3 =	sand.u32 $0x4000, s31;
	s1 =	sadd.s32 s1, s30  }
0xba: {  	s0 =	sor.u32 s3, s0;
	s1 =	sshll.u32 s1, $0x11  }
0xbb: {  	s0 =	sor.u32 s1, s0  }
0xbc: {  	s0 =	sadd.s32 $0x8F2B, s0  }
0xbd: {  	[sflag:s0] =	ssyncadd.remote.s32 $0x1  }
0xbe: {  	_ =	sfence.sel $0xFFFF  }
0xbf: {  	[dreg:$0x0] =	wrdreg $0xFFFFFFFF;
	(pc) =	sbr.abs _section_cstart, $3  }
0xc0: {  	[dreg:$0x1] =	wrdreg $0xFFFFFFFF  }
0xc1: {  	_ =	task.clear_ibuf [dreg:s6], $0x2FFFF;
	_ =	strace $0x9FFFFFFF  }
0xc2: {  	(tm) =	ssettm $0x7FFFFFFF  }
0xc3: {  	_ =	shalt  }
tec
execute0_lowered:
.L_overlay_start_1:
0x0: {  	(tag) =	ssettag $0x1  }
0x1: {  	s0 =	rddreg [dreg:$0x0]  }
0x2: {  	s2 =	rddreg [dreg:$0x1];
	s1 =	srdreg.scid  }
0x3: {  	s9 =	stileid.u32;
	s3 =	simm.s32 $0x0;
	s18 =	simm.s32 $0x4F00  }
0x4: {  	s19 =	simm.s32 $0x5;
	s22 =	simm.s32 $0x80;
	s28 =	simm.s32 $0x4  }
0x5: {  	s29 =	simm.s32 $0x2;
	s30 =	simm.s32 $0x6F00;
	s7 =	smul.u32 $0x9E00, s9  }
0x6: {  	s1 =	sand.u32 $0x1, s1;
	[smem:$0x7FF] =	sst s3;
	s25 =	smul.u32 $0x27800, s9  }
0x7: {  	s14 =	sadd.s32 $0x29C08, s0;
	s4 =	sshll.u32 s1, $0x4;
	s5 =	smul.u32 $0x9E000, s1  }
0x8: {  	_ =	strace $0x80000047;
	s1 =	ssub.s32 $0x2, s1;
	s12 =	sor.u32 s9, s4  }
0x9: {  	s4 =	sadd.s32 $0x2600, s0;
	s31 =	sshrl.u32 s1, $0x1;
	s6 =	smul.u32 $0x4F0, s12  }
0xa: {  	s8 =	sadd.s32 s7, s5;
	s5 =	smul.u32 $0x2780, s12;
	s1 =	ssub.s32 s1, s31  }
0xb: {  	s7 =	sadd.s32 s7, s2;
	s15 =	smul.u32 $0x27800, s12;
	s24 =	sshrl.u32 s8, $0x3  }
0xc: {  	s8 =	sshrl.u32 s25, $0x2;
	s17 =	smax.u32 s1, $0x1;
	s25 =	simm.s32 $0x1  }
0xd: {  	s13 =	sadd.s32 s6, s0;
	s16 =	sadd.s32 s24, s0;
	s26 =	ssub.s32 $0x4E200, s5  }
.Ltmp0:
0xe: {  	s11 =	sadd.s32 s8, s2;
	s15 =	sadd.s32 s15, s14;
	(pc) =	sbr.rel .LBB2_1-.Ltmp0, $4  }
0xf: {  	s24 =	simm.s32 $0x3;
	s6 =	sshrl.u32 s26, $0x7;
	s8 =	sadd.s32 $0x2000, s11  }
0x10: {  	s9 =	sadd.s32 $0x4000, s11;
	s10 =	sadd.s32 $0x6000, s11;
	s11 =	sadd.s32 $0x8000, s11  }
0x11: {  	s12 =	sadd.s32 $0x1FE00, s13;
	s13 =	sadd.s32 $0x16000, s13;
	s16 =	sadd.s32 $0x50BC00, s16  }
0x12: {  	v0 =	vimm.f32 $0.0e+00;
	s26 =	simm.s32 $0x6;
	s6 =	smin.u32 s6, $0x4F;
	[dreg:$0x3] =	wrdreg s8  }
.LBB2_13:
0x13: {  	s0 =	stileid.u32;
	s3 =	sadd.s32 $0x1, s3  }
0x14: {  	[bflag:$0x0] =	sbarrier.arrive $0xFFFF;
	s0 =	sshll.u32 s0, $0x6;
	p0 =	sne.s32 s3, s17  }
.Ltmp1:
0x15: {  	s1 =	sshrl.u32 s7, $0x3;
	s0 =	sor.u32 $0x1C05, s0;
	(pc) =	sbr.rel @!p0 .LBB2_14-.Ltmp1, $4  }
0x16: {  	[hbm:s16], [sflag:s0] =	dma.local [spmem:s1], $0x13C0  }
0x17: {  	_ =	swait.ge [sflag:s19], $0x13C0  }
0x18: {  	[sflag:s19] =	ssyncset.done $0x0  }
0x19: {  	[sflag:s19] =	ssyncadd.s32 $0xFFFFEC40  }
.LBB2_1:
0x1a: {  	s1 =	simm.s32 $0x100;
	s0 =	simm.s32 $0x0  }
.LBB2_2:
0x1b: {  	p0 =	sne.s32 s1, $0x7F00;
	[tilespmem:s0+$0x4F30] =	vst v0;
	s20 =	smov.u32 s1;
	s1 =	sadd.s32 $0x100, s1  }
.Ltmp2:
0x1c: {  	[tilespmem:s0+$0x4F20] =	vst v0;
	(pc) =	sbr.rel @p0 .LBB2_2-.Ltmp2, $3  }
0x1d: {  	[tilespmem:s0+$0x4F00] =	vst v0  }
0x1e: {  	[tilespmem:s0+$0x4F10] =	vst v0;
	_ =	sdelay $0x1  }
0x1f: {  	s0 =	sshra.s32 s20, $0x2  }
0x20: {  	[tilespmem:s0+$0x4F30] =	vst v0  }
0x21: {  	[tilespmem:s0+$0x4F20] =	vst v0  }
0x22: {  	[tilespmem:s0+$0x4F00] =	vst v0  }
0x23: {  	[tilespmem:s0+$0x4F10] =	vst v0  }
0x24: {  	[spmem:s7] =	stream.linear.scatter [tilespmem:s18], [sflag:$0x5], $0x2000, $0x38;
	[tilespmem:$0x16D00] =	vst v63  }
0x25: {  	_ =	swait.ge [sflag:s19], $0x2000  }
0x26: {  	[sflag:s19] =	ssyncset.done $0x0  }
0x27: {  	s20 =	rddreg [dreg:$0x3];
	[sflag:s19] =	ssyncadd.s32 $0xFFFFE000  }
0x28: {  	[spmem:s20] =	stream.linear.scatter [tilespmem:s18], [sflag:$0x5], $0x2000, $0x38;
	[tilespmem:$0x16D00] =	vst v63  }
0x29: {  	_ =	swait.ge [sflag:s19], $0x2000  }
0x2a: {  	[sflag:s19] =	ssyncset.done $0x0  }
0x2b: {  	[sflag:s19] =	ssyncadd.s32 $0xFFFFE000  }
0x2c: {  	[spmem:s9] =	stream.linear.scatter [tilespmem:s18], [sflag:$0x5], $0x2000, $0x38;
	[tilespmem:$0x16D00] =	vst v63  }
0x2d: {  	_ =	swait.ge [sflag:s19], $0x2000  }
0x2e: {  	[sflag:s19] =	ssyncset.done $0x0  }
0x2f: {  	[sflag:s19] =	ssyncadd.s32 $0xFFFFE000  }
0x30: {  	[spmem:s10] =	stream.linear.scatter [tilespmem:s18], [sflag:$0x5], $0x2000, $0x38;
	[tilespmem:$0x16D00] =	vst v63  }
0x31: {  	_ =	swait.ge [sflag:s19], $0x2000  }
0x32: {  	[sflag:s19] =	ssyncset.done $0x0  }
0x33: {  	[sflag:s19] =	ssyncadd.s32 $0xFFFFE000  }
0x34: {  	[spmem:s11] =	stream.linear.scatter [tilespmem:s18], [sflag:$0x5], $0x1E00, $0x38;
	[tilespmem:$0x16D00] =	vst v63  }
0x35: {  	_ =	swait.ge [sflag:s19], $0x1E00  }
0x36: {  	[sflag:s19] =	ssyncset.done $0x0  }
0x37: {  	[sflag:s19] =	ssyncadd.s32 $0xFFFFE200  }
0x38: {  	s31 =	simm.s32 $0x0;
	[bflag:$0x0] =	sbarrier.arrive $0xFFFF  }
0x39: {  	[tilespmem:s31], [sflag:$0x5] =	stream.linear.gather [hbm4b:s12+s31], $0x2780, $0x38;
	[tilespmem:$0x16D00] =	vst v63  }
0x3a: {  	_ =	swait.ge [sflag:s19], $0x2780  }
0x3b: {  	[sflag:s19] =	ssyncset.done $0x0  }
0x3c: {  	s21 =	simm.s32 $0x2780;
	[sflag:s19] =	ssyncadd.s32 $0xFFFFD880  }
0x3d: {  	[tilespmem:s21], [sflag:$0x5] =	stream.linear.gather [hbm4b:s13+s31], $0x2780, $0x38;
	[tilespmem:$0x16D00] =	vst v63  }
0x3e: {  	_ =	swait.ge [sflag:s19], $0x2780  }
.Ltmp3:
0x3f: {  	[sflag:s19] =	ssyncset.done $0x0;
	(pc) =	sbr.rel .LBB2_4-.Ltmp3, $4  }
0x40: {  	s23 =	simm.s32 $0x40;
	s1 =	simm.s32 $0x8F00;
	[sflag:s19] =	ssyncadd.s32 $0xFFFFD880  }
0x41: {  	[tilespmem:s1], [sflag:$0x3] =	stream.strided.gather [hbm4b:s15+s23], $0x2000, s22, s23, $0x38;
	[tilespmem:$0x16D00] =	vst v63  }
0x42: {  	_ = 	snop  }
0x43: {  	[tilespmem:s18], [sflag:$0x1] =	stream.indirect.gather [hbm4b:s4+s22], $0x40, s31, s22, $0xb8;
	[tilespmem:$0x16D00] =	vst v63  }
.LBB2_12:
0x44: {  	s31 =	sadd.s32 $0x1, s31  }
0x45: {  	p0 =	sne.s32 s31, $0x28  }
.Ltmp4:
0x46: {  	_ = 	snop;
	(pc) =	sbr.rel @!p0 .LBB2_13-.Ltmp4, $1  }
0x47: {  	_ =	sdelay $0x3  }
.LBB2_4:
0x48: {  	s0 =	sshllo.u32 s31, $0x1  }
0x49: {  	p0 =	sge.u32 s0, s6  }
0x4a: {  	s20 =	sshll.u32 @!p0 s0, $0x7  }
0x4b: {  	s1 =	sadd.s32 @!p0 s5, s20  }
0x4c: {  	s1 =	sshll.u32 @!p0 s1, $0x4  }
0x4d: {  	s21 =	simm.s32 @!p0 $0x40;
	s1 =	sand.u32 @!p0 $0x1FFFF800, s1  }
0x4e: {  	s23 =	simm.s32 @!p0 $0x80;
	s8 =	simm.s32 @!p0 $0xAF00;
	s1 =	sadd.s32 @!p0 s1, s14  }
0x4f: {  	[tilespmem:s8], [sflag:$0x4] =	stream.strided.gather @!p0 [hbm4b:s1+s21], $0x2000, s23, s21, $0x38;
	[tilespmem:$0x16D00] =	vst v63  }
0x50: {  	s1 =	sshll.u32 s31, $0x1  }
0x51: {  	p1 =	sge.u32 s1, s6  }
.Ltmp5:
0x52: {  	_ = 	snop;
	(pc) =	sbr.rel @p1 .LBB2_8-.Ltmp5, $3  }
0x53: {  	_ =	sdelay $0x1  }
0x54: {  	s8 =	simm.s32 @!p0 $0x6F00  }
0x55: {  	[tilespmem:s8], [sflag:$0x2] =	stream.indirect.gather @!p0 [hbm4b:s4+s23], $0x40, s20, s23, $0xb8;
	[tilespmem:$0x16D00] =	vst v63  }
0x56: {  	_ =	swait.ge [sflag:s24], $0x2000  }
0x57: {  	[sflag:s24] =	ssyncset.done $0x0  }
0x58: {  	[sflag:s24] =	ssyncadd.s32 $0xFFFFE000  }
0x59: {  	_ =	swait.ge [sflag:s25], $0x2000  }
0x5a: {  	[sflag:s25] =	ssyncset.done $0x0  }
0x5b: {  	s20 =	simm.s32 $0x0;
	[sflag:s25] =	ssyncadd.s32 $0xFFFFE000  }
0x5c: {  	v6 =	vld [tilespmem:s20+$0x8F00]  }
0x5d: {  	v7 =	vld [tilespmem:s20+$0x8F10]  }
0x5e: {  	v2 =	vld [tilespmem:s20+$0x8F20]  }
0x5f: {  	v1 =	vld [tilespmem:s20+$0x8F30]  }
0x60: {  	v3 =	vld [tilespmem:s20+$0x4F00]  }
0x61: {  	v5 =	vld [tilespmem:s20+$0x4F10]  }
0x62: {  	s21 =	simm.s32 $0x100;
	v4 =	vld [tilespmem:s20+$0x4F20]  }
.LBB2_6:
0x63: {  	s8 =	sshra.s32 s21, $0x2;
	p1 =	sne.s32 s21, $0x7F00;
	v8 =	vld [tilespmem:s20+$0x4F30];
	v9 =	vmov v2  }
0x64: {  	v10 =	vld [tilespmem:s8+$0x8F00];
	v11 =	vmov v1  }
0x65: {  	v12 =	vld [tilespmem:s8+$0x8F10];
	v3 =	vmul.f32 v6, v3  }
.Ltmp6:
0x66: {  	v2 =	vld [tilespmem:s8+$0x8F20];
	v5 =	vmul.f32 v7, v5;
	(pc) =	sbr.rel @p1 .LBB2_6-.Ltmp6, $4  }
0x67: {  	v1 =	vld [tilespmem:s8+$0x8F30];
	[tilespmem:s20+$0x4F00] =	vst v3;
	v4 =	vmul.f32 v9, v4  }
0x68: {  	v3 =	vld [tilespmem:s8+$0x4F00];
	[tilespmem:s20+$0x4F10] =	vst v5;
	v8 =	vmul.f32 v11, v8  }
0x69: {  	v5 =	vld [tilespmem:s8+$0x4F10];
	[tilespmem:s20+$0x4F20] =	vst v4;
	v6 =	vmov v10  }
0x6a: {  	s21 =	sadd.s32 $0x100, s21;
	v4 =	vld [tilespmem:s8+$0x4F20];
	[tilespmem:s20+$0x4F30] =	vst v8;
	v7 =	vmov v12;
	s20 =	smov.u32 s8  }
0x6b: {  	v8 =	vld [tilespmem:s20+$0x4F30];
	_ =	sdelay $0x1  }
0x6c: {  	v3 =	vmul.f32 v6, v3  }
0x6d: {  	v5 =	vmul.f32 v7, v5  }
0x6e: {  	[tilespmem:s20+$0x4F00] =	vst v3;
	v2 =	vmul.f32 v2, v4  }
0x6f: {  	s8 =	sshll.u32 s31, $0x8;
	[tilespmem:s20+$0x4F10] =	vst v5;
	v1 =	vmul.f32 v1, v8  }
0x70: {  	s8 =	sand.u32 $0x3FFFFF00, s8;
	[tilespmem:s20+$0x4F20] =	vst v2  }
0x71: {  	s8 =	sadd.s32 $0x2780, s8;
	[tilespmem:s20+$0x4F30] =	vst v1  }
0x72: {  	[spmem:s2] =	stream.indirect.scatter.add.f32 [tilespmem:s18], [sflag:$0x6], $0x40, s8, s22, $0xb8;
	[tilespmem:$0x16D00] =	vst v63  }
0x73: {  	_ =	swait.ge [sflag:s26], $0x2000  }
0x74: {  	[sflag:s26] =	ssyncset.done $0x0  }
0x75: {  	[sflag:s26] =	ssyncadd.s32 $0xFFFFE000  }
.LBB2_8:
0x76: {  	s1 =	sadd.s32 $0x2, s1  }
0x77: {  	p1 =	sge.u32 s1, s6  }
0x78: {  	s1 =	sshll.u32 @!p1 s1, $0x7  }
0x79: {  	s8 =	sadd.s32 @!p1 s5, s1  }
0x7a: {  	s8 =	sshll.u32 @!p1 s8, $0x4  }
.Ltmp7:
0x7b: {  	s20 =	simm.s32 @!p1 $0x40;
	s8 =	sand.u32 @!p1 $0x1FFFF800, s8;
	(pc) =	sbr.rel @p0 .LBB2_12-.Ltmp7, $4  }
0x7c: {  	s21 =	simm.s32 @!p1 $0x80;
	s23 =	simm.s32 @!p1 $0x8F00;
	s8 =	sadd.s32 @!p1 s8, s14  }
0x7d: {  	[tilespmem:s23], [sflag:$0x3] =	stream.strided.gather @!p1 [hbm4b:s8+s20], $0x2000, s21, s20, $0x38;
	[tilespmem:$0x16D00] =	vst v63  }
0x7e: {  	s8 =	simm.s32 @!p1 $0x4F00  }
0x7f: {  	[tilespmem:s8], [sflag:$0x1] =	stream.indirect.gather @!p1 [hbm4b:s4+s21], $0x40, s1, s21, $0xb8;
	[tilespmem:$0x16D00] =	vst v63  }
0x80: {  	_ =	swait.ge [sflag:s28], $0x2000  }
0x81: {  	[sflag:s28] =	ssyncset.done $0x0  }
0x82: {  	[sflag:s28] =	ssyncadd.s32 $0xFFFFE000  }
0x83: {  	_ =	swait.ge [sflag:s29], $0x2000  }
0x84: {  	[sflag:s29] =	ssyncset.done $0x0  }
0x85: {  	s1 =	simm.s32 $0x0;
	[sflag:s29] =	ssyncadd.s32 $0xFFFFE000  }
0x86: {  	v6 =	vld [tilespmem:s1+$0xAF00]  }
0x87: {  	v7 =	vld [tilespmem:s1+$0xAF10]  }
0x88: {  	v2 =	vld [tilespmem:s1+$0xAF20]  }
0x89: {  	v1 =	vld [tilespmem:s1+$0xAF30]  }
0x8a: {  	v3 =	vld [tilespmem:s1+$0x6F00]  }
0x8b: {  	v5 =	vld [tilespmem:s1+$0x6F10]  }
0x8c: {  	s20 =	simm.s32 $0x100;
	v4 =	vld [tilespmem:s1+$0x6F20]  }
.LBB2_10:
0x8d: {  	s8 =	sshra.s32 s20, $0x2;
	p0 =	sne.s32 s20, $0x7F00;
	v8 =	vld [tilespmem:s1+$0x6F30];
	v9 =	vmov v2  }
0x8e: {  	v10 =	vld [tilespmem:s8+$0xAF00];
	v11 =	vmov v1  }
0x8f: {  	v12 =	vld [tilespmem:s8+$0xAF10];
	v3 =	vmul.f32 v6, v3  }
.Ltmp8:
0x90: {  	v2 =	vld [tilespmem:s8+$0xAF20];
	v5 =	vmul.f32 v7, v5;
	(pc) =	sbr.rel @p0 .LBB2_10-.Ltmp8, $4  }
0x91: {  	v1 =	vld [tilespmem:s8+$0xAF30];
	[tilespmem:s1+$0x6F00] =	vst v3;
	v4 =	vmul.f32 v9, v4  }
0x92: {  	v3 =	vld [tilespmem:s8+$0x6F00];
	[tilespmem:s1+$0x6F10] =	vst v5;
	v8 =	vmul.f32 v11, v8  }
0x93: {  	v5 =	vld [tilespmem:s8+$0x6F10];
	[tilespmem:s1+$0x6F20] =	vst v4;
	v6 =	vmov v10  }
0x94: {  	s20 =	sadd.s32 $0x100, s20;
	v4 =	vld [tilespmem:s8+$0x6F20];
	[tilespmem:s1+$0x6F30] =	vst v8;
	v7 =	vmov v12;
	s1 =	smov.u32 s8  }
0x95: {  	v8 =	vld [tilespmem:s1+$0x6F30];
	_ =	sdelay $0x1  }
0x96: {  	v3 =	vmul.f32 v6, v3  }
0x97: {  	v5 =	vmul.f32 v7, v5  }
0x98: {  	[tilespmem:s1+$0x6F00] =	vst v3;
	v2 =	vmul.f32 v2, v4  }
0x99: {  	s0 =	sshll.u32 s0, $0x7;
	[tilespmem:s1+$0x6F10] =	vst v5;
	v1 =	vmul.f32 v1, v8  }
0x9a: {  	s0 =	sand.u32 $0x3FFFFF80, s0;
	[tilespmem:s1+$0x6F20] =	vst v2  }
.Ltmp9:
0x9b: {  	s0 =	sadd.s32 $0x2780, s0;
	[tilespmem:s1+$0x6F30] =	vst v1;
	(pc) =	sbr.rel .LBB2_12-.Ltmp9, $4  }
0x9c: {  	[spmem:s2] =	stream.indirect.scatter.add.f32 [tilespmem:s30], [sflag:$0x5], $0x40, s0, s22, $0xb8;
	[tilespmem:$0x16D00] =	vst v63  }
0x9d: {  	_ =	swait.ge [sflag:s19], $0x2000  }
0x9e: {  	[sflag:s19] =	ssyncset.done $0x0  }
0x9f: {  	[sflag:s19] =	ssyncadd.s32 $0xFFFFE000  }
.LBB2_14:
0xa0: {  	_ =	sfence.sel $0x180000  }
0xa1: {  	[bflag:$0x0] =	sbarrier.arrive $0xFFFF  }
0xa2: {  	_ =	strace $0x90000047  }
0xa3: {  	s0 =	stileid.u32;
	[bflag:$0x2] =	sbarrier.arrive $0xFFFF  }
0xa4: {  	p0 =	sne.s32 s0, $0x0;
	s0 =	rddreg [dreg:$0x2]  }
0xa5: {  	s0 =	sadd.s32 @!p0 $0x100000, s0  }
0xa6: {  	[sflag:s0] =	ssyncadd.tile.s32 @!p0 $0x1;
	_ =	shalt  }
.Lfunc_end2:
_tile_overlayer_lowered:
.L_overlay_start_2:
0xa7: {  	(tag) =	ssettag $0x2  }
0xa8: {  	s0 =	rddreg [dreg:$0x0];
	s2 =	stileid.u32  }
0xa9: {  	s1 =	rddreg [dreg:$0x1];
	p0 =	sne.s32 s2, $0x0  }
0xaa: {  	s3 =	rddreg [dreg:$0x2];
	[bflag:$0x3] =	sbarrier.arrive $0xFFFF;
	s2 =	simm.s32 @!p0 $0x1C05  }
0xab: {  	[timem:s3], [sflag:s2] =	dma.local @!p0 [hbm:s0], s1  }
0xac: {  	s0 =	simm.s32 @!p0 $0x5  }
0xad: {  	_ =	swait.ge @!p0 [sflag:s0], s1  }
0xae: {  	s1 =	ssub.s32 @!p0 $0x0, s1;
	[sflag:s0] =	ssyncset.done @!p0 $0x0  }
0xaf: {  	[sflag:s0] =	ssyncadd.s32 @!p0 s1  }
0xb0: {  	[bflag:$0x3] =	sbarrier.arrive $0xFFFF  }
0xb1: {  	_ =	shalt  }

// kernel: kernel.7.cloned.1.call-start
scs
__scs_entry_jumppad:
0x0: {  	(pc) =	sbr.rel $0x88, $3  }
0x1: {  	(tag) =	ssettag $0x0;
	lr =	simm.s32 $0x1  }
0x2: {  	[smem:$0x3F95] =	sst lr;
	_ =	strace $0xD0000000  }
0x3: {  	_ = 	snop  }
0x4: {  	_ = 	snop  }
0x5: {  	_ = 	snop  }
0x6: {  	_ = 	snop  }
0x7: {  	_ = 	snop  }
__scs_overlays_trampoline_lowered:
0x8: {  	[smem:$0x3FA4] =	sst s0  }
0x9: {  	[smem:$0x3FA5] =	sst s1  }
0xa: {  	[smem:$0x3FA6] =	sst s2  }
0xb: {  	[smem:$0x3FA7] =	sst s3  }
0xc: {  	[smem:$0x3FA8] =	sst s4  }
0xd: {  	[smem:$0x3FA9] =	sst s5  }
0xe: {  	[smem:$0x3FAA] =	sst s6  }
0xf: {  	[smem:$0x3FAB] =	sst s7  }
0x10: {  	[smem:$0x3FAC] =	sst s8  }
0x11: {  	[smem:$0x3FAD] =	sst s9;
	s0 =	simm.s32 @!p0 $0x0  }
0x12: {  	s1 =	sld [smem:$0x3F93];
	s0 =	simm.s32 @p0 $0x1  }
0x13: {  	[smem:$0x3FAE] =	sst s0;
	s0 =	simm.s32 @!p1 $0x0  }
0x14: {  	s2 =	sld [smem:$0x3F92];
	s0 =	simm.s32 @p1 $0x1  }
0x15: {  	[smem:$0x3FAF] =	sst s0;
	s0 =	simm.s32 @!p2 $0x0  }
0x16: {  	s3 =	sld [smem:$0x3FDB];
	s0 =	simm.s32 @p2 $0x1  }
0x17: {  	s4 =	simm.s32 $0x1BF5;
	[smem:$0x3FB1] =	sst s0  }
0x18: {  	s0 =	sld [smem:$0x3F94];
	_ =	swait.ge [sflag:s4], $0x0  }
0x19: {  	s7 =	sld [smem:$0x3F95]  }
0x1a: {  	s8 =	sadd.s32 $0xFFFFE003, lr  }
0x1b: {  	s9 =	sadd.s32 $0xFFFFFEF7, lr;
	s5 =	simm.s32 $0xFFFFFFFF;
	p2 =	slt.u32 s8, $0xFFFFF086  }
0x1c: {  	p1 =	slt.u32 s9, $0xF7A;
	s5 =	simm.s32 @!p2 $0x0  }
0x1d: {  	s5 =	simm.s32 @p1 $0x1;
	p0 =	seq.s32 s7, s2  }
0x1e: {  	s7 =	smul.u32 @!p0 $0xF7A, s2;
	p2 =	seq.s32 @!p0 s5, $0x0  }
0x1f: {  	s9 =	smul.u32 $0xF7A, s1;
	s8 =	simm.s32 @!p0 $0x1BF5;
	p2 =	por !p2, p0  }
0x20: {  	[sflag:s8] =	ssyncset.s32 @!p0 $0xFFFFF086;
	s6 =	sadd.s32 @!p0 s3, s7;
	s7 =	simm.s32 @!p0 $0x108  }
0x21: {  	s3 =	sadd.s32 s3, s9;
	s6 =	sadd.s32 @!p0 $0x88, s6;
	s7 =	simm.s32 @p2 $0x1082  }
0x22: {  	[simem:s7], [sflag:s8] =	dma.local @!p0 [hbm:s6], $0xF7A  }
0x23: {  	s9 =	sor.u32 $0xD0000000, s2;
	s6 =	simm.s32 $0x108;
	_ =	swait.ge @!p0 [sflag:s8], $0x0  }
0x24: {  	s3 =	sadd.s32 $0x88, s3;
	s6 =	simm.s32 @!p1 $0x1082;
	[sflag:s4] =	ssyncset.s32 $0xFFFFF086  }
0x25: {  	[simem:s6], [sflag:s4] =	dma.local [hbm:s3], $0xF7A  }
0x26: {  	[smem:$0x3F95] =	sst s1;
	(tag) =	ssettag s2;
	_ =	strace s9  }
0x27: {  	s1 =	sld [smem:$0x3FA5]  }
0x28: {  	s2 =	sld [smem:$0x3FA6]  }
0x29: {  	s4 =	sld [smem:$0x3FA8]  }
0x2a: {  	p0 =	seq.s32 s5, $0x0;
	s5 =	sld [smem:$0x3FA9]  }
0x2b: {  	s6 =	sld [smem:$0x3FAA]  }
0x2c: {  	s7 =	sld [smem:$0x3FAB]  }
0x2d: {  	s3 =	simm.s32 $0x108;
	s8 =	sld [smem:$0x3FAC]  }
0x2e: {  	s3 =	simm.s32 @!p0 $0x1082;
	s9 =	sld [smem:$0x3FAD]  }
0x2f: {  	lr =	sadd.s32 s0, s3;
	s0 =	sld [smem:$0x3FA4]  }
0x30: {  	s3 =	sld [smem:$0x3FA7]  }
0x31: {  	[smem:$0x3FB0] =	sst s10  }
0x32: {  	s10 =	sld [smem:$0x3FAE];
	_ =	sdelay $0x3  }
0x33: {  	p0 =	seq.s32 s10, $0x1;
	s10 =	sld [smem:$0x3FB0];
	_ =	sdelay $0x3  }
0x34: {  	[smem:$0x3FB0] =	sst s10  }
0x35: {  	s10 =	sld [smem:$0x3FAF];
	_ =	sdelay $0x3  }
0x36: {  	p1 =	seq.s32 s10, $0x1;
	s10 =	sld [smem:$0x3FB0];
	_ =	sdelay $0x3  }
0x37: {  	[smem:$0x3FB0] =	sst s10  }
0x38: {  	s10 =	sld [smem:$0x3FB1]  }
0x39: {  	_ = 	snop;
	(pc) =	sbr.ind lr, $3  }
0x3a: {  	_ = 	snop  }
0x3b: {  	_ = 	snop  }
0x3c: {  	p2 =	seq.s32 s10, $0x1;
	s10 =	sld [smem:$0x3FB0]  }
0x3d: {  	_ =	shalt  }
0x3e: {  	_ =	shalt  }
0x3f: {  	_ =	shalt  }
0x40: {  	_ =	shalt  }
0x41: {  	_ =	shalt  }
0x42: {  	_ =	shalt  }
0x43: {  	_ =	shalt  }
0x44: {  	_ =	shalt  }
0x45: {  	_ =	shalt  }
0x46: {  	_ =	shalt  }
0x47: {  	_ =	shalt  }
0x48: {  	_ =	shalt  }
0x49: {  	_ =	shalt  }
0x4a: {  	_ =	shalt  }
0x4b: {  	_ =	shalt  }
0x4c: {  	_ =	shalt  }
0x4d: {  	_ =	shalt  }
0x4e: {  	_ =	shalt  }
0x4f: {  	_ =	shalt  }
0x50: {  	_ =	shalt  }
0x51: {  	_ =	shalt  }
0x52: {  	_ =	shalt  }
0x53: {  	_ =	shalt  }
0x54: {  	_ =	shalt  }
0x55: {  	_ =	shalt  }
0x56: {  	_ =	shalt  }
0x57: {  	_ =	shalt  }
0x58: {  	_ =	shalt  }
0x59: {  	_ =	shalt  }
0x5a: {  	_ =	shalt  }
0x5b: {  	_ =	shalt  }
0x5c: {  	_ =	shalt  }
0x5d: {  	_ =	shalt  }
0x5e: {  	_ =	shalt  }
0x5f: {  	_ =	shalt  }
0x60: {  	_ =	shalt  }
0x61: {  	_ =	shalt  }
0x62: {  	_ =	shalt  }
0x63: {  	_ =	shalt  }
0x64: {  	_ =	shalt  }
0x65: {  	_ =	shalt  }
0x66: {  	_ =	shalt  }
0x67: {  	_ =	shalt  }
0x68: {  	_ =	shalt  }
0x69: {  	_ =	shalt  }
0x6a: {  	_ =	shalt  }
0x6b: {  	_ =	shalt  }
0x6c: {  	_ =	shalt  }
0x6d: {  	_ =	shalt  }
0x6e: {  	_ =	shalt  }
0x6f: {  	_ =	shalt  }
0x70: {  	_ =	shalt  }
0x71: {  	_ =	shalt  }
0x72: {  	_ =	shalt  }
0x73: {  	_ =	shalt  }
0x74: {  	_ =	shalt  }
0x75: {  	_ =	shalt  }
0x76: {  	_ =	shalt  }
0x77: {  	_ =	shalt  }
0x78: {  	_ =	shalt  }
0x79: {  	_ =	shalt  }
0x7a: {  	_ =	shalt  }
0x7b: {  	_ =	shalt  }
0x7c: {  	_ =	shalt  }
0x7d: {  	_ =	shalt  }
0x7e: {  	_ =	shalt  }
0x7f: {  	_ =	shalt  }
0x80: {  	_ =	shalt  }
0x81: {  	_ =	shalt  }
0x82: {  	_ =	shalt  }
0x83: {  	_ =	shalt  }
0x84: {  	_ =	shalt  }
0x85: {  	_ =	shalt  }
0x86: {  	_ =	shalt  }
0x87: {  	_ =	shalt  }
.Lfunc_end0:
.L_simem_size_0:
called_computation_lowered:
.L_overlay_start_0:
0x88: {  	s2 =	sld [smem:$0x3FD9]  }
0x89: {  	s3 =	sld [smem:$0x3FFE];
	_ =	sdelay $0x1  }
0x8a: {  	s1 =	srdreg.scid  }
0x8b: {  	s0 =	sand.u32 $0x1, s1  }
0x8c: {  	s17 =	sshll.u32 s0, $0xA;
	s2 =	sadd.s32 s3, s2  }
0x8d: {  	s2 =	sadd.s32 s2, s17  }
0x8e: {  	[smem:$0x3FBC] =	sst s2  }
0x8f: {  	_ = 	snop  }
0x90: {  	s18 =	sld [smem:$0x3FD0];
	(tm) =	ssettm $0x1  }
0x91: {  	s19 =	sld [smem:$0x3FFB];
	_ =	sdelay $0x3  }
0x92: {  	_ =	strace s19  }
0x93: {  	s2 =	sld [smem:$0x3FFC];
	_ =	sdelay $0x3  }
0x94: {  	_ =	strace s2  }
0x95: {  	s2 =	sld [smem:$0x3FFD];
	_ =	sdelay $0x3  }
0x96: {  	_ =	strace s2  }
0x97: {  	_ =	strace $0x8FFFFFFF  }
0x98: {  	s20 =	sld [smem:$0x3FDB];
	_ =	sdelay $0x1  }
0x99: {  	s4 =	simm.s32 $_scs_section_size  }
0x9a: {  	s5 =	simm.s32 $_size__tile_overlayer_lowered;
	s6 =	simm.s32 $_tile_overlayer_lowered  }
0x9b: {  	s7 =	simm.s32 $0x1BFF;
	s21 =	sshll.u32 s6, $0x1;
	s4 =	sadd.s32 s4, s20  }
0x9c: {  	s22 =	simm.s32 $0x0;
	s5 =	sshll.u32 s5, $0x1;
	s6 =	sadd.s32 s21, s4  }
0x9d: {  	[timem:s22], [sflag:s7] =	dma.local [hbm:s6], s5  }
0x9e: {  	_ =	swait.ge [sflag:s7], s5  }
0x9f: {  	s5 =	ssub.s32 $0x0, s5;
	[sflag:s7] =	ssyncset.done $0x0  }
0xa0: {  	[sflag:s7] =	ssyncadd.s32 s5;
	_ =	sdelay $0x1  }
0xa1: {  	s23 =	simm.s32 $0x1B8B  }
0xa2: {  	_ =	swait.ge [sflag:s23], $0x1  }
0xa3: {  	[sflag:s23] =	ssyncset.done $0x0  }
0xa4: {  	[sflag:s23] =	ssyncadd.s32 $0xFFFFFFFF  }
0xa5: {  	s5 =	sld [smem:$0x0]  }
0xa6: {  	s6 =	sand.u32 $0xFFFFFFFE, s1  }
0xa7: {  	p0 =	sne.s32 s1, s6  }
0xa8: {  	s6 =	sshll.u32 @p0 s6, $0xE  }
0xa9: {  	s6 =	sadd.s32 @p0 $0x11B8D, s6;
	s7 =	sshll.u32 @p0 s5, $0x11  }
0xaa: {  	s6 =	sor.u32 @p0 s7, s6  }
0xab: {  	[sflag:s6] =	ssyncadd.remote.s32 @p0 $0x1;
	_ =	sdelay $0x1  }
0xac: {  	s6 =	simm.s32 @p0 $0x1B8D  }
0xad: {  	_ =	swait.eq @p0 [sflag:s6], $0x1  }
0xae: {  	[sflag:s6] =	ssyncadd.s32 @p0 $0xFFFFFFFF  }
0xaf: {  	s7 =	sshll.u32 @!p0 s1, $0xE  }
0xb0: {  	s7 =	sor.u32 @!p0 $0x4000, s7;
	s6 =	simm.s32 @!p0 $0x1B8D  }
0xb1: {  	s5 =	sshll.u32 @!p0 s5, $0x11;
	s7 =	sadd.s32 @!p0 $0x11B8D, s7;
	_ =	swait.eq @!p0 [sflag:s6], $0x1  }
0xb2: {  	s5 =	sor.u32 @!p0 s5, s7;
	[sflag:s6] =	ssyncadd.s32 @!p0 $0xFFFFFFFF  }
0xb3: {  	s25 =	simm.s32 $0x1B8E;
	s24 =	sld [smem:$0x3FFE];
	[sflag:s5] =	ssyncadd.remote.s32 @!p0 $0x1  }
0xb4: {  	s26 =	simm.s32 $execute0_lowered;
	[smem:$0x3FD2] =	sst s25  }
0xb5: {  	s6 =	sshll.u32 s26, $0x1;
	_ =	strace $0x80000049;
	[dreg:$0x1] =	wrdreg $0xFFFFFFFF  }
0xb6: {  	s28 =	simm.s32 $_size_execute0_lowered;
	s4 =	sadd.s32 s4, s6;
	[dreg:$0x0] =	wrdreg $0x0  }
0xb7: {  	s6 =	sshll.u32 s28, $0x1;
	[dreg:$0x2] =	wrdreg s4  }
0xb8: {  	[dreg:$0x3] =	wrdreg s6  }
0xb9: {  	[dreg:$0x4] =	wrdreg $0xC0  }
0xba: {  	_ =	task [dreg:s22], $0x5FFFF  }
0xbb: {  	[dreg:$0x1] =	wrdreg $0xFFFFFFFF  }
0xbc: {  	[dreg:$0x0] =	wrdreg $0x60  }
0xbd: {  	[dreg:$0x2] =	wrdreg s18  }
0xbe: {  	[dreg:$0x3] =	wrdreg s24  }
0xbf: {  	[dreg:$0x4] =	wrdreg $0xCF000  }
0xc0: {  	[dreg:$0x5] =	wrdreg $0x9  }
0xc1: {  	_ =	task.clear_ibuf [dreg:s22], $0x6FFFF;
	_ =	strace $0x90000049  }
0xc2: {  	s29 =	simm.s32 $0x9;
	_ =	strace $0x8000004B  }
0xc3: {  	_ =	swait.ge [sflag:s29], $0x1  }
0xc4: {  	[sflag:s29] =	ssyncadd.s32 $0xFFFFFFFF  }
0xc5: {  	_ =	strace $0x9000004B  }
0xc6: {  	_ =	sfence  }
0xc7: {  	s30 =	sld [smem:$0x0];
	_ =	sdelay $0x2  }
0xc8: {  	s31 =	sshll.u32 s1, $0xD;
	s1 =	sshrl.u32 s1, $0x2  }
0xc9: {  	s4 =	sand.u32 $0x4000, s31;
	s1 =	sadd.s32 s1, s30  }
0xca: {  	s0 =	sor.u32 s4, s0;
	s1 =	sshll.u32 s1, $0x11  }
0xcb: {  	s0 =	sor.u32 s1, s0  }
0xcc: {  	s0 =	sadd.s32 $0x8F2B, s0  }
0xcd: {  	[sflag:s0] =	ssyncadd.remote.s32 $0x1  }
0xce: {  	_ =	sfence.sel $0xFFFF  }
0xcf: {  	[dreg:$0x0] =	wrdreg $0xFFFFFFFF;
	(pc) =	sbr.abs _section_cstart, $3  }
0xd0: {  	[dreg:$0x1] =	wrdreg $0xFFFFFFFF  }
0xd1: {  	_ =	task.clear_ibuf [dreg:s22], $0x2FFFF;
	_ =	strace $0x9FFFFFFF  }
0xd2: {  	(tm) =	ssettm $0x7FFFFFFF  }
0xd3: {  	_ =	shalt  }
tec
execute0_lowered:
.L_overlay_start_1:
0x0: {  	(tag) =	ssettag $0x1  }
0x1: {  	s2 =	rddreg [dreg:$0x0]  }
0x2: {  	s0 =	rddreg [dreg:$0x1];
	s1 =	srdreg.scid  }
0x3: {  	s3 =	rddreg [dreg:$0x2];
	s10 =	stileid.u32;
	s4 =	simm.s32 $0x0  }
0x4: {  	s18 =	simm.s32 $0x4F00;
	s19 =	simm.s32 $0x5;
	s22 =	simm.s32 $0x80  }
0x5: {  	s28 =	simm.s32 $0x4;
	s29 =	simm.s32 $0x2;
	s30 =	simm.s32 $0x6F00  }
0x6: {  	s1 =	sand.u32 $0x1, s1;
	s8 =	smul.u32 $0x9E00, s10;
	[smem:$0x7FF] =	sst s4  }
0x7: {  	s6 =	sadd.s32 $0x29C00, s0;
	s5 =	sshll.u32 s1, $0x4;
	s23 =	smul.u32 $0x9E000, s1  }
0x8: {  	s1 =	ssub.s32 $0x2, s1;
	s12 =	sor.u32 s10, s5;
	s10 =	smul.u32 $0x27800, s10  }
0x9: {  	_ =	strace $0x8000004A;
	s24 =	sshrl.u32 s1, $0x1;
	s7 =	smul.u32 $0x4F0, s12  }
0xa: {  	s9 =	sadd.s32 s8, s23;
	s5 =	smul.u32 $0x2780, s12;
	s1 =	ssub.s32 s1, s24  }
0xb: {  	s8 =	sadd.s32 s8, s3;
	s15 =	smul.u32 $0x27800, s12;
	s24 =	simm.s32 $0x3  }
0xc: {  	s9 =	sshrl.u32 s9, $0x3;
	s10 =	sshrl.u32 s10, $0x2;
	s17 =	smax.u32 s1, $0x1  }
0xd: {  	s14 =	sadd.s32 s7, s0;
	s0 =	sadd.s32 s9, s0;
	s25 =	ssub.s32 $0x4E200, s5  }
.Ltmp0:
0xe: {  	s13 =	sadd.s32 s10, s3;
	s15 =	sadd.s32 s6, s15;
	(pc) =	sbr.rel .LBB2_1-.Ltmp0, $4  }
0xf: {  	s26 =	sshrl.u32 s25, $0x7;
	s31 =	sadd.s32 $0x2000, s13;
	s10 =	sadd.s32 $0x4000, s13  }
0x10: {  	s11 =	sadd.s32 $0x6000, s13;
	s12 =	sadd.s32 $0x8000, s13;
	s13 =	sadd.s32 $0x1FE00, s14  }
0x11: {  	s14 =	sadd.s32 $0x16000, s14;
	s16 =	sadd.s32 $0x533400, s0;
	s25 =	simm.s32 $0x1  }
0x12: {  	v0 =	vimm.f32 $0.0e+00;
	s7 =	smin.u32 s26, $0x4F;
	[dreg:$0x4] =	wrdreg s31;
	s26 =	simm.s32 $0x6  }
.LBB2_13:
0x13: {  	s0 =	stileid.u32;
	s4 =	sadd.s32 $0x1, s4  }
0x14: {  	[bflag:$0x0] =	sbarrier.arrive $0xFFFF;
	s0 =	sshll.u32 s0, $0x6;
	p0 =	sne.s32 s4, s17  }
.Ltmp1:
0x15: {  	s1 =	sshrl.u32 s8, $0x3;
	s0 =	sor.u32 $0x1C05, s0;
	(pc) =	sbr.rel @!p0 .LBB2_14-.Ltmp1, $4  }
0x16: {  	[hbm:s16], [sflag:s0] =	dma.local [spmem:s1], $0x13C0  }
0x17: {  	_ =	swait.ge [sflag:s19], $0x13C0  }
0x18: {  	[sflag:s19] =	ssyncset.done $0x0  }
0x19: {  	[sflag:s19] =	ssyncadd.s32 $0xFFFFEC40  }
.LBB2_1:
0x1a: {  	s1 =	simm.s32 $0x100;
	s0 =	simm.s32 $0x0  }
.LBB2_2:
0x1b: {  	p0 =	sne.s32 s1, $0x7F00;
	[tilespmem:s0+$0x4F30] =	vst v0;
	s20 =	smov.u32 s1;
	s1 =	sadd.s32 $0x100, s1  }
.Ltmp2:
0x1c: {  	[tilespmem:s0+$0x4F20] =	vst v0;
	(pc) =	sbr.rel @p0 .LBB2_2-.Ltmp2, $3  }
0x1d: {  	[tilespmem:s0+$0x4F00] =	vst v0  }
0x1e: {  	[tilespmem:s0+$0x4F10] =	vst v0;
	_ =	sdelay $0x1  }
0x1f: {  	s0 =	sshra.s32 s20, $0x2  }
0x20: {  	[tilespmem:s0+$0x4F30] =	vst v0  }
0x21: {  	[tilespmem:s0+$0x4F20] =	vst v0  }
0x22: {  	[tilespmem:s0+$0x4F00] =	vst v0  }
0x23: {  	[tilespmem:s0+$0x4F10] =	vst v0  }
0x24: {  	[spmem:s8] =	stream.linear.scatter [tilespmem:s18], [sflag:$0x5], $0x2000, $0x38;
	[tilespmem:$0x16D00] =	vst v63  }
0x25: {  	_ =	swait.ge [sflag:s19], $0x2000  }
0x26: {  	[sflag:s19] =	ssyncset.done $0x0  }
0x27: {  	s20 =	rddreg [dreg:$0x4];
	[sflag:s19] =	ssyncadd.s32 $0xFFFFE000  }
0x28: {  	[spmem:s20] =	stream.linear.scatter [tilespmem:s18], [sflag:$0x5], $0x2000, $0x38;
	[tilespmem:$0x16D00] =	vst v63  }
0x29: {  	_ =	swait.ge [sflag:s19], $0x2000  }
0x2a: {  	[sflag:s19] =	ssyncset.done $0x0  }
0x2b: {  	[sflag:s19] =	ssyncadd.s32 $0xFFFFE000  }
0x2c: {  	[spmem:s10] =	stream.linear.scatter [tilespmem:s18], [sflag:$0x5], $0x2000, $0x38;
	[tilespmem:$0x16D00] =	vst v63  }
0x2d: {  	_ =	swait.ge [sflag:s19], $0x2000  }
0x2e: {  	[sflag:s19] =	ssyncset.done $0x0  }
0x2f: {  	[sflag:s19] =	ssyncadd.s32 $0xFFFFE000  }
0x30: {  	[spmem:s11] =	stream.linear.scatter [tilespmem:s18], [sflag:$0x5], $0x2000, $0x38;
	[tilespmem:$0x16D00] =	vst v63  }
0x31: {  	_ =	swait.ge [sflag:s19], $0x2000  }
0x32: {  	[sflag:s19] =	ssyncset.done $0x0  }
0x33: {  	[sflag:s19] =	ssyncadd.s32 $0xFFFFE000  }
0x34: {  	[spmem:s12] =	stream.linear.scatter [tilespmem:s18], [sflag:$0x5], $0x1E00, $0x38;
	[tilespmem:$0x16D00] =	vst v63  }
0x35: {  	_ =	swait.ge [sflag:s19], $0x1E00  }
0x36: {  	[sflag:s19] =	ssyncset.done $0x0  }
0x37: {  	[sflag:s19] =	ssyncadd.s32 $0xFFFFE200  }
0x38: {  	s31 =	simm.s32 $0x0;
	[bflag:$0x0] =	sbarrier.arrive $0xFFFF  }
0x39: {  	[tilespmem:s31], [sflag:$0x5] =	stream.linear.gather [hbm4b:s13+s31], $0x2780, $0x38;
	[tilespmem:$0x16D00] =	vst v63  }
0x3a: {  	_ =	swait.ge [sflag:s19], $0x2780  }
0x3b: {  	[sflag:s19] =	ssyncset.done $0x0  }
0x3c: {  	s21 =	simm.s32 $0x2780;
	[sflag:s19] =	ssyncadd.s32 $0xFFFFD880  }
0x3d: {  	[tilespmem:s21], [sflag:$0x5] =	stream.linear.gather [hbm4b:s14+s31], $0x2780, $0x38;
	[tilespmem:$0x16D00] =	vst v63  }
0x3e: {  	_ =	swait.ge [sflag:s19], $0x2780  }
.Ltmp3:
0x3f: {  	[sflag:s19] =	ssyncset.done $0x0;
	(pc) =	sbr.rel .LBB2_4-.Ltmp3, $4  }
0x40: {  	s23 =	simm.s32 $0x40;
	s1 =	simm.s32 $0x8F00;
	[sflag:s19] =	ssyncadd.s32 $0xFFFFD880  }
0x41: {  	[tilespmem:s1], [sflag:$0x3] =	stream.strided.gather [hbm4b:s15+s23], $0x2000, s22, s23, $0x38;
	[tilespmem:$0x16D00] =	vst v63  }
0x42: {  	_ = 	snop  }
0x43: {  	[tilespmem:s18], [sflag:$0x1] =	stream.indirect.gather [hbm4b:s2+s22], $0x40, s31, s22, $0xb8;
	[tilespmem:$0x16D00] =	vst v63  }
.LBB2_12:
0x44: {  	s31 =	sadd.s32 $0x1, s31  }
0x45: {  	p0 =	sne.s32 s31, $0x28  }
.Ltmp4:
0x46: {  	_ = 	snop;
	(pc) =	sbr.rel @!p0 .LBB2_13-.Ltmp4, $1  }
0x47: {  	_ =	sdelay $0x3  }
.LBB2_4:
0x48: {  	s0 =	sshllo.u32 s31, $0x1  }
0x49: {  	p0 =	sge.u32 s0, s7  }
0x4a: {  	s20 =	sshll.u32 @!p0 s0, $0x7  }
0x4b: {  	s1 =	sadd.s32 @!p0 s5, s20  }
0x4c: {  	s1 =	sshll.u32 @!p0 s1, $0x4  }
0x4d: {  	s21 =	simm.s32 @!p0 $0x40;
	s1 =	sand.u32 @!p0 $0x1FFFF800, s1  }
0x4e: {  	s23 =	simm.s32 @!p0 $0x80;
	s9 =	simm.s32 @!p0 $0xAF00;
	s1 =	sadd.s32 @!p0 s6, s1  }
0x4f: {  	[tilespmem:s9], [sflag:$0x4] =	stream.strided.gather @!p0 [hbm4b:s1+s21], $0x2000, s23, s21, $0x38;
	[tilespmem:$0x16D00] =	vst v63  }
0x50: {  	s1 =	sshll.u32 s31, $0x1  }
0x51: {  	p1 =	sge.u32 s1, s7  }
.Ltmp5:
0x52: {  	_ = 	snop;
	(pc) =	sbr.rel @p1 .LBB2_8-.Ltmp5, $3  }
0x53: {  	_ =	sdelay $0x1  }
0x54: {  	s9 =	simm.s32 @!p0 $0x6F00  }
0x55: {  	[tilespmem:s9], [sflag:$0x2] =	stream.indirect.gather @!p0 [hbm4b:s2+s23], $0x40, s20, s23, $0xb8;
	[tilespmem:$0x16D00] =	vst v63  }
0x56: {  	_ =	swait.ge [sflag:s24], $0x2000  }
0x57: {  	[sflag:s24] =	ssyncset.done $0x0  }
0x58: {  	[sflag:s24] =	ssyncadd.s32 $0xFFFFE000  }
0x59: {  	_ =	swait.ge [sflag:s25], $0x2000  }
0x5a: {  	[sflag:s25] =	ssyncset.done $0x0  }
0x5b: {  	s20 =	simm.s32 $0x0;
	[sflag:s25] =	ssyncadd.s32 $0xFFFFE000  }
0x5c: {  	v6 =	vld [tilespmem:s20+$0x8F00]  }
0x5d: {  	v7 =	vld [tilespmem:s20+$0x8F10]  }
0x5e: {  	v2 =	vld [tilespmem:s20+$0x8F20]  }
0x5f: {  	v1 =	vld [tilespmem:s20+$0x8F30]  }
0x60: {  	v3 =	vld [tilespmem:s20+$0x4F00]  }
0x61: {  	v5 =	vld [tilespmem:s20+$0x4F10]  }
0x62: {  	s21 =	simm.s32 $0x100;
	v4 =	vld [tilespmem:s20+$0x4F20]  }
.LBB2_6:
0x63: {  	s9 =	sshra.s32 s21, $0x2;
	p1 =	sne.s32 s21, $0x7F00;
	v8 =	vld [tilespmem:s20+$0x4F30];
	v9 =	vmov v2  }
0x64: {  	v10 =	vld [tilespmem:s9+$0x8F00];
	v11 =	vmov v1  }
0x65: {  	v12 =	vld [tilespmem:s9+$0x8F10];
	v3 =	vmul.f32 v6, v3  }
.Ltmp6:
0x66: {  	v2 =	vld [tilespmem:s9+$0x8F20];
	v5 =	vmul.f32 v7, v5;
	(pc) =	sbr.rel @p1 .LBB2_6-.Ltmp6, $4  }
0x67: {  	v1 =	vld [tilespmem:s9+$0x8F30];
	[tilespmem:s20+$0x4F00] =	vst v3;
	v4 =	vmul.f32 v9, v4  }
0x68: {  	v3 =	vld [tilespmem:s9+$0x4F00];
	[tilespmem:s20+$0x4F10] =	vst v5;
	v8 =	vmul.f32 v11, v8  }
0x69: {  	v5 =	vld [tilespmem:s9+$0x4F10];
	[tilespmem:s20+$0x4F20] =	vst v4;
	v6 =	vmov v10  }
0x6a: {  	s21 =	sadd.s32 $0x100, s21;
	v4 =	vld [tilespmem:s9+$0x4F20];
	[tilespmem:s20+$0x4F30] =	vst v8;
	v7 =	vmov v12;
	s20 =	smov.u32 s9  }
0x6b: {  	v8 =	vld [tilespmem:s20+$0x4F30];
	_ =	sdelay $0x1  }
0x6c: {  	v3 =	vmul.f32 v6, v3  }
0x6d: {  	v5 =	vmul.f32 v7, v5  }
0x6e: {  	[tilespmem:s20+$0x4F00] =	vst v3;
	v2 =	vmul.f32 v2, v4  }
0x6f: {  	s9 =	sshll.u32 s31, $0x8;
	[tilespmem:s20+$0x4F10] =	vst v5;
	v1 =	vmul.f32 v1, v8  }
0x70: {  	s9 =	sand.u32 $0x3FFFFF00, s9;
	[tilespmem:s20+$0x4F20] =	vst v2  }
0x71: {  	s9 =	sadd.s32 $0x2780, s9;
	[tilespmem:s20+$0x4F30] =	vst v1  }
0x72: {  	[spmem:s3] =	stream.indirect.scatter.add.f32 [tilespmem:s18], [sflag:$0x6], $0x40, s9, s22, $0xb8;
	[tilespmem:$0x16D00] =	vst v63  }
0x73: {  	_ =	swait.ge [sflag:s26], $0x2000  }
0x74: {  	[sflag:s26] =	ssyncset.done $0x0  }
0x75: {  	[sflag:s26] =	ssyncadd.s32 $0xFFFFE000  }
.LBB2_8:
0x76: {  	s1 =	sadd.s32 $0x2, s1  }
0x77: {  	p1 =	sge.u32 s1, s7  }
0x78: {  	s1 =	sshll.u32 @!p1 s1, $0x7  }
0x79: {  	s9 =	sadd.s32 @!p1 s5, s1  }
0x7a: {  	s9 =	sshll.u32 @!p1 s9, $0x4  }
.Ltmp7:
0x7b: {  	s20 =	simm.s32 @!p1 $0x40;
	s9 =	sand.u32 @!p1 $0x1FFFF800, s9;
	(pc) =	sbr.rel @p0 .LBB2_12-.Ltmp7, $4  }
0x7c: {  	s21 =	simm.s32 @!p1 $0x80;
	s23 =	simm.s32 @!p1 $0x8F00;
	s9 =	sadd.s32 @!p1 s6, s9  }
0x7d: {  	[tilespmem:s23], [sflag:$0x3] =	stream.strided.gather @!p1 [hbm4b:s9+s20], $0x2000, s21, s20, $0x38;
	[tilespmem:$0x16D00] =	vst v63  }
0x7e: {  	s9 =	simm.s32 @!p1 $0x4F00  }
0x7f: {  	[tilespmem:s9], [sflag:$0x1] =	stream.indirect.gather @!p1 [hbm4b:s2+s21], $0x40, s1, s21, $0xb8;
	[tilespmem:$0x16D00] =	vst v63  }
0x80: {  	_ =	swait.ge [sflag:s28], $0x2000  }
0x81: {  	[sflag:s28] =	ssyncset.done $0x0  }
0x82: {  	[sflag:s28] =	ssyncadd.s32 $0xFFFFE000  }
0x83: {  	_ =	swait.ge [sflag:s29], $0x2000  }
0x84: {  	[sflag:s29] =	ssyncset.done $0x0  }
0x85: {  	s1 =	simm.s32 $0x0;
	[sflag:s29] =	ssyncadd.s32 $0xFFFFE000  }
0x86: {  	v6 =	vld [tilespmem:s1+$0xAF00]  }
0x87: {  	v7 =	vld [tilespmem:s1+$0xAF10]  }
0x88: {  	v2 =	vld [tilespmem:s1+$0xAF20]  }
0x89: {  	v1 =	vld [tilespmem:s1+$0xAF30]  }
0x8a: {  	v3 =	vld [tilespmem:s1+$0x6F00]  }
0x8b: {  	v5 =	vld [tilespmem:s1+$0x6F10]  }
0x8c: {  	s20 =	simm.s32 $0x100;
	v4 =	vld [tilespmem:s1+$0x6F20]  }
.LBB2_10:
0x8d: {  	s9 =	sshra.s32 s20, $0x2;
	p0 =	sne.s32 s20, $0x7F00;
	v8 =	vld [tilespmem:s1+$0x6F30];
	v9 =	vmov v2  }
0x8e: {  	v10 =	vld [tilespmem:s9+$0xAF00];
	v11 =	vmov v1  }
0x8f: {  	v12 =	vld [tilespmem:s9+$0xAF10];
	v3 =	vmul.f32 v6, v3  }
.Ltmp8:
0x90: {  	v2 =	vld [tilespmem:s9+$0xAF20];
	v5 =	vmul.f32 v7, v5;
	(pc) =	sbr.rel @p0 .LBB2_10-.Ltmp8, $4  }
0x91: {  	v1 =	vld [tilespmem:s9+$0xAF30];
	[tilespmem:s1+$0x6F00] =	vst v3;
	v4 =	vmul.f32 v9, v4  }
0x92: {  	v3 =	vld [tilespmem:s9+$0x6F00];
	[tilespmem:s1+$0x6F10] =	vst v5;
	v8 =	vmul.f32 v11, v8  }
0x93: {  	v5 =	vld [tilespmem:s9+$0x6F10];
	[tilespmem:s1+$0x6F20] =	vst v4;
	v6 =	vmov v10  }
0x94: {  	s20 =	sadd.s32 $0x100, s20;
	v4 =	vld [tilespmem:s9+$0x6F20];
	[tilespmem:s1+$0x6F30] =	vst v8;
	v7 =	vmov v12;
	s1 =	smov.u32 s9  }
0x95: {  	v8 =	vld [tilespmem:s1+$0x6F30];
	_ =	sdelay $0x1  }
0x96: {  	v3 =	vmul.f32 v6, v3  }
0x97: {  	v5 =	vmul.f32 v7, v5  }
0x98: {  	[tilespmem:s1+$0x6F00] =	vst v3;
	v2 =	vmul.f32 v2, v4  }
0x99: {  	s0 =	sshll.u32 s0, $0x7;
	[tilespmem:s1+$0x6F10] =	vst v5;
	v1 =	vmul.f32 v1, v8  }
0x9a: {  	s0 =	sand.u32 $0x3FFFFF80, s0;
	[tilespmem:s1+$0x6F20] =	vst v2  }
.Ltmp9:
0x9b: {  	s0 =	sadd.s32 $0x2780, s0;
	[tilespmem:s1+$0x6F30] =	vst v1;
	(pc) =	sbr.rel .LBB2_12-.Ltmp9, $4  }
0x9c: {  	[spmem:s3] =	stream.indirect.scatter.add.f32 [tilespmem:s30], [sflag:$0x5], $0x40, s0, s22, $0xb8;
	[tilespmem:$0x16D00] =	vst v63  }
0x9d: {  	_ =	swait.ge [sflag:s19], $0x2000  }
0x9e: {  	[sflag:s19] =	ssyncset.done $0x0  }
0x9f: {  	[sflag:s19] =	ssyncadd.s32 $0xFFFFE000  }
.LBB2_14:
0xa0: {  	_ =	sfence.sel $0x180000  }
0xa1: {  	[bflag:$0x0] =	sbarrier.arrive $0xFFFF  }
0xa2: {  	_ =	strace $0x9000004A  }
0xa3: {  	s0 =	stileid.u32;
	[bflag:$0x2] =	sbarrier.arrive $0xFFFF  }
0xa4: {  	p0 =	sne.s32 s0, $0x0;
	s0 =	rddreg [dreg:$0x3]  }
0xa5: {  	s0 =	sadd.s32 @!p0 $0x100000, s0  }
0xa6: {  	[sflag:s0] =	ssyncadd.tile.s32 @!p0 $0x1;
	_ =	shalt  }
.Lfunc_end2:
_tile_overlayer_lowered:
.L_overlay_start_2:
0xa7: {  	(tag) =	ssettag $0x2  }
0xa8: {  	s0 =	rddreg [dreg:$0x0];
	s2 =	stileid.u32  }
0xa9: {  	s1 =	rddreg [dreg:$0x1];
	p0 =	sne.s32 s2, $0x0  }
0xaa: {  	s3 =	rddreg [dreg:$0x2];
	[bflag:$0x3] =	sbarrier.arrive $0xFFFF;
	s2 =	simm.s32 @!p0 $0x1C05  }
0xab: {  	[timem:s3], [sflag:s2] =	dma.local @!p0 [hbm:s0], s1  }
0xac: {  	s0 =	simm.s32 @!p0 $0x5  }
0xad: {  	_ =	swait.ge @!p0 [sflag:s0], s1  }
0xae: {  	s1 =	ssub.s32 @!p0 $0x0, s1;
	[sflag:s0] =	ssyncset.done @!p0 $0x0  }
0xaf: {  	[sflag:s0] =	ssyncadd.s32 @!p0 s1  }
0xb0: {  	[bflag:$0x3] =	sbarrier.arrive $0xFFFF  }
0xb1: {  	_ =	shalt  }

</sc_bundles>
